<compile_context>
chip_gen: v7x
topology: tpu7x:2x2x1
jax: 0.10.2.dev20260603
libtpu: 0.0.44.dev20260713+nightly
codegen_flags: <defaults>
</compile_context>

<pallas_src>
import functools

import jax
import jax.numpy as jnp
from jax import lax
from jax.experimental import pallas as pl
from jax.experimental.pallas import tpu as pltpu
from jax.experimental.pallas import tpu_sc as plsc

N_TOK = 32768
DIM = 128
NSEG = 16
TILE = 16384
GRID = N_TOK // TILE
NWORK = 32
CHUNK = N_TOK // NWORK


def _leaky(x):
    return jnp.maximum(x, 0.2 * x)


def _smem_to_col(ref, n, offset=0):
    sub = lax.broadcasted_iota(jnp.int32, (n, 1), 0)
    col = jnp.zeros((n, 1), ref.dtype)
    for s in range(n):
        col = jnp.where(sub == s, ref[s + offset], col)
    return col


def _mlp_kernel(b1_ref, b2_ref, x_ref, w1_ref, w2_ref, out_ref):
    h1 = _leaky(jnp.dot(x_ref[...].astype(jnp.bfloat16),
                        w1_ref[...].astype(jnp.bfloat16),
                        preferred_element_type=jnp.float32)
                + _smem_to_col(b1_ref, 32).reshape(1, 32))
    out_ref[...] = _leaky(jnp.dot(h1.astype(jnp.bfloat16),
                                  w2_ref[...].astype(jnp.bfloat16),
                                  preferred_element_type=jnp.float32)
                          + _smem_to_col(b2_ref, NSEG).reshape(1, NSEG))


SUB = 512
NSUB = CHUNK // SUB


def _sc_segsum(h2_hbm, lo_hbm, hi_hbm, out_hbm, buf, lo_v, hi_v, acc_v):
    wid = lax.axis_index("c") * 16 + lax.axis_index("s")
    base = wid * CHUNK
    pltpu.sync_copy(lo_hbm, lo_v)
    pltpu.sync_copy(hi_hbm, hi_v)
    lo_vec = lo_v[...]
    hi_vec = hi_v[...]
    for s in range(NSEG):
        acc_v[s, :] = jnp.zeros((16,), jnp.float32)
    for j in range(NSUB):
        sub_base = base + j * SUB
        pltpu.sync_copy(h2_hbm.at[pl.ds(sub_base, SUB)], buf)
        for s in range(NSEG):
            a = jnp.maximum(lo_vec[s], sub_base)
            b = jnp.minimum(hi_vec[s], sub_base + SUB)

            def body(t, acc):
                return acc + buf[t - sub_base]

            acc = lax.fori_loop(a, b, body, jnp.zeros((16,), jnp.float32),
                                unroll=False)
            acc_v[s, :] = acc_v[s, :] + acc
    pltpu.sync_copy(acc_v, out_hbm.at[wid])


def _merge_kernel(ptr_ref, part_ref, w3_ref, b3_ref, out_ref):
    acc = jnp.sum(part_ref[...], axis=0)
    lo = _smem_to_col(ptr_ref, NSEG)
    hi = _smem_to_col(ptr_ref, NSEG, offset=1)
    cnt = (hi - lo).astype(jnp.float32)
    out_ref[...] = (
        jnp.dot(acc, w3_ref[...], preferred_element_type=jnp.float32)
        + cnt * b3_ref[...]
    )


def kernel(h_dag, obs_ptr, W1, b1, W2, b2, W3, b3):
    const = lambda i, *refs: (0, 0)
    grid_spec = pltpu.PrefetchScalarGridSpec(
        num_scalar_prefetch=2,
        grid=(GRID,),
        in_specs=[
            pl.BlockSpec((TILE, DIM), lambda i, *refs: (i, 0)),
            pl.BlockSpec((DIM, 32), const),
            pl.BlockSpec((32, 16), const),
        ],
        out_specs=pl.BlockSpec((TILE, NSEG), lambda i, *refs: (i, 0)),
        scratch_shapes=[],
    )
    h2 = pl.pallas_call(
        _mlp_kernel,
        grid_spec=grid_spec,
        out_shape=jax.ShapeDtypeStruct((N_TOK, NSEG), jnp.float32),
        compiler_params=pltpu.CompilerParams(
            dimension_semantics=("arbitrary",),
        ),
    )(b1, b2, h_dag, W1, W2)

    mesh = plsc.VectorSubcoreMesh(core_axis_name="c", subcore_axis_name="s")
    sc_call = functools.partial(
        pl.kernel, mesh=mesh,
        out_type=jax.ShapeDtypeStruct((NWORK, NSEG, 16), jnp.float32),
        scratch_types=[
            pltpu.VMEM((512, NSEG), jnp.float32),
            pltpu.VMEM((NSEG,), jnp.int32),
            pltpu.VMEM((NSEG,), jnp.int32),
            pltpu.VMEM((NSEG, 16), jnp.float32),
        ],
    )
    partials = sc_call(_sc_segsum)(h2, obs_ptr[:NSEG], obs_ptr[1:NSEG + 1])

    merge_spec = pltpu.PrefetchScalarGridSpec(
        num_scalar_prefetch=1,
        grid=(1,),
        in_specs=[
            pl.BlockSpec((NWORK, NSEG, 16), lambda i, *refs: (0, 0, 0)),
            pl.BlockSpec((16, DIM), const),
            pl.BlockSpec((1, DIM), const),
        ],
        out_specs=pl.BlockSpec((NSEG, DIM), const),
        scratch_shapes=[],
    )
    out = pl.pallas_call(
        _merge_kernel,
        grid_spec=merge_spec,
        out_shape=jax.ShapeDtypeStruct((NSEG, DIM), jnp.float32),
    )(obs_ptr, partials, W3, b3.reshape(1, DIM))
    return out

# --- scband reference (transcript-rebuilt; emitter-appended) ---
"""Pipeline reference for scband-global-encoder-69355131895819 (READ-ONLY COPY).

The authoritative reference and input builder live on the scoring server;
editing this copy changes nothing except your own understanding.
"""

import jax, jax.numpy as jnp
import numpy as np

N_TOK = 32768
DIM = 128
B = 16

def _leaky(x):
    return jnp.where(x >= 0, x, 0.2 * x)

def setup_inputs(seed: int = 0) -> dict:
    key = jax.random.key(seed)
    ks = jax.random.split(key, 8)
    h_dag = jax.random.normal(ks[0], (N_TOK, DIM), dtype=jnp.float32)
    interior = jnp.sort(jax.random.randint(ks[1], (B - 1,), 0, N_TOK))
    obs_ptr = jnp.concatenate([jnp.array([0], dtype=jnp.int32), interior.astype(jnp.int32), jnp.array([N_TOK], dtype=jnp.int32)])
    # MLP: dim_embed -> 32 -> 16 -> dim_embed with LeakyReLU(0.2) between layers
    W1 = jax.random.normal(ks[2], (DIM, 32), dtype=jnp.float32) * 0.05
    b1 = jnp.zeros((32,), dtype=jnp.float32)
    W2 = jax.random.normal(ks[3], (32, 16), dtype=jnp.float32) * 0.05
    b2 = jnp.zeros((16,), dtype=jnp.float32)
    W3 = jax.random.normal(ks[4], (16, DIM), dtype=jnp.float32) * 0.05
    b3 = jnp.zeros((DIM,), dtype=jnp.float32)
    return {"h_dag": h_dag, "obs_ptr": obs_ptr, "W1": W1, "b1": b1, "W2": W2, "b2": b2, "W3": W3, "b3": b3}

def reference(h_dag, obs_ptr, W1, b1, W2, b2, W3, b3):
    h = _leaky(h_dag @ W1 + b1)
    h = _leaky(h @ W2 + b2)
    h = h @ W3 + b3
    # segment_csr(h, obs_ptr) with sum reduction
    n = h.shape[0]
    seg_ids = jnp.searchsorted(obs_ptr[1:], jnp.arange(n), side='right')
    h_glob = jax.ops.segment_sum(h, seg_ids, num_segments=obs_ptr.shape[0] - 1)
    return h_glob

if __name__ == "__main__":
    import jax
    _d = setup_inputs()
    print(jax.jit(kernel)(*tuple(_d.values())))

</pallas_src>

<mosaic_0001>
#map = affine_map<(d0, d1) -> (0, 0)>
#map1 = affine_map<(d0, d1) -> (0)>
#map2 = affine_map<(d0, d1) -> (0, 0, 0)>
module attributes {stable_mosaic.version = 14 : i64} {
  func.func @_sc_segsum(%arg0: i32, %arg1: i32, %arg2: memref<32768x16xf32, #tpu.memory_space<hbm>>, %arg3: memref<16xi32, #tpu.memory_space<hbm>>, %arg4: memref<16xi32, #tpu.memory_space<hbm>>, %arg5: memref<32x16x16xf32, #tpu.memory_space<hbm>>, %arg6: memref<512x16xf32, #tpu.memory_space<vmem>>, %arg7: memref<16xi32, #tpu.memory_space<vmem>>, %arg8: memref<16xi32, #tpu.memory_space<vmem>>, %arg9: memref<16x16xf32, #tpu.memory_space<vmem>>) attributes {dimension_semantics = [#tpu.dimension_semantics<core_parallel>, #tpu.dimension_semantics<subcore_parallel>], iteration_bounds = array<i64: 2, 16>, scalar_prefetch = 0 : i64, scratch_operands = 4 : i64, tpu.core_type = #tpu.core_type<sc_vector_subcore>, window_params = [{transform_indices = #map}, {transform_indices = #map1}, {transform_indices = #map1}, {transform_indices = #map2}]} {
    %mul3A = arith.constant 16 : i32
    %mul3A_0 = arith.muli %arg0, %mul3A : i32
    %add3A = arith.addi %mul3A_0, %arg1 : i32
    %mul3A_1 = arith.constant 1024 : i32
    %mul3A_2 = arith.muli %add3A, %mul3A_1 : i32
    "tpu.region"() ({
      %run_scoped3A = tpu.sem_alloc : memref<!tpu.dma_semaphore, #tpu.memory_space<semaphore_mem>>
      tpu.enqueue_dma source(%arg3 : memref<16xi32, #tpu.memory_space<hbm>>) target(%arg7 : memref<16xi32, #tpu.memory_space<vmem>>) target_semaphore(%run_scoped3A : memref<!tpu.dma_semaphore, #tpu.memory_space<semaphore_mem>>)
      tpu.wait_dma2 semaphore(%run_scoped3A : memref<!tpu.dma_semaphore, #tpu.memory_space<semaphore_mem>>) src(%arg3 : memref<16xi32, #tpu.memory_space<hbm>>) dst(%arg7 : memref<16xi32, #tpu.memory_space<vmem>>)
      tpu.yield
    }) : () -> ()
    "tpu.region"() ({
      %run_scoped3A = tpu.sem_alloc : memref<!tpu.dma_semaphore, #tpu.memory_space<semaphore_mem>>
      tpu.enqueue_dma source(%arg4 : memref<16xi32, #tpu.memory_space<hbm>>) target(%arg8 : memref<16xi32, #tpu.memory_space<vmem>>) target_semaphore(%run_scoped3A : memref<!tpu.dma_semaphore, #tpu.memory_space<semaphore_mem>>)
      tpu.wait_dma2 semaphore(%run_scoped3A : memref<!tpu.dma_semaphore, #tpu.memory_space<semaphore_mem>>) src(%arg4 : memref<16xi32, #tpu.memory_space<hbm>>) dst(%arg8 : memref<16xi32, #tpu.memory_space<vmem>>)
      tpu.yield
    }) : () -> ()
    %get3A = arith.constant 0 : index
    %get3A_3 = tpu.vector_load %arg7[%get3A] {strides = array<i32>} : memref<16xi32, #tpu.memory_space<vmem>>, vector<16xi32>,
    %get3A_4 = vector.shape_cast %get3A_3 : vector<16xi32> to vector<16xi32>
    %get3A_5 = arith.constant 0 : index
    %get3A_6 = tpu.vector_load %arg8[%get3A_5] {strides = array<i32>} : memref<16xi32, #tpu.memory_space<vmem>>, vector<16xi32>,
    %get3A_7 = vector.shape_cast %get3A_6 : vector<16xi32> to vector<16xi32>
    %broadcast_in_dim3A = arith.constant 0.000000e+00 : f32
    %broadcast_in_dim3A_8 = vector.broadcast %broadcast_in_dim3A : f32 to vector<16xf32>
    %swap3A = arith.constant 0 : i32
    %swap3A_9 = arith.index_cast %swap3A : i32 to index
    %swap3A_10 = arith.constant 0 : index
    %swap3A_11 = tpu.vector_load %arg9[%swap3A_9, %swap3A_10] {strides = array<i32>} : memref<16x16xf32, #tpu.memory_space<vmem>>, vector<1x16xf32>,
    %swap3A_12 = vector.shape_cast %swap3A_11 : vector<1x16xf32> to vector<16xf32>
    %swap3A_13 = vector.shape_cast %broadcast_in_dim3A_8 : vector<16xf32> to vector<1x16xf32>
    tpu.vector_store %arg9[%swap3A_9, %swap3A_10], %swap3A_13 {strides = array<i32>} : memref<16x16xf32, #tpu.memory_space<vmem>>, vector<1x16xf32>,
    %broadcast_in_dim3A_14 = arith.constant 0.000000e+00 : f32
    %broadcast_in_dim3A_15 = vector.broadcast %broadcast_in_dim3A_14 : f32 to vector<16xf32>
    %swap3A_16 = arith.constant 1 : i32
    %swap3A_17 = arith.index_cast %swap3A_16 : i32 to index
    %swap3A_18 = arith.constant 0 : index
    %swap3A_19 = tpu.vector_load %arg9[%swap3A_17, %swap3A_18] {strides = array<i32>} : memref<16x16xf32, #tpu.memory_space<vmem>>, vector<1x16xf32>,
    %swap3A_20 = vector.shape_cast %swap3A_19 : vector<1x16xf32> to vector<16xf32>
    %swap3A_21 = vector.shape_cast %broadcast_in_dim3A_15 : vector<16xf32> to vector<1x16xf32>
    tpu.vector_store %arg9[%swap3A_17, %swap3A_18], %swap3A_21 {strides = array<i32>} : memref<16x16xf32, #tpu.memory_space<vmem>>, vector<1x16xf32>,
    %broadcast_in_dim3A_22 = arith.constant 0.000000e+00 : f32
    %broadcast_in_dim3A_23 = vector.broadcast %broadcast_in_dim3A_22 : f32 to vector<16xf32>
    %swap3A_24 = arith.constant 2 : i32
    %swap3A_25 = arith.index_cast %swap3A_24 : i32 to index
    %swap3A_26 = arith.constant 0 : index
    %swap3A_27 = tpu.vector_load %arg9[%swap3A_25, %swap3A_26] {strides = array<i32>} : memref<16x16xf32, #tpu.memory_space<vmem>>, vector<1x16xf32>,
    %swap3A_28 = vector.shape_cast %swap3A_27 : vector<1x16xf32> to vector<16xf32>
    %swap3A_29 = vector.shape_cast %broadcast_in_dim3A_23 : vector<16xf32> to vector<1x16xf32>
    tpu.vector_store %arg9[%swap3A_25, %swap3A_26], %swap3A_29 {strides = array<i32>} : memref<16x16xf32, #tpu.memory_space<vmem>>, vector<1x16xf32>,
    %broadcast_in_dim3A_30 = arith.constant 0.000000e+00 : f32
    %broadcast_in_dim3A_31 = vector.broadcast %broadcast_in_dim3A_30 : f32 to vector<16xf32>
    %swap3A_32 = arith.constant 3 : i32
    %swap3A_33 = arith.index_cast %swap3A_32 : i32 to index
    %swap3A_34 = arith.constant 0 : index
    %swap3A_35 = tpu.vector_load %arg9[%swap3A_33, %swap3A_34] {strides = array<i32>} : memref<16x16xf32, #tpu.memory_space<vmem>>, vector<1x16xf32>,
    %swap3A_36 = vector.shape_cast %swap3A_35 : vector<1x16xf32> to vector<16xf32>
    %swap3A_37 = vector.shape_cast %broadcast_in_dim3A_31 : vector<16xf32> to vector<1x16xf32>
    tpu.vector_store %arg9[%swap3A_33, %swap3A_34], %swap3A_37 {strides = array<i32>} : memref<16x16xf32, #tpu.memory_space<vmem>>, vector<1x16xf32>,
    %broadcast_in_dim3A_38 = arith.constant 0.000000e+00 : f32
    %broadcast_in_dim3A_39 = vector.broadcast %broadcast_in_dim3A_38 : f32 to vector<16xf32>
    %swap3A_40 = arith.constant 4 : i32
    %swap3A_41 = arith.index_cast %swap3A_40 : i32 to index
    %swap3A_42 = arith.constant 0 : index
    %swap3A_43 = tpu.vector_load %arg9[%swap3A_41, %swap3A_42] {strides = array<i32>} : memref<16x16xf32, #tpu.memory_space<vmem>>, vector<1x16xf32>,
    %swap3A_44 = vector.shape_cast %swap3A_43 : vector<1x16xf32> to vector<16xf32>
    %swap3A_45 = vector.shape_cast %broadcast_in_dim3A_39 : vector<16xf32> to vector<1x16xf32>
    tpu.vector_store %arg9[%swap3A_41, %swap3A_42], %swap3A_45 {strides = array<i32>} : memref<16x16xf32, #tpu.memory_space<vmem>>, vector<1x16xf32>,
    %broadcast_in_dim3A_46 = arith.constant 0.000000e+00 : f32
    %broadcast_in_dim3A_47 = vector.broadcast %broadcast_in_dim3A_46 : f32 to vector<16xf32>
    %swap3A_48 = arith.constant 5 : i32
    %swap3A_49 = arith.index_cast %swap3A_48 : i32 to index
    %swap3A_50 = arith.constant 0 : index
    %swap3A_51 = tpu.vector_load %arg9[%swap3A_49, %swap3A_50] {strides = array<i32>} : memref<16x16xf32, #tpu.memory_space<vmem>>, vector<1x16xf32>,
    %swap3A_52 = vector.shape_cast %swap3A_51 : vector<1x16xf32> to vector<16xf32>
    %swap3A_53 = vector.shape_cast %broadcast_in_dim3A_47 : vector<16xf32> to vector<1x16xf32>
    tpu.vector_store %arg9[%swap3A_49, %swap3A_50], %swap3A_53 {strides = array<i32>} : memref<16x16xf32, #tpu.memory_space<vmem>>, vector<1x16xf32>,
    %broadcast_in_dim3A_54 = arith.constant 0.000000e+00 : f32
    %broadcast_in_dim3A_55 = vector.broadcast %broadcast_in_dim3A_54 : f32 to vector<16xf32>
    %swap3A_56 = arith.constant 6 : i32
    %swap3A_57 = arith.index_cast %swap3A_56 : i32 to index
    %swap3A_58 = arith.constant 0 : index
    %swap3A_59 = tpu.vector_load %arg9[%swap3A_57, %swap3A_58] {strides = array<i32>} : memref<16x16xf32, #tpu.memory_space<vmem>>, vector<1x16xf32>,
    %swap3A_60 = vector.shape_cast %swap3A_59 : vector<1x16xf32> to vector<16xf32>
    %swap3A_61 = vector.shape_cast %broadcast_in_dim3A_55 : vector<16xf32> to vector<1x16xf32>
    tpu.vector_store %arg9[%swap3A_57, %swap3A_58], %swap3A_61 {strides = array<i32>} : memref<16x16xf32, #tpu.memory_space<vmem>>, vector<1x16xf32>,
    %broadcast_in_dim3A_62 = arith.constant 0.000000e+00 : f32
    %broadcast_in_dim3A_63 = vector.broadcast %broadcast_in_dim3A_62 : f32 to vector<16xf32>
    %swap3A_64 = arith.constant 7 : i32
    %swap3A_65 = arith.index_cast %swap3A_64 : i32 to index
    %swap3A_66 = arith.constant 0 : index
    %swap3A_67 = tpu.vector_load %arg9[%swap3A_65, %swap3A_66] {strides = array<i32>} : memref<16x16xf32, #tpu.memory_space<vmem>>, vector<1x16xf32>,
    %swap3A_68 = vector.shape_cast %swap3A_67 : vector<1x16xf32> to vector<16xf32>
    %swap3A_69 = vector.shape_cast %broadcast_in_dim3A_63 : vector<16xf32> to vector<1x16xf32>
    tpu.vector_store %arg9[%swap3A_65, %swap3A_66], %swap3A_69 {strides = array<i32>} : memref<16x16xf32, #tpu.memory_space<vmem>>, vector<1x16xf32>,
    %broadcast_in_dim3A_70 = arith.constant 0.000000e+00 : f32
    %broadcast_in_dim3A_71 = vector.broadcast %broadcast_in_dim3A_70 : f32 to vector<16xf32>
    %swap3A_72 = arith.constant 8 : i32
    %swap3A_73 = arith.index_cast %swap3A_72 : i32 to index
    %swap3A_74 = arith.constant 0 : index
    %swap3A_75 = tpu.vector_load %arg9[%swap3A_73, %swap3A_74] {strides = array<i32>} : memref<16x16xf32, #tpu.memory_space<vmem>>, vector<1x16xf32>,
    %swap3A_76 = vector.shape_cast %swap3A_75 : vector<1x16xf32> to vector<16xf32>
    %swap3A_77 = vector.shape_cast %broadcast_in_dim3A_71 : vector<16xf32> to vector<1x16xf32>
    tpu.vector_store %arg9[%swap3A_73, %swap3A_74], %swap3A_77 {strides = array<i32>} : memref<16x16xf32, #tpu.memory_space<vmem>>, vector<1x16xf32>,
    %broadcast_in_dim3A_78 = arith.constant 0.000000e+00 : f32
    %broadcast_in_dim3A_79 = vector.broadcast %broadcast_in_dim3A_78 : f32 to vector<16xf32>
    %swap3A_80 = arith.constant 9 : i32
    %swap3A_81 = arith.index_cast %swap3A_80 : i32 to index
    %swap3A_82 = arith.constant 0 : index
    %swap3A_83 = tpu.vector_load %arg9[%swap3A_81, %swap3A_82] {strides = array<i32>} : memref<16x16xf32, #tpu.memory_space<vmem>>, vector<1x16xf32>,
    %swap3A_84 = vector.shape_cast %swap3A_83 : vector<1x16xf32> to vector<16xf32>
    %swap3A_85 = vector.shape_cast %broadcast_in_dim3A_79 : vector<16xf32> to vector<1x16xf32>
    tpu.vector_store %arg9[%swap3A_81, %swap3A_82], %swap3A_85 {strides = array<i32>} : memref<16x16xf32, #tpu.memory_space<vmem>>, vector<1x16xf32>,
    %broadcast_in_dim3A_86 = arith.constant 0.000000e+00 : f32
    %broadcast_in_dim3A_87 = vector.broadcast %broadcast_in_dim3A_86 : f32 to vector<16xf32>
    %swap3A_88 = arith.constant 10 : i32
    %swap3A_89 = arith.index_cast %swap3A_88 : i32 to index
    %swap3A_90 = arith.constant 0 : index
    %swap3A_91 = tpu.vector_load %arg9[%swap3A_89, %swap3A_90] {strides = array<i32>} : memref<16x16xf32, #tpu.memory_space<vmem>>, vector<1x16xf32>,
    %swap3A_92 = vector.shape_cast %swap3A_91 : vector<1x16xf32> to vector<16xf32>
    %swap3A_93 = vector.shape_cast %broadcast_in_dim3A_87 : vector<16xf32> to vector<1x16xf32>
    tpu.vector_store %arg9[%swap3A_89, %swap3A_90], %swap3A_93 {strides = array<i32>} : memref<16x16xf32, #tpu.memory_space<vmem>>, vector<1x16xf32>,
    %broadcast_in_dim3A_94 = arith.constant 0.000000e+00 : f32
    %broadcast_in_dim3A_95 = vector.broadcast %broadcast_in_dim3A_94 : f32 to vector<16xf32>
    %swap3A_96 = arith.constant 11 : i32
    %swap3A_97 = arith.index_cast %swap3A_96 : i32 to index
    %swap3A_98 = arith.constant 0 : index
    %swap3A_99 = tpu.vector_load %arg9[%swap3A_97, %swap3A_98] {strides = array<i32>} : memref<16x16xf32, #tpu.memory_space<vmem>>, vector<1x16xf32>,
    %swap3A_100 = vector.shape_cast %swap3A_99 : vector<1x16xf32> to vector<16xf32>
    %swap3A_101 = vector.shape_cast %broadcast_in_dim3A_95 : vector<16xf32> to vector<1x16xf32>
    tpu.vector_store %arg9[%swap3A_97, %swap3A_98], %swap3A_101 {strides = array<i32>} : memref<16x16xf32, #tpu.memory_space<vmem>>, vector<1x16xf32>,
    %broadcast_in_dim3A_102 = arith.constant 0.000000e+00 : f32
    %broadcast_in_dim3A_103 = vector.broadcast %broadcast_in_dim3A_102 : f32 to vector<16xf32>
    %swap3A_104 = arith.constant 12 : i32
    %swap3A_105 = arith.index_cast %swap3A_104 : i32 to index
    %swap3A_106 = arith.constant 0 : index
    %swap3A_107 = tpu.vector_load %arg9[%swap3A_105, %swap3A_106] {strides = array<i32>} : memref<16x16xf32, #tpu.memory_space<vmem>>, vector<1x16xf32>,
    %swap3A_108 = vector.shape_cast %swap3A_107 : vector<1x16xf32> to vector<16xf32>
    %swap3A_109 = vector.shape_cast %broadcast_in_dim3A_103 : vector<16xf32> to vector<1x16xf32>
    tpu.vector_store %arg9[%swap3A_105, %swap3A_106], %swap3A_109 {strides = array<i32>} : memref<16x16xf32, #tpu.memory_space<vmem>>, vector<1x16xf32>,
    %broadcast_in_dim3A_110 = arith.constant 0.000000e+00 : f32
    %broadcast_in_dim3A_111 = vector.broadcast %broadcast_in_dim3A_110 : f32 to vector<16xf32>
    %swap3A_112 = arith.constant 13 : i32
    %swap3A_113 = arith.index_cast %swap3A_112 : i32 to index
    %swap3A_114 = arith.constant 0 : index
    %swap3A_115 = tpu.vector_load %arg9[%swap3A_113, %swap3A_114] {strides = array<i32>} : memref<16x16xf32, #tpu.memory_space<vmem>>, vector<1x16xf32>,
    %swap3A_116 = vector.shape_cast %swap3A_115 : vector<1x16xf32> to vector<16xf32>
    %swap3A_117 = vector.shape_cast %broadcast_in_dim3A_111 : vector<16xf32> to vector<1x16xf32>
    tpu.vector_store %arg9[%swap3A_113, %swap3A_114], %swap3A_117 {strides = array<i32>} : memref<16x16xf32, #tpu.memory_space<vmem>>, vector<1x16xf32>,
    %broadcast_in_dim3A_118 = arith.constant 0.000000e+00 : f32
    %broadcast_in_dim3A_119 = vector.broadcast %broadcast_in_dim3A_118 : f32 to vector<16xf32>
    %swap3A_120 = arith.constant 14 : i32
    %swap3A_121 = arith.index_cast %swap3A_120 : i32 to index
    %swap3A_122 = arith.constant 0 : index
    %swap3A_123 = tpu.vector_load %arg9[%swap3A_121, %swap3A_122] {strides = array<i32>} : memref<16x16xf32, #tpu.memory_space<vmem>>, vector<1x16xf32>,
    %swap3A_124 = vector.shape_cast %swap3A_123 : vector<1x16xf32> to vector<16xf32>
    %swap3A_125 = vector.shape_cast %broadcast_in_dim3A_119 : vector<16xf32> to vector<1x16xf32>
    tpu.vector_store %arg9[%swap3A_121, %swap3A_122], %swap3A_125 {strides = array<i32>} : memref<16x16xf32, #tpu.memory_space<vmem>>, vector<1x16xf32>,
    %broadcast_in_dim3A_126 = arith.constant 0.000000e+00 : f32
    %broadcast_in_dim3A_127 = vector.broadcast %broadcast_in_dim3A_126 : f32 to vector<16xf32>
    %swap3A_128 = arith.constant 15 : i32
    %swap3A_129 = arith.index_cast %swap3A_128 : i32 to index
    %swap3A_130 = arith.constant 0 : index
    %swap3A_131 = tpu.vector_load %arg9[%swap3A_129, %swap3A_130] {strides = array<i32>} : memref<16x16xf32, #tpu.memory_space<vmem>>, vector<1x16xf32>,
    %swap3A_132 = vector.shape_cast %swap3A_131 : vector<1x16xf32> to vector<16xf32>
    %swap3A_133 = vector.shape_cast %broadcast_in_dim3A_127 : vector<16xf32> to vector<1x16xf32>
    tpu.vector_store %arg9[%swap3A_129, %swap3A_130], %swap3A_133 {strides = array<i32>} : memref<16x16xf32, #tpu.memory_space<vmem>>, vector<1x16xf32>,
    %add3A_134 = arith.constant 0 : i32
    %add3A_135 = arith.addi %mul3A_2, %add3A_134 : i32
    "tpu.region"() ({
      %run_scoped3A = tpu.sem_alloc : memref<!tpu.dma_semaphore, #tpu.memory_space<semaphore_mem>>
      %dma_start3A = arith.constant 0 : i32
      %dma_start3A_1157 = tpu.memref_slice %arg2[%add3A_135, %dma_start3A] : memref<32768x16xf32, #tpu.memory_space<hbm>> -> memref<512x16xf32, #tpu.memory_space<hbm>>
      %dma_start3A_1158 = arith.constant 0 : i32
      %dma_start3A_1159 = tpu.memref_slice %arg2[%add3A_135, %dma_start3A_1158] : memref<32768x16xf32, #tpu.memory_space<hbm>> -> memref<512x16xf32, #tpu.memory_space<hbm>>
      tpu.enqueue_dma source(%dma_start3A_1159 : memref<512x16xf32, #tpu.memory_space<hbm>>) target(%arg6 : memref<512x16xf32, #tpu.memory_space<vmem>>) target_semaphore(%run_scoped3A : memref<!tpu.dma_semaphore, #tpu.memory_space<semaphore_mem>>)
      %dma_wait3A = arith.constant 0 : i32
      %dma_wait3A_1160 = tpu.memref_slice %arg2[%add3A_135, %dma_wait3A] : memref<32768x16xf32, #tpu.memory_space<hbm>> -> memref<512x16xf32, #tpu.memory_space<hbm>>
      %dma_wait3A_1161 = arith.constant 0 : i32
      %dma_wait3A_1162 = tpu.memref_slice %arg2[%add3A_135, %dma_wait3A_1161] : memref<32768x16xf32, #tpu.memory_space<hbm>> -> memref<512x16xf32, #tpu.memory_space<hbm>>
      tpu.wait_dma2 semaphore(%run_scoped3A : memref<!tpu.dma_semaphore, #tpu.memory_space<semaphore_mem>>) src(%dma_wait3A_1162 : memref<512x16xf32, #tpu.memory_space<hbm>>) dst(%arg6 : memref<512x16xf32, #tpu.memory_space<vmem>>)
      tpu.yield
    }) : () -> ()
    %slice3A = vector.extract_strided_slice %get3A_4 {offsets = [0], sizes = [1], strides = [1]} : vector<16xi32> to vector<1xi32>
    %squeeze3A = vector.extract %slice3A[0] : i32 from vector<1xi32>
    %max3A = arith.maxsi %squeeze3A, %add3A_135 : i32
    %slice3A_136 = vector.extract_strided_slice %get3A_7 {offsets = [0], sizes = [1], strides = [1]} : vector<16xi32> to vector<1xi32>
    %squeeze3A_137 = vector.extract %slice3A_136[0] : i32 from vector<1xi32>
    %add3A_138 = arith.constant 512 : i32
    %add3A_139 = arith.addi %add3A_135, %add3A_138 : i32
    %min3A = arith.minsi %squeeze3A_137, %add3A_139 : i32
    %broadcast_in_dim3A_140 = arith.constant 0.000000e+00 : f32
    %broadcast_in_dim3A_141 = vector.broadcast %broadcast_in_dim3A_140 : f32 to vector<16xf32>
    %while3A = arith.subi %min3A, %max3A : i32
    %while3A_142 = arith.addi %max3A, %while3A : i32
    %while3A_143 = arith.constant 1 : i32
    %while3A_144 = arith.divsi %while3A, %while3A_143 : i32
    %while3A_145 = arith.muli %while3A_144, %while3A_143 : i32
    %while3A_146 = arith.addi %max3A, %while3A_145 : i32
    %while3A_147 = arith.constant 1 : i32
    %while3A_148 = scf.for %while3A_1157 = %max3A to %while3A_146 step %while3A_147 iter_args(%while3A_1158 = %broadcast_in_dim3A_141) -> (vector<16xf32>)  : i32 {
      %sub3A = arith.subi %while3A_1157, %add3A_135 : i32
      %get3A_1159 = arith.index_cast %sub3A : i32 to index
      %get3A_1160 = arith.constant 0 : index
      %get3A_1161 = tpu.vector_load %arg6[%get3A_1159, %get3A_1160] {strides = array<i32>} : memref<512x16xf32, #tpu.memory_space<vmem>>, vector<1x16xf32>,
      %get3A_1162 = vector.shape_cast %get3A_1161 : vector<1x16xf32> to vector<16xf32>
      %add3A_1163 = arith.addf %while3A_1158, %get3A_1162 : vector<16xf32>
      scf.yield %add3A_1163 : vector<16xf32>
    }
    %while3A_149 = arith.constant 1 : i32
    %while3A_150 = scf.for %while3A_1157 = %while3A_146 to %while3A_142 step %while3A_149 iter_args(%while3A_1158 = %while3A_148) -> (vector<16xf32>)  : i32 {
      %sub3A = arith.subi %while3A_1157, %add3A_135 : i32
      %get3A_1159 = arith.index_cast %sub3A : i32 to index
      %get3A_1160 = arith.constant 0 : index
      %get3A_1161 = tpu.vector_load %arg6[%get3A_1159, %get3A_1160] {strides = array<i32>} : memref<512x16xf32, #tpu.memory_space<vmem>>, vector<1x16xf32>,
      %get3A_1162 = vector.shape_cast %get3A_1161 : vector<1x16xf32> to vector<16xf32>
      %add3A_1163 = arith.addf %while3A_1158, %get3A_1162 : vector<16xf32>
      scf.yield %add3A_1163 : vector<16xf32>
    }
    %get3A_151 = arith.constant 0 : i32
    %get3A_152 = arith.index_cast %get3A_151 : i32 to index
    %get3A_153 = arith.constant 0 : index
    %get3A_154 = tpu.vector_load %arg9[%get3A_152, %get3A_153] {strides = array<i32>} : memref<16x16xf32, #tpu.memory_space<vmem>>, vector<1x16xf32>,
    %get3A_155 = vector.shape_cast %get3A_154 : vector<1x16xf32> to vector<16xf32>
    %add3A_156 = arith.addf %get3A_155, %while3A_150 : vector<16xf32>
    %swap3A_157 = arith.constant 0 : i32
    %swap3A_158 = arith.index_cast %swap3A_157 : i32 to index
    %swap3A_159 = arith.constant 0 : index
    %swap3A_160 = tpu.vector_load %arg9[%swap3A_158, %swap3A_159] {strides = array<i32>} : memref<16x16xf32, #tpu.memory_space<vmem>>, vector<1x16xf32>,
    %swap3A_161 = vector.shape_cast %swap3A_160 : vector<1x16xf32> to vector<16xf32>
    %swap3A_162 = vector.shape_cast %add3A_156 : vector<16xf32> to vector<1x16xf32>
    tpu.vector_store %arg9[%swap3A_158, %swap3A_159], %swap3A_162 {strides = array<i32>} : memref<16x16xf32, #tpu.memory_space<vmem>>, vector<1x16xf32>,
    %slice3A_163 = vector.extract_strided_slice %get3A_4 {offsets = [1], sizes = [1], strides = [1]} : vector<16xi32> to vector<1xi32>
    %squeeze3A_164 = vector.extract %slice3A_163[0] : i32 from vector<1xi32>
    %max3A_165 = arith.maxsi %squeeze3A_164, %add3A_135 : i32
    %slice3A_166 = vector.extract_strided_slice %get3A_7 {offsets = [1], sizes = [1], strides = [1]} : vector<16xi32> to vector<1xi32>
    %squeeze3A_167 = vector.extract %slice3A_166[0] : i32 from vector<1xi32>
    %add3A_168 = arith.constant 512 : i32
    %add3A_169 = arith.addi %add3A_135, %add3A_168 : i32
    %min3A_170 = arith.minsi %squeeze3A_167, %add3A_169 : i32
    %broadcast_in_dim3A_171 = arith.constant 0.000000e+00 : f32
    %broadcast_in_dim3A_172 = vector.broadcast %broadcast_in_dim3A_171 : f32 to vector<16xf32>
    %while3A_173 = arith.subi %min3A_170, %max3A_165 : i32
    %while3A_174 = arith.addi %max3A_165, %while3A_173 : i32
    %while3A_175 = arith.constant 1 : i32
    %while3A_176 = arith.divsi %while3A_173, %while3A_175 : i32
    %while3A_177 = arith.muli %while3A_176, %while3A_175 : i32
    %while3A_178 = arith.addi %max3A_165, %while3A_177 : i32
    %while3A_179 = arith.constant 1 : i32
    %while3A_180 = scf.for %while3A_1157 = %max3A_165 to %while3A_178 step %while3A_179 iter_args(%while3A_1158 = %broadcast_in_dim3A_172) -> (vector<16xf32>)  : i32 {
      %sub3A = arith.subi %while3A_1157, %add3A_135 : i32
      %get3A_1159 = arith.index_cast %sub3A : i32 to index
      %get3A_1160 = arith.constant 0 : index
      %get3A_1161 = tpu.vector_load %arg6[%get3A_1159, %get3A_1160] {strides = array<i32>} : memref<512x16xf32, #tpu.memory_space<vmem>>, vector<1x16xf32>,
      %get3A_1162 = vector.shape_cast %get3A_1161 : vector<1x16xf32> to vector<16xf32>
      %add3A_1163 = arith.addf %while3A_1158, %get3A_1162 : vector<16xf32>
      scf.yield %add3A_1163 : vector<16xf32>
    }
    %while3A_181 = arith.constant 1 : i32
    %while3A_182 = scf.for %while3A_1157 = %while3A_178 to %while3A_174 step %while3A_181 iter_args(%while3A_1158 = %while3A_180) -> (vector<16xf32>)  : i32 {
      %sub3A = arith.subi %while3A_1157, %add3A_135 : i32
      %get3A_1159 = arith.index_cast %sub3A : i32 to index
      %get3A_1160 = arith.constant 0 : index
      %get3A_1161 = tpu.vector_load %arg6[%get3A_1159, %get3A_1160] {strides = array<i32>} : memref<512x16xf32, #tpu.memory_space<vmem>>, vector<1x16xf32>,
      %get3A_1162 = vector.shape_cast %get3A_1161 : vector<1x16xf32> to vector<16xf32>
      %add3A_1163 = arith.addf %while3A_1158, %get3A_1162 : vector<16xf32>
      scf.yield %add3A_1163 : vector<16xf32>
    }
    %get3A_183 = arith.constant 1 : i32
    %get3A_184 = arith.index_cast %get3A_183 : i32 to index
    %get3A_185 = arith.constant 0 : index
    %get3A_186 = tpu.vector_load %arg9[%get3A_184, %get3A_185] {strides = array<i32>} : memref<16x16xf32, #tpu.memory_space<vmem>>, vector<1x16xf32>,
    %get3A_187 = vector.shape_cast %get3A_186 : vector<1x16xf32> to vector<16xf32>
    %add3A_188 = arith.addf %get3A_187, %while3A_182 : vector<16xf32>
    %swap3A_189 = arith.constant 1 : i32
    %swap3A_190 = arith.index_cast %swap3A_189 : i32 to index
    %swap3A_191 = arith.constant 0 : index
    %swap3A_192 = tpu.vector_load %arg9[%swap3A_190, %swap3A_191] {strides = array<i32>} : memref<16x16xf32, #tpu.memory_space<vmem>>, vector<1x16xf32>,
    %swap3A_193 = vector.shape_cast %swap3A_192 : vector<1x16xf32> to vector<16xf32>
    %swap3A_194 = vector.shape_cast %add3A_188 : vector<16xf32> to vector<1x16xf32>
    tpu.vector_store %arg9[%swap3A_190, %swap3A_191], %swap3A_194 {strides = array<i32>} : memref<16x16xf32, #tpu.memory_space<vmem>>, vector<1x16xf32>,
    %slice3A_195 = vector.extract_strided_slice %get3A_4 {offsets = [2], sizes = [1], strides = [1]} : vector<16xi32> to vector<1xi32>
    %squeeze3A_196 = vector.extract %slice3A_195[0] : i32 from vector<1xi32>
    %max3A_197 = arith.maxsi %squeeze3A_196, %add3A_135 : i32
    %slice3A_198 = vector.extract_strided_slice %get3A_7 {offsets = [2], sizes = [1], strides = [1]} : vector<16xi32> to vector<1xi32>
    %squeeze3A_199 = vector.extract %slice3A_198[0] : i32 from vector<1xi32>
    %add3A_200 = arith.constant 512 : i32
    %add3A_201 = arith.addi %add3A_135, %add3A_200 : i32
    %min3A_202 = arith.minsi %squeeze3A_199, %add3A_201 : i32
    %broadcast_in_dim3A_203 = arith.constant 0.000000e+00 : f32
    %broadcast_in_dim3A_204 = vector.broadcast %broadcast_in_dim3A_203 : f32 to vector<16xf32>
    %while3A_205 = arith.subi %min3A_202, %max3A_197 : i32
    %while3A_206 = arith.addi %max3A_197, %while3A_205 : i32
    %while3A_207 = arith.constant 1 : i32
    %while3A_208 = arith.divsi %while3A_205, %while3A_207 : i32
    %while3A_209 = arith.muli %while3A_208, %while3A_207 : i32
    %while3A_210 = arith.addi %max3A_197, %while3A_209 : i32
    %while3A_211 = arith.constant 1 : i32
    %while3A_212 = scf.for %while3A_1157 = %max3A_197 to %while3A_210 step %while3A_211 iter_args(%while3A_1158 = %broadcast_in_dim3A_204) -> (vector<16xf32>)  : i32 {
      %sub3A = arith.subi %while3A_1157, %add3A_135 : i32
      %get3A_1159 = arith.index_cast %sub3A : i32 to index
      %get3A_1160 = arith.constant 0 : index
      %get3A_1161 = tpu.vector_load %arg6[%get3A_1159, %get3A_1160] {strides = array<i32>} : memref<512x16xf32, #tpu.memory_space<vmem>>, vector<1x16xf32>,
      %get3A_1162 = vector.shape_cast %get3A_1161 : vector<1x16xf32> to vector<16xf32>
      %add3A_1163 = arith.addf %while3A_1158, %get3A_1162 : vector<16xf32>
      scf.yield %add3A_1163 : vector<16xf32>
    }
    %while3A_213 = arith.constant 1 : i32
    %while3A_214 = scf.for %while3A_1157 = %while3A_210 to %while3A_206 step %while3A_213 iter_args(%while3A_1158 = %while3A_212) -> (vector<16xf32>)  : i32 {
      %sub3A = arith.subi %while3A_1157, %add3A_135 : i32
      %get3A_1159 = arith.index_cast %sub3A : i32 to index
      %get3A_1160 = arith.constant 0 : index
      %get3A_1161 = tpu.vector_load %arg6[%get3A_1159, %get3A_1160] {strides = array<i32>} : memref<512x16xf32, #tpu.memory_space<vmem>>, vector<1x16xf32>,
      %get3A_1162 = vector.shape_cast %get3A_1161 : vector<1x16xf32> to vector<16xf32>
      %add3A_1163 = arith.addf %while3A_1158, %get3A_1162 : vector<16xf32>
      scf.yield %add3A_1163 : vector<16xf32>
    }
    %get3A_215 = arith.constant 2 : i32
    %get3A_216 = arith.index_cast %get3A_215 : i32 to index
    %get3A_217 = arith.constant 0 : index
    %get3A_218 = tpu.vector_load %arg9[%get3A_216, %get3A_217] {strides = array<i32>} : memref<16x16xf32, #tpu.memory_space<vmem>>, vector<1x16xf32>,
    %get3A_219 = vector.shape_cast %get3A_218 : vector<1x16xf32> to vector<16xf32>
    %add3A_220 = arith.addf %get3A_219, %while3A_214 : vector<16xf32>
    %swap3A_221 = arith.constant 2 : i32
    %swap3A_222 = arith.index_cast %swap3A_221 : i32 to index
    %swap3A_223 = arith.constant 0 : index
    %swap3A_224 = tpu.vector_load %arg9[%swap3A_222, %swap3A_223] {strides = array<i32>} : memref<16x16xf32, #tpu.memory_space<vmem>>, vector<1x16xf32>,
    %swap3A_225 = vector.shape_cast %swap3A_224 : vector<1x16xf32> to vector<16xf32>
    %swap3A_226 = vector.shape_cast %add3A_220 : vector<16xf32> to vector<1x16xf32>
    tpu.vector_store %arg9[%swap3A_222, %swap3A_223], %swap3A_226 {strides = array<i32>} : memref<16x16xf32, #tpu.memory_space<vmem>>, vector<1x16xf32>,
    %slice3A_227 = vector.extract_strided_slice %get3A_4 {offsets = [3], sizes = [1], strides = [1]} : vector<16xi32> to vector<1xi32>
    %squeeze3A_228 = vector.extract %slice3A_227[0] : i32 from vector<1xi32>
    %max3A_229 = arith.maxsi %squeeze3A_228, %add3A_135 : i32
    %slice3A_230 = vector.extract_strided_slice %get3A_7 {offsets = [3], sizes = [1], strides = [1]} : vector<16xi32> to vector<1xi32>
    %squeeze3A_231 = vector.extract %slice3A_230[0] : i32 from vector<1xi32>
    %add3A_232 = arith.constant 512 : i32
    %add3A_233 = arith.addi %add3A_135, %add3A_232 : i32
    %min3A_234 = arith.minsi %squeeze3A_231, %add3A_233 : i32
    %broadcast_in_dim3A_235 = arith.constant 0.000000e+00 : f32
    %broadcast_in_dim3A_236 = vector.broadcast %broadcast_in_dim3A_235 : f32 to vector<16xf32>
    %while3A_237 = arith.subi %min3A_234, %max3A_229 : i32
    %while3A_238 = arith.addi %max3A_229, %while3A_237 : i32
    %while3A_239 = arith.constant 1 : i32
    %while3A_240 = arith.divsi %while3A_237, %while3A_239 : i32
    %while3A_241 = arith.muli %while3A_240, %while3A_239 : i32
    %while3A_242 = arith.addi %max3A_229, %while3A_241 : i32
    %while3A_243 = arith.constant 1 : i32
    %while3A_244 = scf.for %while3A_1157 = %max3A_229 to %while3A_242 step %while3A_243 iter_args(%while3A_1158 = %broadcast_in_dim3A_236) -> (vector<16xf32>)  : i32 {
      %sub3A = arith.subi %while3A_1157, %add3A_135 : i32
      %get3A_1159 = arith.index_cast %sub3A : i32 to index
      %get3A_1160 = arith.constant 0 : index
      %get3A_1161 = tpu.vector_load %arg6[%get3A_1159, %get3A_1160] {strides = array<i32>} : memref<512x16xf32, #tpu.memory_space<vmem>>, vector<1x16xf32>,
      %get3A_1162 = vector.shape_cast %get3A_1161 : vector<1x16xf32> to vector<16xf32>
      %add3A_1163 = arith.addf %while3A_1158, %get3A_1162 : vector<16xf32>
      scf.yield %add3A_1163 : vector<16xf32>
    }
    %while3A_245 = arith.constant 1 : i32
    %while3A_246 = scf.for %while3A_1157 = %while3A_242 to %while3A_238 step %while3A_245 iter_args(%while3A_1158 = %while3A_244) -> (vector<16xf32>)  : i32 {
      %sub3A = arith.subi %while3A_1157, %add3A_135 : i32
      %get3A_1159 = arith.index_cast %sub3A : i32 to index
      %get3A_1160 = arith.constant 0 : index
      %get3A_1161 = tpu.vector_load %arg6[%get3A_1159, %get3A_1160] {strides = array<i32>} : memref<512x16xf32, #tpu.memory_space<vmem>>, vector<1x16xf32>,
      %get3A_1162 = vector.shape_cast %get3A_1161 : vector<1x16xf32> to vector<16xf32>
      %add3A_1163 = arith.addf %while3A_1158, %get3A_1162 : vector<16xf32>
      scf.yield %add3A_1163 : vector<16xf32>
    }
    %get3A_247 = arith.constant 3 : i32
    %get3A_248 = arith.index_cast %get3A_247 : i32 to index
    %get3A_249 = arith.constant 0 : index
    %get3A_250 = tpu.vector_load %arg9[%get3A_248, %get3A_249] {strides = array<i32>} : memref<16x16xf32, #tpu.memory_space<vmem>>, vector<1x16xf32>,
    %get3A_251 = vector.shape_cast %get3A_250 : vector<1x16xf32> to vector<16xf32>
    %add3A_252 = arith.addf %get3A_251, %while3A_246 : vector<16xf32>
    %swap3A_253 = arith.constant 3 : i32
    %swap3A_254 = arith.index_cast %swap3A_253 : i32 to index
    %swap3A_255 = arith.constant 0 : index
    %swap3A_256 = tpu.vector_load %arg9[%swap3A_254, %swap3A_255] {strides = array<i32>} : memref<16x16xf32, #tpu.memory_space<vmem>>, vector<1x16xf32>,
    %swap3A_257 = vector.shape_cast %swap3A_256 : vector<1x16xf32> to vector<16xf32>
    %swap3A_258 = vector.shape_cast %add3A_252 : vector<16xf32> to vector<1x16xf32>
    tpu.vector_store %arg9[%swap3A_254, %swap3A_255], %swap3A_258 {strides = array<i32>} : memref<16x16xf32, #tpu.memory_space<vmem>>, vector<1x16xf32>,
    %slice3A_259 = vector.extract_strided_slice %get3A_4 {offsets = [4], sizes = [1], strides = [1]} : vector<16xi32> to vector<1xi32>
    %squeeze3A_260 = vector.extract %slice3A_259[0] : i32 from vector<1xi32>
    %max3A_261 = arith.maxsi %squeeze3A_260, %add3A_135 : i32
    %slice3A_262 = vector.extract_strided_slice %get3A_7 {offsets = [4], sizes = [1], strides = [1]} : vector<16xi32> to vector<1xi32>
    %squeeze3A_263 = vector.extract %slice3A_262[0] : i32 from vector<1xi32>
    %add3A_264 = arith.constant 512 : i32
    %add3A_265 = arith.addi %add3A_135, %add3A_264 : i32
    %min3A_266 = arith.minsi %squeeze3A_263, %add3A_265 : i32
    %broadcast_in_dim3A_267 = arith.constant 0.000000e+00 : f32
    %broadcast_in_dim3A_268 = vector.broadcast %broadcast_in_dim3A_267 : f32 to vector<16xf32>
    %while3A_269 = arith.subi %min3A_266, %max3A_261 : i32
    %while3A_270 = arith.addi %max3A_261, %while3A_269 : i32
    %while3A_271 = arith.constant 1 : i32
    %while3A_272 = arith.divsi %while3A_269, %while3A_271 : i32
    %while3A_273 = arith.muli %while3A_272, %while3A_271 : i32
    %while3A_274 = arith.addi %max3A_261, %while3A_273 : i32
    %while3A_275 = arith.constant 1 : i32
    %while3A_276 = scf.for %while3A_1157 = %max3A_261 to %while3A_274 step %while3A_275 iter_args(%while3A_1158 = %broadcast_in_dim3A_268) -> (vector<16xf32>)  : i32 {
      %sub3A = arith.subi %while3A_1157, %add3A_135 : i32
      %get3A_1159 = arith.index_cast %sub3A : i32 to index
      %get3A_1160 = arith.constant 0 : index
      %get3A_1161 = tpu.vector_load %arg6[%get3A_1159, %get3A_1160] {strides = array<i32>} : memref<512x16xf32, #tpu.memory_space<vmem>>, vector<1x16xf32>,
      %get3A_1162 = vector.shape_cast %get3A_1161 : vector<1x16xf32> to vector<16xf32>
      %add3A_1163 = arith.addf %while3A_1158, %get3A_1162 : vector<16xf32>
      scf.yield %add3A_1163 : vector<16xf32>
    }
    %while3A_277 = arith.constant 1 : i32
    %while3A_278 = scf.for %while3A_1157 = %while3A_274 to %while3A_270 step %while3A_277 iter_args(%while3A_1158 = %while3A_276) -> (vector<16xf32>)  : i32 {
      %sub3A = arith.subi %while3A_1157, %add3A_135 : i32
      %get3A_1159 = arith.index_cast %sub3A : i32 to index
      %get3A_1160 = arith.constant 0 : index
      %get3A_1161 = tpu.vector_load %arg6[%get3A_1159, %get3A_1160] {strides = array<i32>} : memref<512x16xf32, #tpu.memory_space<vmem>>, vector<1x16xf32>,
      %get3A_1162 = vector.shape_cast %get3A_1161 : vector<1x16xf32> to vector<16xf32>
      %add3A_1163 = arith.addf %while3A_1158, %get3A_1162 : vector<16xf32>
      scf.yield %add3A_1163 : vector<16xf32>
    }
    %get3A_279 = arith.constant 4 : i32
    %get3A_280 = arith.index_cast %get3A_279 : i32 to index
    %get3A_281 = arith.constant 0 : index
    %get3A_282 = tpu.vector_load %arg9[%get3A_280, %get3A_281] {strides = array<i32>} : memref<16x16xf32, #tpu.memory_space<vmem>>, vector<1x16xf32>,
    %get3A_283 = vector.shape_cast %get3A_282 : vector<1x16xf32> to vector<16xf32>
    %add3A_284 = arith.addf %get3A_283, %while3A_278 : vector<16xf32>
    %swap3A_285 = arith.constant 4 : i32
    %swap3A_286 = arith.index_cast %swap3A_285 : i32 to index
    %swap3A_287 = arith.constant 0 : index
    %swap3A_288 = tpu.vector_load %arg9[%swap3A_286, %swap3A_287] {strides = array<i32>} : memref<16x16xf32, #tpu.memory_space<vmem>>, vector<1x16xf32>,
    %swap3A_289 = vector.shape_cast %swap3A_288 : vector<1x16xf32> to vector<16xf32>
    %swap3A_290 = vector.shape_cast %add3A_284 : vector<16xf32> to vector<1x16xf32>
    tpu.vector_store %arg9[%swap3A_286, %swap3A_287], %swap3A_290 {strides = array<i32>} : memref<16x16xf32, #tpu.memory_space<vmem>>, vector<1x16xf32>,
    %slice3A_291 = vector.extract_strided_slice %get3A_4 {offsets = [5], sizes = [1], strides = [1]} : vector<16xi32> to vector<1xi32>
    %squeeze3A_292 = vector.extract %slice3A_291[0] : i32 from vector<1xi32>
    %max3A_293 = arith.maxsi %squeeze3A_292, %add3A_135 : i32
    %slice3A_294 = vector.extract_strided_slice %get3A_7 {offsets = [5], sizes = [1], strides = [1]} : vector<16xi32> to vector<1xi32>
    %squeeze3A_295 = vector.extract %slice3A_294[0] : i32 from vector<1xi32>
    %add3A_296 = arith.constant 512 : i32
    %add3A_297 = arith.addi %add3A_135, %add3A_296 : i32
    %min3A_298 = arith.minsi %squeeze3A_295, %add3A_297 : i32
    %broadcast_in_dim3A_299 = arith.constant 0.000000e+00 : f32
    %broadcast_in_dim3A_300 = vector.broadcast %broadcast_in_dim3A_299 : f32 to vector<16xf32>
    %while3A_301 = arith.subi %min3A_298, %max3A_293 : i32
    %while3A_302 = arith.addi %max3A_293, %while3A_301 : i32
    %while3A_303 = arith.constant 1 : i32
    %while3A_304 = arith.divsi %while3A_301, %while3A_303 : i32
    %while3A_305 = arith.muli %while3A_304, %while3A_303 : i32
    %while3A_306 = arith.addi %max3A_293, %while3A_305 : i32
    %while3A_307 = arith.constant 1 : i32
    %while3A_308 = scf.for %while3A_1157 = %max3A_293 to %while3A_306 step %while3A_307 iter_args(%while3A_1158 = %broadcast_in_dim3A_300) -> (vector<16xf32>)  : i32 {
      %sub3A = arith.subi %while3A_1157, %add3A_135 : i32
      %get3A_1159 = arith.index_cast %sub3A : i32 to index
      %get3A_1160 = arith.constant 0 : index
      %get3A_1161 = tpu.vector_load %arg6[%get3A_1159, %get3A_1160] {strides = array<i32>} : memref<512x16xf32, #tpu.memory_space<vmem>>, vector<1x16xf32>,
      %get3A_1162 = vector.shape_cast %get3A_1161 : vector<1x16xf32> to vector<16xf32>
      %add3A_1163 = arith.addf %while3A_1158, %get3A_1162 : vector<16xf32>
      scf.yield %add3A_1163 : vector<16xf32>
    }
    %while3A_309 = arith.constant 1 : i32
    %while3A_310 = scf.for %while3A_1157 = %while3A_306 to %while3A_302 step %while3A_309 iter_args(%while3A_1158 = %while3A_308) -> (vector<16xf32>)  : i32 {
      %sub3A = arith.subi %while3A_1157, %add3A_135 : i32
      %get3A_1159 = arith.index_cast %sub3A : i32 to index
      %get3A_1160 = arith.constant 0 : index
      %get3A_1161 = tpu.vector_load %arg6[%get3A_1159, %get3A_1160] {strides = array<i32>} : memref<512x16xf32, #tpu.memory_space<vmem>>, vector<1x16xf32>,
      %get3A_1162 = vector.shape_cast %get3A_1161 : vector<1x16xf32> to vector<16xf32>
      %add3A_1163 = arith.addf %while3A_1158, %get3A_1162 : vector<16xf32>
      scf.yield %add3A_1163 : vector<16xf32>
    }
    %get3A_311 = arith.constant 5 : i32
    %get3A_312 = arith.index_cast %get3A_311 : i32 to index
    %get3A_313 = arith.constant 0 : index
    %get3A_314 = tpu.vector_load %arg9[%get3A_312, %get3A_313] {strides = array<i32>} : memref<16x16xf32, #tpu.memory_space<vmem>>, vector<1x16xf32>,
    %get3A_315 = vector.shape_cast %get3A_314 : vector<1x16xf32> to vector<16xf32>
    %add3A_316 = arith.addf %get3A_315, %while3A_310 : vector<16xf32>
    %swap3A_317 = arith.constant 5 : i32
    %swap3A_318 = arith.index_cast %swap3A_317 : i32 to index
    %swap3A_319 = arith.constant 0 : index
    %swap3A_320 = tpu.vector_load %arg9[%swap3A_318, %swap3A_319] {strides = array<i32>} : memref<16x16xf32, #tpu.memory_space<vmem>>, vector<1x16xf32>,
    %swap3A_321 = vector.shape_cast %swap3A_320 : vector<1x16xf32> to vector<16xf32>
    %swap3A_322 = vector.shape_cast %add3A_316 : vector<16xf32> to vector<1x16xf32>
    tpu.vector_store %arg9[%swap3A_318, %swap3A_319], %swap3A_322 {strides = array<i32>} : memref<16x16xf32, #tpu.memory_space<vmem>>, vector<1x16xf32>,
    %slice3A_323 = vector.extract_strided_slice %get3A_4 {offsets = [6], sizes = [1], strides = [1]} : vector<16xi32> to vector<1xi32>
    %squeeze3A_324 = vector.extract %slice3A_323[0] : i32 from vector<1xi32>
    %max3A_325 = arith.maxsi %squeeze3A_324, %add3A_135 : i32
    %slice3A_326 = vector.extract_strided_slice %get3A_7 {offsets = [6], sizes = [1], strides = [1]} : vector<16xi32> to vector<1xi32>
    %squeeze3A_327 = vector.extract %slice3A_326[0] : i32 from vector<1xi32>
    %add3A_328 = arith.constant 512 : i32
    %add3A_329 = arith.addi %add3A_135, %add3A_328 : i32
    %min3A_330 = arith.minsi %squeeze3A_327, %add3A_329 : i32
    %broadcast_in_dim3A_331 = arith.constant 0.000000e+00 : f32
    %broadcast_in_dim3A_332 = vector.broadcast %broadcast_in_dim3A_331 : f32 to vector<16xf32>
    %while3A_333 = arith.subi %min3A_330, %max3A_325 : i32
    %while3A_334 = arith.addi %max3A_325, %while3A_333 : i32
    %while3A_335 = arith.constant 1 : i32
    %while3A_336 = arith.divsi %while3A_333, %while3A_335 : i32
    %while3A_337 = arith.muli %while3A_336, %while3A_335 : i32
    %while3A_338 = arith.addi %max3A_325, %while3A_337 : i32
    %while3A_339 = arith.constant 1 : i32
    %while3A_340 = scf.for %while3A_1157 = %max3A_325 to %while3A_338 step %while3A_339 iter_args(%while3A_1158 = %broadcast_in_dim3A_332) -> (vector<16xf32>)  : i32 {
      %sub3A = arith.subi %while3A_1157, %add3A_135 : i32
      %get3A_1159 = arith.index_cast %sub3A : i32 to index
      %get3A_1160 = arith.constant 0 : index
      %get3A_1161 = tpu.vector_load %arg6[%get3A_1159, %get3A_1160] {strides = array<i32>} : memref<512x16xf32, #tpu.memory_space<vmem>>, vector<1x16xf32>,
      %get3A_1162 = vector.shape_cast %get3A_1161 : vector<1x16xf32> to vector<16xf32>
      %add3A_1163 = arith.addf %while3A_1158, %get3A_1162 : vector<16xf32>
      scf.yield %add3A_1163 : vector<16xf32>
    }
    %while3A_341 = arith.constant 1 : i32
    %while3A_342 = scf.for %while3A_1157 = %while3A_338 to %while3A_334 step %while3A_341 iter_args(%while3A_1158 = %while3A_340) -> (vector<16xf32>)  : i32 {
      %sub3A = arith.subi %while3A_1157, %add3A_135 : i32
      %get3A_1159 = arith.index_cast %sub3A : i32 to index
      %get3A_1160 = arith.constant 0 : index
      %get3A_1161 = tpu.vector_load %arg6[%get3A_1159, %get3A_1160] {strides = array<i32>} : memref<512x16xf32, #tpu.memory_space<vmem>>, vector<1x16xf32>,
      %get3A_1162 = vector.shape_cast %get3A_1161 : vector<1x16xf32> to vector<16xf32>
      %add3A_1163 = arith.addf %while3A_1158, %get3A_1162 : vector<16xf32>
      scf.yield %add3A_1163 : vector<16xf32>
    }
    %get3A_343 = arith.constant 6 : i32
    %get3A_344 = arith.index_cast %get3A_343 : i32 to index
    %get3A_345 = arith.constant 0 : index
    %get3A_346 = tpu.vector_load %arg9[%get3A_344, %get3A_345] {strides = array<i32>} : memref<16x16xf32, #tpu.memory_space<vmem>>, vector<1x16xf32>,
    %get3A_347 = vector.shape_cast %get3A_346 : vector<1x16xf32> to vector<16xf32>
    %add3A_348 = arith.addf %get3A_347, %while3A_342 : vector<16xf32>
    %swap3A_349 = arith.constant 6 : i32
    %swap3A_350 = arith.index_cast %swap3A_349 : i32 to index
    %swap3A_351 = arith.constant 0 : index
    %swap3A_352 = tpu.vector_load %arg9[%swap3A_350, %swap3A_351] {strides = array<i32>} : memref<16x16xf32, #tpu.memory_space<vmem>>, vector<1x16xf32>,
    %swap3A_353 = vector.shape_cast %swap3A_352 : vector<1x16xf32> to vector<16xf32>
    %swap3A_354 = vector.shape_cast %add3A_348 : vector<16xf32> to vector<1x16xf32>
    tpu.vector_store %arg9[%swap3A_350, %swap3A_351], %swap3A_354 {strides = array<i32>} : memref<16x16xf32, #tpu.memory_space<vmem>>, vector<1x16xf32>,
    %slice3A_355 = vector.extract_strided_slice %get3A_4 {offsets = [7], sizes = [1], strides = [1]} : vector<16xi32> to vector<1xi32>
    %squeeze3A_356 = vector.extract %slice3A_355[0] : i32 from vector<1xi32>
    %max3A_357 = arith.maxsi %squeeze3A_356, %add3A_135 : i32
    %slice3A_358 = vector.extract_strided_slice %get3A_7 {offsets = [7], sizes = [1], strides = [1]} : vector<16xi32> to vector<1xi32>
    %squeeze3A_359 = vector.extract %slice3A_358[0] : i32 from vector<1xi32>
    %add3A_360 = arith.constant 512 : i32
    %add3A_361 = arith.addi %add3A_135, %add3A_360 : i32
    %min3A_362 = arith.minsi %squeeze3A_359, %add3A_361 : i32
    %broadcast_in_dim3A_363 = arith.constant 0.000000e+00 : f32
    %broadcast_in_dim3A_364 = vector.broadcast %broadcast_in_dim3A_363 : f32 to vector<16xf32>
    %while3A_365 = arith.subi %min3A_362, %max3A_357 : i32
    %while3A_366 = arith.addi %max3A_357, %while3A_365 : i32
    %while3A_367 = arith.constant 1 : i32
    %while3A_368 = arith.divsi %while3A_365, %while3A_367 : i32
    %while3A_369 = arith.muli %while3A_368, %while3A_367 : i32
    %while3A_370 = arith.addi %max3A_357, %while3A_369 : i32
    %while3A_371 = arith.constant 1 : i32
    %while3A_372 = scf.for %while3A_1157 = %max3A_357 to %while3A_370 step %while3A_371 iter_args(%while3A_1158 = %broadcast_in_dim3A_364) -> (vector<16xf32>)  : i32 {
      %sub3A = arith.subi %while3A_1157, %add3A_135 : i32
      %get3A_1159 = arith.index_cast %sub3A : i32 to index
      %get3A_1160 = arith.constant 0 : index
      %get3A_1161 = tpu.vector_load %arg6[%get3A_1159, %get3A_1160] {strides = array<i32>} : memref<512x16xf32, #tpu.memory_space<vmem>>, vector<1x16xf32>,
      %get3A_1162 = vector.shape_cast %get3A_1161 : vector<1x16xf32> to vector<16xf32>
      %add3A_1163 = arith.addf %while3A_1158, %get3A_1162 : vector<16xf32>
      scf.yield %add3A_1163 : vector<16xf32>
    }
    %while3A_373 = arith.constant 1 : i32
    %while3A_374 = scf.for %while3A_1157 = %while3A_370 to %while3A_366 step %while3A_373 iter_args(%while3A_1158 = %while3A_372) -> (vector<16xf32>)  : i32 {
      %sub3A = arith.subi %while3A_1157, %add3A_135 : i32
      %get3A_1159 = arith.index_cast %sub3A : i32 to index
      %get3A_1160 = arith.constant 0 : index
      %get3A_1161 = tpu.vector_load %arg6[%get3A_1159, %get3A_1160] {strides = array<i32>} : memref<512x16xf32, #tpu.memory_space<vmem>>, vector<1x16xf32>,
      %get3A_1162 = vector.shape_cast %get3A_1161 : vector<1x16xf32> to vector<16xf32>
      %add3A_1163 = arith.addf %while3A_1158, %get3A_1162 : vector<16xf32>
      scf.yield %add3A_1163 : vector<16xf32>
    }
    %get3A_375 = arith.constant 7 : i32
    %get3A_376 = arith.index_cast %get3A_375 : i32 to index
    %get3A_377 = arith.constant 0 : index
    %get3A_378 = tpu.vector_load %arg9[%get3A_376, %get3A_377] {strides = array<i32>} : memref<16x16xf32, #tpu.memory_space<vmem>>, vector<1x16xf32>,
    %get3A_379 = vector.shape_cast %get3A_378 : vector<1x16xf32> to vector<16xf32>
    %add3A_380 = arith.addf %get3A_379, %while3A_374 : vector<16xf32>
    %swap3A_381 = arith.constant 7 : i32
    %swap3A_382 = arith.index_cast %swap3A_381 : i32 to index
    %swap3A_383 = arith.constant 0 : index
    %swap3A_384 = tpu.vector_load %arg9[%swap3A_382, %swap3A_383] {strides = array<i32>} : memref<16x16xf32, #tpu.memory_space<vmem>>, vector<1x16xf32>,
    %swap3A_385 = vector.shape_cast %swap3A_384 : vector<1x16xf32> to vector<16xf32>
    %swap3A_386 = vector.shape_cast %add3A_380 : vector<16xf32> to vector<1x16xf32>
    tpu.vector_store %arg9[%swap3A_382, %swap3A_383], %swap3A_386 {strides = array<i32>} : memref<16x16xf32, #tpu.memory_space<vmem>>, vector<1x16xf32>,
    %slice3A_387 = vector.extract_strided_slice %get3A_4 {offsets = [8], sizes = [1], strides = [1]} : vector<16xi32> to vector<1xi32>
    %squeeze3A_388 = vector.extract %slice3A_387[0] : i32 from vector<1xi32>
    %max3A_389 = arith.maxsi %squeeze3A_388, %add3A_135 : i32
    %slice3A_390 = vector.extract_strided_slice %get3A_7 {offsets = [8], sizes = [1], strides = [1]} : vector<16xi32> to vector<1xi32>
    %squeeze3A_391 = vector.extract %slice3A_390[0] : i32 from vector<1xi32>
    %add3A_392 = arith.constant 512 : i32
    %add3A_393 = arith.addi %add3A_135, %add3A_392 : i32
    %min3A_394 = arith.minsi %squeeze3A_391, %add3A_393 : i32
    %broadcast_in_dim3A_395 = arith.constant 0.000000e+00 : f32
    %broadcast_in_dim3A_396 = vector.broadcast %broadcast_in_dim3A_395 : f32 to vector<16xf32>
    %while3A_397 = arith.subi %min3A_394, %max3A_389 : i32
    %while3A_398 = arith.addi %max3A_389, %while3A_397 : i32
    %while3A_399 = arith.constant 1 : i32
    %while3A_400 = arith.divsi %while3A_397, %while3A_399 : i32
    %while3A_401 = arith.muli %while3A_400, %while3A_399 : i32
    %while3A_402 = arith.addi %max3A_389, %while3A_401 : i32
    %while3A_403 = arith.constant 1 : i32
    %while3A_404 = scf.for %while3A_1157 = %max3A_389 to %while3A_402 step %while3A_403 iter_args(%while3A_1158 = %broadcast_in_dim3A_396) -> (vector<16xf32>)  : i32 {
      %sub3A = arith.subi %while3A_1157, %add3A_135 : i32
      %get3A_1159 = arith.index_cast %sub3A : i32 to index
      %get3A_1160 = arith.constant 0 : index
      %get3A_1161 = tpu.vector_load %arg6[%get3A_1159, %get3A_1160] {strides = array<i32>} : memref<512x16xf32, #tpu.memory_space<vmem>>, vector<1x16xf32>,
      %get3A_1162 = vector.shape_cast %get3A_1161 : vector<1x16xf32> to vector<16xf32>
      %add3A_1163 = arith.addf %while3A_1158, %get3A_1162 : vector<16xf32>
      scf.yield %add3A_1163 : vector<16xf32>
    }
    %while3A_405 = arith.constant 1 : i32
    %while3A_406 = scf.for %while3A_1157 = %while3A_402 to %while3A_398 step %while3A_405 iter_args(%while3A_1158 = %while3A_404) -> (vector<16xf32>)  : i32 {
      %sub3A = arith.subi %while3A_1157, %add3A_135 : i32
      %get3A_1159 = arith.index_cast %sub3A : i32 to index
      %get3A_1160 = arith.constant 0 : index
      %get3A_1161 = tpu.vector_load %arg6[%get3A_1159, %get3A_1160] {strides = array<i32>} : memref<512x16xf32, #tpu.memory_space<vmem>>, vector<1x16xf32>,
      %get3A_1162 = vector.shape_cast %get3A_1161 : vector<1x16xf32> to vector<16xf32>
      %add3A_1163 = arith.addf %while3A_1158, %get3A_1162 : vector<16xf32>
      scf.yield %add3A_1163 : vector<16xf32>
    }
    %get3A_407 = arith.constant 8 : i32
    %get3A_408 = arith.index_cast %get3A_407 : i32 to index
    %get3A_409 = arith.constant 0 : index
    %get3A_410 = tpu.vector_load %arg9[%get3A_408, %get3A_409] {strides = array<i32>} : memref<16x16xf32, #tpu.memory_space<vmem>>, vector<1x16xf32>,
    %get3A_411 = vector.shape_cast %get3A_410 : vector<1x16xf32> to vector<16xf32>
    %add3A_412 = arith.addf %get3A_411, %while3A_406 : vector<16xf32>
    %swap3A_413 = arith.constant 8 : i32
    %swap3A_414 = arith.index_cast %swap3A_413 : i32 to index
    %swap3A_415 = arith.constant 0 : index
    %swap3A_416 = tpu.vector_load %arg9[%swap3A_414, %swap3A_415] {strides = array<i32>} : memref<16x16xf32, #tpu.memory_space<vmem>>, vector<1x16xf32>,
    %swap3A_417 = vector.shape_cast %swap3A_416 : vector<1x16xf32> to vector<16xf32>
    %swap3A_418 = vector.shape_cast %add3A_412 : vector<16xf32> to vector<1x16xf32>
    tpu.vector_store %arg9[%swap3A_414, %swap3A_415], %swap3A_418 {strides = array<i32>} : memref<16x16xf32, #tpu.memory_space<vmem>>, vector<1x16xf32>,
    %slice3A_419 = vector.extract_strided_slice %get3A_4 {offsets = [9], sizes = [1], strides = [1]} : vector<16xi32> to vector<1xi32>
    %squeeze3A_420 = vector.extract %slice3A_419[0] : i32 from vector<1xi32>
    %max3A_421 = arith.maxsi %squeeze3A_420, %add3A_135 : i32
    %slice3A_422 = vector.extract_strided_slice %get3A_7 {offsets = [9], sizes = [1], strides = [1]} : vector<16xi32> to vector<1xi32>
    %squeeze3A_423 = vector.extract %slice3A_422[0] : i32 from vector<1xi32>
    %add3A_424 = arith.constant 512 : i32
    %add3A_425 = arith.addi %add3A_135, %add3A_424 : i32
    %min3A_426 = arith.minsi %squeeze3A_423, %add3A_425 : i32
    %broadcast_in_dim3A_427 = arith.constant 0.000000e+00 : f32
    %broadcast_in_dim3A_428 = vector.broadcast %broadcast_in_dim3A_427 : f32 to vector<16xf32>
    %while3A_429 = arith.subi %min3A_426, %max3A_421 : i32
    %while3A_430 = arith.addi %max3A_421, %while3A_429 : i32
    %while3A_431 = arith.constant 1 : i32
    %while3A_432 = arith.divsi %while3A_429, %while3A_431 : i32
    %while3A_433 = arith.muli %while3A_432, %while3A_431 : i32
    %while3A_434 = arith.addi %max3A_421, %while3A_433 : i32
    %while3A_435 = arith.constant 1 : i32
    %while3A_436 = scf.for %while3A_1157 = %max3A_421 to %while3A_434 step %while3A_435 iter_args(%while3A_1158 = %broadcast_in_dim3A_428) -> (vector<16xf32>)  : i32 {
      %sub3A = arith.subi %while3A_1157, %add3A_135 : i32
      %get3A_1159 = arith.index_cast %sub3A : i32 to index
      %get3A_1160 = arith.constant 0 : index
      %get3A_1161 = tpu.vector_load %arg6[%get3A_1159, %get3A_1160] {strides = array<i32>} : memref<512x16xf32, #tpu.memory_space<vmem>>, vector<1x16xf32>,
      %get3A_1162 = vector.shape_cast %get3A_1161 : vector<1x16xf32> to vector<16xf32>
      %add3A_1163 = arith.addf %while3A_1158, %get3A_1162 : vector<16xf32>
      scf.yield %add3A_1163 : vector<16xf32>
    }
    %while3A_437 = arith.constant 1 : i32
    %while3A_438 = scf.for %while3A_1157 = %while3A_434 to %while3A_430 step %while3A_437 iter_args(%while3A_1158 = %while3A_436) -> (vector<16xf32>)  : i32 {
      %sub3A = arith.subi %while3A_1157, %add3A_135 : i32
      %get3A_1159 = arith.index_cast %sub3A : i32 to index
      %get3A_1160 = arith.constant 0 : index
      %get3A_1161 = tpu.vector_load %arg6[%get3A_1159, %get3A_1160] {strides = array<i32>} : memref<512x16xf32, #tpu.memory_space<vmem>>, vector<1x16xf32>,
      %get3A_1162 = vector.shape_cast %get3A_1161 : vector<1x16xf32> to vector<16xf32>
      %add3A_1163 = arith.addf %while3A_1158, %get3A_1162 : vector<16xf32>
      scf.yield %add3A_1163 : vector<16xf32>
    }
    %get3A_439 = arith.constant 9 : i32
    %get3A_440 = arith.index_cast %get3A_439 : i32 to index
    %get3A_441 = arith.constant 0 : index
    %get3A_442 = tpu.vector_load %arg9[%get3A_440, %get3A_441] {strides = array<i32>} : memref<16x16xf32, #tpu.memory_space<vmem>>, vector<1x16xf32>,
    %get3A_443 = vector.shape_cast %get3A_442 : vector<1x16xf32> to vector<16xf32>
    %add3A_444 = arith.addf %get3A_443, %while3A_438 : vector<16xf32>
    %swap3A_445 = arith.constant 9 : i32
    %swap3A_446 = arith.index_cast %swap3A_445 : i32 to index
    %swap3A_447 = arith.constant 0 : index
    %swap3A_448 = tpu.vector_load %arg9[%swap3A_446, %swap3A_447] {strides = array<i32>} : memref<16x16xf32, #tpu.memory_space<vmem>>, vector<1x16xf32>,
    %swap3A_449 = vector.shape_cast %swap3A_448 : vector<1x16xf32> to vector<16xf32>
    %swap3A_450 = vector.shape_cast %add3A_444 : vector<16xf32> to vector<1x16xf32>
    tpu.vector_store %arg9[%swap3A_446, %swap3A_447], %swap3A_450 {strides = array<i32>} : memref<16x16xf32, #tpu.memory_space<vmem>>, vector<1x16xf32>,
    %slice3A_451 = vector.extract_strided_slice %get3A_4 {offsets = [10], sizes = [1], strides = [1]} : vector<16xi32> to vector<1xi32>
    %squeeze3A_452 = vector.extract %slice3A_451[0] : i32 from vector<1xi32>
    %max3A_453 = arith.maxsi %squeeze3A_452, %add3A_135 : i32
    %slice3A_454 = vector.extract_strided_slice %get3A_7 {offsets = [10], sizes = [1], strides = [1]} : vector<16xi32> to vector<1xi32>
    %squeeze3A_455 = vector.extract %slice3A_454[0] : i32 from vector<1xi32>
    %add3A_456 = arith.constant 512 : i32
    %add3A_457 = arith.addi %add3A_135, %add3A_456 : i32
    %min3A_458 = arith.minsi %squeeze3A_455, %add3A_457 : i32
    %broadcast_in_dim3A_459 = arith.constant 0.000000e+00 : f32
    %broadcast_in_dim3A_460 = vector.broadcast %broadcast_in_dim3A_459 : f32 to vector<16xf32>
    %while3A_461 = arith.subi %min3A_458, %max3A_453 : i32
    %while3A_462 = arith.addi %max3A_453, %while3A_461 : i32
    %while3A_463 = arith.constant 1 : i32
    %while3A_464 = arith.divsi %while3A_461, %while3A_463 : i32
    %while3A_465 = arith.muli %while3A_464, %while3A_463 : i32
    %while3A_466 = arith.addi %max3A_453, %while3A_465 : i32
    %while3A_467 = arith.constant 1 : i32
    %while3A_468 = scf.for %while3A_1157 = %max3A_453 to %while3A_466 step %while3A_467 iter_args(%while3A_1158 = %broadcast_in_dim3A_460) -> (vector<16xf32>)  : i32 {
      %sub3A = arith.subi %while3A_1157, %add3A_135 : i32
      %get3A_1159 = arith.index_cast %sub3A : i32 to index
      %get3A_1160 = arith.constant 0 : index
      %get3A_1161 = tpu.vector_load %arg6[%get3A_1159, %get3A_1160] {strides = array<i32>} : memref<512x16xf32, #tpu.memory_space<vmem>>, vector<1x16xf32>,
      %get3A_1162 = vector.shape_cast %get3A_1161 : vector<1x16xf32> to vector<16xf32>
      %add3A_1163 = arith.addf %while3A_1158, %get3A_1162 : vector<16xf32>
      scf.yield %add3A_1163 : vector<16xf32>
    }
    %while3A_469 = arith.constant 1 : i32
    %while3A_470 = scf.for %while3A_1157 = %while3A_466 to %while3A_462 step %while3A_469 iter_args(%while3A_1158 = %while3A_468) -> (vector<16xf32>)  : i32 {
      %sub3A = arith.subi %while3A_1157, %add3A_135 : i32
      %get3A_1159 = arith.index_cast %sub3A : i32 to index
      %get3A_1160 = arith.constant 0 : index
      %get3A_1161 = tpu.vector_load %arg6[%get3A_1159, %get3A_1160] {strides = array<i32>} : memref<512x16xf32, #tpu.memory_space<vmem>>, vector<1x16xf32>,
      %get3A_1162 = vector.shape_cast %get3A_1161 : vector<1x16xf32> to vector<16xf32>
      %add3A_1163 = arith.addf %while3A_1158, %get3A_1162 : vector<16xf32>
      scf.yield %add3A_1163 : vector<16xf32>
    }
    %get3A_471 = arith.constant 10 : i32
    %get3A_472 = arith.index_cast %get3A_471 : i32 to index
    %get3A_473 = arith.constant 0 : index
    %get3A_474 = tpu.vector_load %arg9[%get3A_472, %get3A_473] {strides = array<i32>} : memref<16x16xf32, #tpu.memory_space<vmem>>, vector<1x16xf32>,
    %get3A_475 = vector.shape_cast %get3A_474 : vector<1x16xf32> to vector<16xf32>
    %add3A_476 = arith.addf %get3A_475, %while3A_470 : vector<16xf32>
    %swap3A_477 = arith.constant 10 : i32
    %swap3A_478 = arith.index_cast %swap3A_477 : i32 to index
    %swap3A_479 = arith.constant 0 : index
    %swap3A_480 = tpu.vector_load %arg9[%swap3A_478, %swap3A_479] {strides = array<i32>} : memref<16x16xf32, #tpu.memory_space<vmem>>, vector<1x16xf32>,
    %swap3A_481 = vector.shape_cast %swap3A_480 : vector<1x16xf32> to vector<16xf32>
    %swap3A_482 = vector.shape_cast %add3A_476 : vector<16xf32> to vector<1x16xf32>
    tpu.vector_store %arg9[%swap3A_478, %swap3A_479], %swap3A_482 {strides = array<i32>} : memref<16x16xf32, #tpu.memory_space<vmem>>, vector<1x16xf32>,
    %slice3A_483 = vector.extract_strided_slice %get3A_4 {offsets = [11], sizes = [1], strides = [1]} : vector<16xi32> to vector<1xi32>
    %squeeze3A_484 = vector.extract %slice3A_483[0] : i32 from vector<1xi32>
    %max3A_485 = arith.maxsi %squeeze3A_484, %add3A_135 : i32
    %slice3A_486 = vector.extract_strided_slice %get3A_7 {offsets = [11], sizes = [1], strides = [1]} : vector<16xi32> to vector<1xi32>
    %squeeze3A_487 = vector.extract %slice3A_486[0] : i32 from vector<1xi32>
    %add3A_488 = arith.constant 512 : i32
    %add3A_489 = arith.addi %add3A_135, %add3A_488 : i32
    %min3A_490 = arith.minsi %squeeze3A_487, %add3A_489 : i32
    %broadcast_in_dim3A_491 = arith.constant 0.000000e+00 : f32
    %broadcast_in_dim3A_492 = vector.broadcast %broadcast_in_dim3A_491 : f32 to vector<16xf32>
    %while3A_493 = arith.subi %min3A_490, %max3A_485 : i32
    %while3A_494 = arith.addi %max3A_485, %while3A_493 : i32
    %while3A_495 = arith.constant 1 : i32
    %while3A_496 = arith.divsi %while3A_493, %while3A_495 : i32
    %while3A_497 = arith.muli %while3A_496, %while3A_495 : i32
    %while3A_498 = arith.addi %max3A_485, %while3A_497 : i32
    %while3A_499 = arith.constant 1 : i32
    %while3A_500 = scf.for %while3A_1157 = %max3A_485 to %while3A_498 step %while3A_499 iter_args(%while3A_1158 = %broadcast_in_dim3A_492) -> (vector<16xf32>)  : i32 {
      %sub3A = arith.subi %while3A_1157, %add3A_135 : i32
      %get3A_1159 = arith.index_cast %sub3A : i32 to index
      %get3A_1160 = arith.constant 0 : index
      %get3A_1161 = tpu.vector_load %arg6[%get3A_1159, %get3A_1160] {strides = array<i32>} : memref<512x16xf32, #tpu.memory_space<vmem>>, vector<1x16xf32>,
      %get3A_1162 = vector.shape_cast %get3A_1161 : vector<1x16xf32> to vector<16xf32>
      %add3A_1163 = arith.addf %while3A_1158, %get3A_1162 : vector<16xf32>
      scf.yield %add3A_1163 : vector<16xf32>
    }
    %while3A_501 = arith.constant 1 : i32
    %while3A_502 = scf.for %while3A_1157 = %while3A_498 to %while3A_494 step %while3A_501 iter_args(%while3A_1158 = %while3A_500) -> (vector<16xf32>)  : i32 {
      %sub3A = arith.subi %while3A_1157, %add3A_135 : i32
      %get3A_1159 = arith.index_cast %sub3A : i32 to index
      %get3A_1160 = arith.constant 0 : index
      %get3A_1161 = tpu.vector_load %arg6[%get3A_1159, %get3A_1160] {strides = array<i32>} : memref<512x16xf32, #tpu.memory_space<vmem>>, vector<1x16xf32>,
      %get3A_1162 = vector.shape_cast %get3A_1161 : vector<1x16xf32> to vector<16xf32>
      %add3A_1163 = arith.addf %while3A_1158, %get3A_1162 : vector<16xf32>
      scf.yield %add3A_1163 : vector<16xf32>
    }
    %get3A_503 = arith.constant 11 : i32
    %get3A_504 = arith.index_cast %get3A_503 : i32 to index
    %get3A_505 = arith.constant 0 : index
    %get3A_506 = tpu.vector_load %arg9[%get3A_504, %get3A_505] {strides = array<i32>} : memref<16x16xf32, #tpu.memory_space<vmem>>, vector<1x16xf32>,
    %get3A_507 = vector.shape_cast %get3A_506 : vector<1x16xf32> to vector<16xf32>
    %add3A_508 = arith.addf %get3A_507, %while3A_502 : vector<16xf32>
    %swap3A_509 = arith.constant 11 : i32
    %swap3A_510 = arith.index_cast %swap3A_509 : i32 to index
    %swap3A_511 = arith.constant 0 : index
    %swap3A_512 = tpu.vector_load %arg9[%swap3A_510, %swap3A_511] {strides = array<i32>} : memref<16x16xf32, #tpu.memory_space<vmem>>, vector<1x16xf32>,
    %swap3A_513 = vector.shape_cast %swap3A_512 : vector<1x16xf32> to vector<16xf32>
    %swap3A_514 = vector.shape_cast %add3A_508 : vector<16xf32> to vector<1x16xf32>
    tpu.vector_store %arg9[%swap3A_510, %swap3A_511], %swap3A_514 {strides = array<i32>} : memref<16x16xf32, #tpu.memory_space<vmem>>, vector<1x16xf32>,
    %slice3A_515 = vector.extract_strided_slice %get3A_4 {offsets = [12], sizes = [1], strides = [1]} : vector<16xi32> to vector<1xi32>
    %squeeze3A_516 = vector.extract %slice3A_515[0] : i32 from vector<1xi32>
    %max3A_517 = arith.maxsi %squeeze3A_516, %add3A_135 : i32
    %slice3A_518 = vector.extract_strided_slice %get3A_7 {offsets = [12], sizes = [1], strides = [1]} : vector<16xi32> to vector<1xi32>
    %squeeze3A_519 = vector.extract %slice3A_518[0] : i32 from vector<1xi32>
    %add3A_520 = arith.constant 512 : i32
    %add3A_521 = arith.addi %add3A_135, %add3A_520 : i32
    %min3A_522 = arith.minsi %squeeze3A_519, %add3A_521 : i32
    %broadcast_in_dim3A_523 = arith.constant 0.000000e+00 : f32
    %broadcast_in_dim3A_524 = vector.broadcast %broadcast_in_dim3A_523 : f32 to vector<16xf32>
    %while3A_525 = arith.subi %min3A_522, %max3A_517 : i32
    %while3A_526 = arith.addi %max3A_517, %while3A_525 : i32
    %while3A_527 = arith.constant 1 : i32
    %while3A_528 = arith.divsi %while3A_525, %while3A_527 : i32
    %while3A_529 = arith.muli %while3A_528, %while3A_527 : i32
    %while3A_530 = arith.addi %max3A_517, %while3A_529 : i32
    %while3A_531 = arith.constant 1 : i32
    %while3A_532 = scf.for %while3A_1157 = %max3A_517 to %while3A_530 step %while3A_531 iter_args(%while3A_1158 = %broadcast_in_dim3A_524) -> (vector<16xf32>)  : i32 {
      %sub3A = arith.subi %while3A_1157, %add3A_135 : i32
      %get3A_1159 = arith.index_cast %sub3A : i32 to index
      %get3A_1160 = arith.constant 0 : index
      %get3A_1161 = tpu.vector_load %arg6[%get3A_1159, %get3A_1160] {strides = array<i32>} : memref<512x16xf32, #tpu.memory_space<vmem>>, vector<1x16xf32>,
      %get3A_1162 = vector.shape_cast %get3A_1161 : vector<1x16xf32> to vector<16xf32>
      %add3A_1163 = arith.addf %while3A_1158, %get3A_1162 : vector<16xf32>
      scf.yield %add3A_1163 : vector<16xf32>
    }
    %while3A_533 = arith.constant 1 : i32
    %while3A_534 = scf.for %while3A_1157 = %while3A_530 to %while3A_526 step %while3A_533 iter_args(%while3A_1158 = %while3A_532) -> (vector<16xf32>)  : i32 {
      %sub3A = arith.subi %while3A_1157, %add3A_135 : i32
      %get3A_1159 = arith.index_cast %sub3A : i32 to index
      %get3A_1160 = arith.constant 0 : index
      %get3A_1161 = tpu.vector_load %arg6[%get3A_1159, %get3A_1160] {strides = array<i32>} : memref<512x16xf32, #tpu.memory_space<vmem>>, vector<1x16xf32>,
      %get3A_1162 = vector.shape_cast %get3A_1161 : vector<1x16xf32> to vector<16xf32>
      %add3A_1163 = arith.addf %while3A_1158, %get3A_1162 : vector<16xf32>
      scf.yield %add3A_1163 : vector<16xf32>
    }
    %get3A_535 = arith.constant 12 : i32
    %get3A_536 = arith.index_cast %get3A_535 : i32 to index
    %get3A_537 = arith.constant 0 : index
    %get3A_538 = tpu.vector_load %arg9[%get3A_536, %get3A_537] {strides = array<i32>} : memref<16x16xf32, #tpu.memory_space<vmem>>, vector<1x16xf32>,
    %get3A_539 = vector.shape_cast %get3A_538 : vector<1x16xf32> to vector<16xf32>
    %add3A_540 = arith.addf %get3A_539, %while3A_534 : vector<16xf32>
    %swap3A_541 = arith.constant 12 : i32
    %swap3A_542 = arith.index_cast %swap3A_541 : i32 to index
    %swap3A_543 = arith.constant 0 : index
    %swap3A_544 = tpu.vector_load %arg9[%swap3A_542, %swap3A_543] {strides = array<i32>} : memref<16x16xf32, #tpu.memory_space<vmem>>, vector<1x16xf32>,
    %swap3A_545 = vector.shape_cast %swap3A_544 : vector<1x16xf32> to vector<16xf32>
    %swap3A_546 = vector.shape_cast %add3A_540 : vector<16xf32> to vector<1x16xf32>
    tpu.vector_store %arg9[%swap3A_542, %swap3A_543], %swap3A_546 {strides = array<i32>} : memref<16x16xf32, #tpu.memory_space<vmem>>, vector<1x16xf32>,
    %slice3A_547 = vector.extract_strided_slice %get3A_4 {offsets = [13], sizes = [1], strides = [1]} : vector<16xi32> to vector<1xi32>
    %squeeze3A_548 = vector.extract %slice3A_547[0] : i32 from vector<1xi32>
    %max3A_549 = arith.maxsi %squeeze3A_548, %add3A_135 : i32
    %slice3A_550 = vector.extract_strided_slice %get3A_7 {offsets = [13], sizes = [1], strides = [1]} : vector<16xi32> to vector<1xi32>
    %squeeze3A_551 = vector.extract %slice3A_550[0] : i32 from vector<1xi32>
    %add3A_552 = arith.constant 512 : i32
    %add3A_553 = arith.addi %add3A_135, %add3A_552 : i32
    %min3A_554 = arith.minsi %squeeze3A_551, %add3A_553 : i32
    %broadcast_in_dim3A_555 = arith.constant 0.000000e+00 : f32
    %broadcast_in_dim3A_556 = vector.broadcast %broadcast_in_dim3A_555 : f32 to vector<16xf32>
    %while3A_557 = arith.subi %min3A_554, %max3A_549 : i32
    %while3A_558 = arith.addi %max3A_549, %while3A_557 : i32
    %while3A_559 = arith.constant 1 : i32
    %while3A_560 = arith.divsi %while3A_557, %while3A_559 : i32
    %while3A_561 = arith.muli %while3A_560, %while3A_559 : i32
    %while3A_562 = arith.addi %max3A_549, %while3A_561 : i32
    %while3A_563 = arith.constant 1 : i32
    %while3A_564 = scf.for %while3A_1157 = %max3A_549 to %while3A_562 step %while3A_563 iter_args(%while3A_1158 = %broadcast_in_dim3A_556) -> (vector<16xf32>)  : i32 {
      %sub3A = arith.subi %while3A_1157, %add3A_135 : i32
      %get3A_1159 = arith.index_cast %sub3A : i32 to index
      %get3A_1160 = arith.constant 0 : index
      %get3A_1161 = tpu.vector_load %arg6[%get3A_1159, %get3A_1160] {strides = array<i32>} : memref<512x16xf32, #tpu.memory_space<vmem>>, vector<1x16xf32>,
      %get3A_1162 = vector.shape_cast %get3A_1161 : vector<1x16xf32> to vector<16xf32>
      %add3A_1163 = arith.addf %while3A_1158, %get3A_1162 : vector<16xf32>
      scf.yield %add3A_1163 : vector<16xf32>
    }
    %while3A_565 = arith.constant 1 : i32
    %while3A_566 = scf.for %while3A_1157 = %while3A_562 to %while3A_558 step %while3A_565 iter_args(%while3A_1158 = %while3A_564) -> (vector<16xf32>)  : i32 {
      %sub3A = arith.subi %while3A_1157, %add3A_135 : i32
      %get3A_1159 = arith.index_cast %sub3A : i32 to index
      %get3A_1160 = arith.constant 0 : index
      %get3A_1161 = tpu.vector_load %arg6[%get3A_1159, %get3A_1160] {strides = array<i32>} : memref<512x16xf32, #tpu.memory_space<vmem>>, vector<1x16xf32>,
      %get3A_1162 = vector.shape_cast %get3A_1161 : vector<1x16xf32> to vector<16xf32>
      %add3A_1163 = arith.addf %while3A_1158, %get3A_1162 : vector<16xf32>
      scf.yield %add3A_1163 : vector<16xf32>
    }
    %get3A_567 = arith.constant 13 : i32
    %get3A_568 = arith.index_cast %get3A_567 : i32 to index
    %get3A_569 = arith.constant 0 : index
    %get3A_570 = tpu.vector_load %arg9[%get3A_568, %get3A_569] {strides = array<i32>} : memref<16x16xf32, #tpu.memory_space<vmem>>, vector<1x16xf32>,
    %get3A_571 = vector.shape_cast %get3A_570 : vector<1x16xf32> to vector<16xf32>
    %add3A_572 = arith.addf %get3A_571, %while3A_566 : vector<16xf32>
    %swap3A_573 = arith.constant 13 : i32
    %swap3A_574 = arith.index_cast %swap3A_573 : i32 to index
    %swap3A_575 = arith.constant 0 : index
    %swap3A_576 = tpu.vector_load %arg9[%swap3A_574, %swap3A_575] {strides = array<i32>} : memref<16x16xf32, #tpu.memory_space<vmem>>, vector<1x16xf32>,
    %swap3A_577 = vector.shape_cast %swap3A_576 : vector<1x16xf32> to vector<16xf32>
    %swap3A_578 = vector.shape_cast %add3A_572 : vector<16xf32> to vector<1x16xf32>
    tpu.vector_store %arg9[%swap3A_574, %swap3A_575], %swap3A_578 {strides = array<i32>} : memref<16x16xf32, #tpu.memory_space<vmem>>, vector<1x16xf32>,
    %slice3A_579 = vector.extract_strided_slice %get3A_4 {offsets = [14], sizes = [1], strides = [1]} : vector<16xi32> to vector<1xi32>
    %squeeze3A_580 = vector.extract %slice3A_579[0] : i32 from vector<1xi32>
    %max3A_581 = arith.maxsi %squeeze3A_580, %add3A_135 : i32
    %slice3A_582 = vector.extract_strided_slice %get3A_7 {offsets = [14], sizes = [1], strides = [1]} : vector<16xi32> to vector<1xi32>
    %squeeze3A_583 = vector.extract %slice3A_582[0] : i32 from vector<1xi32>
    %add3A_584 = arith.constant 512 : i32
    %add3A_585 = arith.addi %add3A_135, %add3A_584 : i32
    %min3A_586 = arith.minsi %squeeze3A_583, %add3A_585 : i32
    %broadcast_in_dim3A_587 = arith.constant 0.000000e+00 : f32
    %broadcast_in_dim3A_588 = vector.broadcast %broadcast_in_dim3A_587 : f32 to vector<16xf32>
    %while3A_589 = arith.subi %min3A_586, %max3A_581 : i32
    %while3A_590 = arith.addi %max3A_581, %while3A_589 : i32
    %while3A_591 = arith.constant 1 : i32
    %while3A_592 = arith.divsi %while3A_589, %while3A_591 : i32
    %while3A_593 = arith.muli %while3A_592, %while3A_591 : i32
    %while3A_594 = arith.addi %max3A_581, %while3A_593 : i32
    %while3A_595 = arith.constant 1 : i32
    %while3A_596 = scf.for %while3A_1157 = %max3A_581 to %while3A_594 step %while3A_595 iter_args(%while3A_1158 = %broadcast_in_dim3A_588) -> (vector<16xf32>)  : i32 {
      %sub3A = arith.subi %while3A_1157, %add3A_135 : i32
      %get3A_1159 = arith.index_cast %sub3A : i32 to index
      %get3A_1160 = arith.constant 0 : index
      %get3A_1161 = tpu.vector_load %arg6[%get3A_1159, %get3A_1160] {strides = array<i32>} : memref<512x16xf32, #tpu.memory_space<vmem>>, vector<1x16xf32>,
      %get3A_1162 = vector.shape_cast %get3A_1161 : vector<1x16xf32> to vector<16xf32>
      %add3A_1163 = arith.addf %while3A_1158, %get3A_1162 : vector<16xf32>
      scf.yield %add3A_1163 : vector<16xf32>
    }
    %while3A_597 = arith.constant 1 : i32
    %while3A_598 = scf.for %while3A_1157 = %while3A_594 to %while3A_590 step %while3A_597 iter_args(%while3A_1158 = %while3A_596) -> (vector<16xf32>)  : i32 {
      %sub3A = arith.subi %while3A_1157, %add3A_135 : i32
      %get3A_1159 = arith.index_cast %sub3A : i32 to index
      %get3A_1160 = arith.constant 0 : index
      %get3A_1161 = tpu.vector_load %arg6[%get3A_1159, %get3A_1160] {strides = array<i32>} : memref<512x16xf32, #tpu.memory_space<vmem>>, vector<1x16xf32>,
      %get3A_1162 = vector.shape_cast %get3A_1161 : vector<1x16xf32> to vector<16xf32>
      %add3A_1163 = arith.addf %while3A_1158, %get3A_1162 : vector<16xf32>
      scf.yield %add3A_1163 : vector<16xf32>
    }
    %get3A_599 = arith.constant 14 : i32
    %get3A_600 = arith.index_cast %get3A_599 : i32 to index
    %get3A_601 = arith.constant 0 : index
    %get3A_602 = tpu.vector_load %arg9[%get3A_600, %get3A_601] {strides = array<i32>} : memref<16x16xf32, #tpu.memory_space<vmem>>, vector<1x16xf32>,
    %get3A_603 = vector.shape_cast %get3A_602 : vector<1x16xf32> to vector<16xf32>
    %add3A_604 = arith.addf %get3A_603, %while3A_598 : vector<16xf32>
    %swap3A_605 = arith.constant 14 : i32
    %swap3A_606 = arith.index_cast %swap3A_605 : i32 to index
    %swap3A_607 = arith.constant 0 : index
    %swap3A_608 = tpu.vector_load %arg9[%swap3A_606, %swap3A_607] {strides = array<i32>} : memref<16x16xf32, #tpu.memory_space<vmem>>, vector<1x16xf32>,
    %swap3A_609 = vector.shape_cast %swap3A_608 : vector<1x16xf32> to vector<16xf32>
    %swap3A_610 = vector.shape_cast %add3A_604 : vector<16xf32> to vector<1x16xf32>
    tpu.vector_store %arg9[%swap3A_606, %swap3A_607], %swap3A_610 {strides = array<i32>} : memref<16x16xf32, #tpu.memory_space<vmem>>, vector<1x16xf32>,
    %slice3A_611 = vector.extract_strided_slice %get3A_4 {offsets = [15], sizes = [1], strides = [1]} : vector<16xi32> to vector<1xi32>
    %squeeze3A_612 = vector.extract %slice3A_611[0] : i32 from vector<1xi32>
    %max3A_613 = arith.maxsi %squeeze3A_612, %add3A_135 : i32
    %slice3A_614 = vector.extract_strided_slice %get3A_7 {offsets = [15], sizes = [1], strides = [1]} : vector<16xi32> to vector<1xi32>
    %squeeze3A_615 = vector.extract %slice3A_614[0] : i32 from vector<1xi32>
    %add3A_616 = arith.constant 512 : i32
    %add3A_617 = arith.addi %add3A_135, %add3A_616 : i32
    %min3A_618 = arith.minsi %squeeze3A_615, %add3A_617 : i32
    %broadcast_in_dim3A_619 = arith.constant 0.000000e+00 : f32
    %broadcast_in_dim3A_620 = vector.broadcast %broadcast_in_dim3A_619 : f32 to vector<16xf32>
    %while3A_621 = arith.subi %min3A_618, %max3A_613 : i32
    %while3A_622 = arith.addi %max3A_613, %while3A_621 : i32
    %while3A_623 = arith.constant 1 : i32
    %while3A_624 = arith.divsi %while3A_621, %while3A_623 : i32
    %while3A_625 = arith.muli %while3A_624, %while3A_623 : i32
    %while3A_626 = arith.addi %max3A_613, %while3A_625 : i32
    %while3A_627 = arith.constant 1 : i32
    %while3A_628 = scf.for %while3A_1157 = %max3A_613 to %while3A_626 step %while3A_627 iter_args(%while3A_1158 = %broadcast_in_dim3A_620) -> (vector<16xf32>)  : i32 {
      %sub3A = arith.subi %while3A_1157, %add3A_135 : i32
      %get3A_1159 = arith.index_cast %sub3A : i32 to index
      %get3A_1160 = arith.constant 0 : index
      %get3A_1161 = tpu.vector_load %arg6[%get3A_1159, %get3A_1160] {strides = array<i32>} : memref<512x16xf32, #tpu.memory_space<vmem>>, vector<1x16xf32>,
      %get3A_1162 = vector.shape_cast %get3A_1161 : vector<1x16xf32> to vector<16xf32>
      %add3A_1163 = arith.addf %while3A_1158, %get3A_1162 : vector<16xf32>
      scf.yield %add3A_1163 : vector<16xf32>
    }
    %while3A_629 = arith.constant 1 : i32
    %while3A_630 = scf.for %while3A_1157 = %while3A_626 to %while3A_622 step %while3A_629 iter_args(%while3A_1158 = %while3A_628) -> (vector<16xf32>)  : i32 {
      %sub3A = arith.subi %while3A_1157, %add3A_135 : i32
      %get3A_1159 = arith.index_cast %sub3A : i32 to index
      %get3A_1160 = arith.constant 0 : index
      %get3A_1161 = tpu.vector_load %arg6[%get3A_1159, %get3A_1160] {strides = array<i32>} : memref<512x16xf32, #tpu.memory_space<vmem>>, vector<1x16xf32>,
      %get3A_1162 = vector.shape_cast %get3A_1161 : vector<1x16xf32> to vector<16xf32>
      %add3A_1163 = arith.addf %while3A_1158, %get3A_1162 : vector<16xf32>
      scf.yield %add3A_1163 : vector<16xf32>
    }
    %get3A_631 = arith.constant 15 : i32
    %get3A_632 = arith.index_cast %get3A_631 : i32 to index
    %get3A_633 = arith.constant 0 : index
    %get3A_634 = tpu.vector_load %arg9[%get3A_632, %get3A_633] {strides = array<i32>} : memref<16x16xf32, #tpu.memory_space<vmem>>, vector<1x16xf32>,
    %get3A_635 = vector.shape_cast %get3A_634 : vector<1x16xf32> to vector<16xf32>
    %add3A_636 = arith.addf %get3A_635, %while3A_630 : vector<16xf32>
    %swap3A_637 = arith.constant 15 : i32
    %swap3A_638 = arith.index_cast %swap3A_637 : i32 to index
    %swap3A_639 = arith.constant 0 : index
    %swap3A_640 = tpu.vector_load %arg9[%swap3A_638, %swap3A_639] {strides = array<i32>} : memref<16x16xf32, #tpu.memory_space<vmem>>, vector<1x16xf32>,
    %swap3A_641 = vector.shape_cast %swap3A_640 : vector<1x16xf32> to vector<16xf32>
    %swap3A_642 = vector.shape_cast %add3A_636 : vector<16xf32> to vector<1x16xf32>
    tpu.vector_store %arg9[%swap3A_638, %swap3A_639], %swap3A_642 {strides = array<i32>} : memref<16x16xf32, #tpu.memory_space<vmem>>, vector<1x16xf32>,
    %add3A_643 = arith.constant 512 : i32
    %add3A_644 = arith.addi %mul3A_2, %add3A_643 : i32
    "tpu.region"() ({
      %run_scoped3A = tpu.sem_alloc : memref<!tpu.dma_semaphore, #tpu.memory_space<semaphore_mem>>
      %dma_start3A = arith.constant 0 : i32
      %dma_start3A_1157 = tpu.memref_slice %arg2[%add3A_644, %dma_start3A] : memref<32768x16xf32, #tpu.memory_space<hbm>> -> memref<512x16xf32, #tpu.memory_space<hbm>>
      %dma_start3A_1158 = arith.constant 0 : i32
      %dma_start3A_1159 = tpu.memref_slice %arg2[%add3A_644, %dma_start3A_1158] : memref<32768x16xf32, #tpu.memory_space<hbm>> -> memref<512x16xf32, #tpu.memory_space<hbm>>
      tpu.enqueue_dma source(%dma_start3A_1159 : memref<512x16xf32, #tpu.memory_space<hbm>>) target(%arg6 : memref<512x16xf32, #tpu.memory_space<vmem>>) target_semaphore(%run_scoped3A : memref<!tpu.dma_semaphore, #tpu.memory_space<semaphore_mem>>)
      %dma_wait3A = arith.constant 0 : i32
      %dma_wait3A_1160 = tpu.memref_slice %arg2[%add3A_644, %dma_wait3A] : memref<32768x16xf32, #tpu.memory_space<hbm>> -> memref<512x16xf32, #tpu.memory_space<hbm>>
      %dma_wait3A_1161 = arith.constant 0 : i32
      %dma_wait3A_1162 = tpu.memref_slice %arg2[%add3A_644, %dma_wait3A_1161] : memref<32768x16xf32, #tpu.memory_space<hbm>> -> memref<512x16xf32, #tpu.memory_space<hbm>>
      tpu.wait_dma2 semaphore(%run_scoped3A : memref<!tpu.dma_semaphore, #tpu.memory_space<semaphore_mem>>) src(%dma_wait3A_1162 : memref<512x16xf32, #tpu.memory_space<hbm>>) dst(%arg6 : memref<512x16xf32, #tpu.memory_space<vmem>>)
      tpu.yield
    }) : () -> ()
    %slice3A_645 = vector.extract_strided_slice %get3A_4 {offsets = [0], sizes = [1], strides = [1]} : vector<16xi32> to vector<1xi32>
    %squeeze3A_646 = vector.extract %slice3A_645[0] : i32 from vector<1xi32>
    %max3A_647 = arith.maxsi %squeeze3A_646, %add3A_644 : i32
    %slice3A_648 = vector.extract_strided_slice %get3A_7 {offsets = [0], sizes = [1], strides = [1]} : vector<16xi32> to vector<1xi32>
    %squeeze3A_649 = vector.extract %slice3A_648[0] : i32 from vector<1xi32>
    %add3A_650 = arith.constant 512 : i32
    %add3A_651 = arith.addi %add3A_644, %add3A_650 : i32
    %min3A_652 = arith.minsi %squeeze3A_649, %add3A_651 : i32
    %broadcast_in_dim3A_653 = arith.constant 0.000000e+00 : f32
    %broadcast_in_dim3A_654 = vector.broadcast %broadcast_in_dim3A_653 : f32 to vector<16xf32>
    %while3A_655 = arith.subi %min3A_652, %max3A_647 : i32
    %while3A_656 = arith.addi %max3A_647, %while3A_655 : i32
    %while3A_657 = arith.constant 1 : i32
    %while3A_658 = arith.divsi %while3A_655, %while3A_657 : i32
    %while3A_659 = arith.muli %while3A_658, %while3A_657 : i32
    %while3A_660 = arith.addi %max3A_647, %while3A_659 : i32
    %while3A_661 = arith.constant 1 : i32
    %while3A_662 = scf.for %while3A_1157 = %max3A_647 to %while3A_660 step %while3A_661 iter_args(%while3A_1158 = %broadcast_in_dim3A_654) -> (vector<16xf32>)  : i32 {
      %sub3A = arith.subi %while3A_1157, %add3A_644 : i32
      %get3A_1159 = arith.index_cast %sub3A : i32 to index
      %get3A_1160 = arith.constant 0 : index
      %get3A_1161 = tpu.vector_load %arg6[%get3A_1159, %get3A_1160] {strides = array<i32>} : memref<512x16xf32, #tpu.memory_space<vmem>>, vector<1x16xf32>,
      %get3A_1162 = vector.shape_cast %get3A_1161 : vector<1x16xf32> to vector<16xf32>
      %add3A_1163 = arith.addf %while3A_1158, %get3A_1162 : vector<16xf32>
      scf.yield %add3A_1163 : vector<16xf32>
    }
    %while3A_663 = arith.constant 1 : i32
    %while3A_664 = scf.for %while3A_1157 = %while3A_660 to %while3A_656 step %while3A_663 iter_args(%while3A_1158 = %while3A_662) -> (vector<16xf32>)  : i32 {
      %sub3A = arith.subi %while3A_1157, %add3A_644 : i32
      %get3A_1159 = arith.index_cast %sub3A : i32 to index
      %get3A_1160 = arith.constant 0 : index
      %get3A_1161 = tpu.vector_load %arg6[%get3A_1159, %get3A_1160] {strides = array<i32>} : memref<512x16xf32, #tpu.memory_space<vmem>>, vector<1x16xf32>,
      %get3A_1162 = vector.shape_cast %get3A_1161 : vector<1x16xf32> to vector<16xf32>
      %add3A_1163 = arith.addf %while3A_1158, %get3A_1162 : vector<16xf32>
      scf.yield %add3A_1163 : vector<16xf32>
    }
    %get3A_665 = arith.constant 0 : i32
    %get3A_666 = arith.index_cast %get3A_665 : i32 to index
    %get3A_667 = arith.constant 0 : index
    %get3A_668 = tpu.vector_load %arg9[%get3A_666, %get3A_667] {strides = array<i32>} : memref<16x16xf32, #tpu.memory_space<vmem>>, vector<1x16xf32>,
    %get3A_669 = vector.shape_cast %get3A_668 : vector<1x16xf32> to vector<16xf32>
    %add3A_670 = arith.addf %get3A_669, %while3A_664 : vector<16xf32>
    %swap3A_671 = arith.constant 0 : i32
    %swap3A_672 = arith.index_cast %swap3A_671 : i32 to index
    %swap3A_673 = arith.constant 0 : index
    %swap3A_674 = tpu.vector_load %arg9[%swap3A_672, %swap3A_673] {strides = array<i32>} : memref<16x16xf32, #tpu.memory_space<vmem>>, vector<1x16xf32>,
    %swap3A_675 = vector.shape_cast %swap3A_674 : vector<1x16xf32> to vector<16xf32>
    %swap3A_676 = vector.shape_cast %add3A_670 : vector<16xf32> to vector<1x16xf32>
    tpu.vector_store %arg9[%swap3A_672, %swap3A_673], %swap3A_676 {strides = array<i32>} : memref<16x16xf32, #tpu.memory_space<vmem>>, vector<1x16xf32>,
    %slice3A_677 = vector.extract_strided_slice %get3A_4 {offsets = [1], sizes = [1], strides = [1]} : vector<16xi32> to vector<1xi32>
    %squeeze3A_678 = vector.extract %slice3A_677[0] : i32 from vector<1xi32>
    %max3A_679 = arith.maxsi %squeeze3A_678, %add3A_644 : i32
    %slice3A_680 = vector.extract_strided_slice %get3A_7 {offsets = [1], sizes = [1], strides = [1]} : vector<16xi32> to vector<1xi32>
    %squeeze3A_681 = vector.extract %slice3A_680[0] : i32 from vector<1xi32>
    %add3A_682 = arith.constant 512 : i32
    %add3A_683 = arith.addi %add3A_644, %add3A_682 : i32
    %min3A_684 = arith.minsi %squeeze3A_681, %add3A_683 : i32
    %broadcast_in_dim3A_685 = arith.constant 0.000000e+00 : f32
    %broadcast_in_dim3A_686 = vector.broadcast %broadcast_in_dim3A_685 : f32 to vector<16xf32>
    %while3A_687 = arith.subi %min3A_684, %max3A_679 : i32
    %while3A_688 = arith.addi %max3A_679, %while3A_687 : i32
    %while3A_689 = arith.constant 1 : i32
    %while3A_690 = arith.divsi %while3A_687, %while3A_689 : i32
    %while3A_691 = arith.muli %while3A_690, %while3A_689 : i32
    %while3A_692 = arith.addi %max3A_679, %while3A_691 : i32
    %while3A_693 = arith.constant 1 : i32
    %while3A_694 = scf.for %while3A_1157 = %max3A_679 to %while3A_692 step %while3A_693 iter_args(%while3A_1158 = %broadcast_in_dim3A_686) -> (vector<16xf32>)  : i32 {
      %sub3A = arith.subi %while3A_1157, %add3A_644 : i32
      %get3A_1159 = arith.index_cast %sub3A : i32 to index
      %get3A_1160 = arith.constant 0 : index
      %get3A_1161 = tpu.vector_load %arg6[%get3A_1159, %get3A_1160] {strides = array<i32>} : memref<512x16xf32, #tpu.memory_space<vmem>>, vector<1x16xf32>,
      %get3A_1162 = vector.shape_cast %get3A_1161 : vector<1x16xf32> to vector<16xf32>
      %add3A_1163 = arith.addf %while3A_1158, %get3A_1162 : vector<16xf32>
      scf.yield %add3A_1163 : vector<16xf32>
    }
    %while3A_695 = arith.constant 1 : i32
    %while3A_696 = scf.for %while3A_1157 = %while3A_692 to %while3A_688 step %while3A_695 iter_args(%while3A_1158 = %while3A_694) -> (vector<16xf32>)  : i32 {
      %sub3A = arith.subi %while3A_1157, %add3A_644 : i32
      %get3A_1159 = arith.index_cast %sub3A : i32 to index
      %get3A_1160 = arith.constant 0 : index
      %get3A_1161 = tpu.vector_load %arg6[%get3A_1159, %get3A_1160] {strides = array<i32>} : memref<512x16xf32, #tpu.memory_space<vmem>>, vector<1x16xf32>,
      %get3A_1162 = vector.shape_cast %get3A_1161 : vector<1x16xf32> to vector<16xf32>
      %add3A_1163 = arith.addf %while3A_1158, %get3A_1162 : vector<16xf32>
      scf.yield %add3A_1163 : vector<16xf32>
    }
    %get3A_697 = arith.constant 1 : i32
    %get3A_698 = arith.index_cast %get3A_697 : i32 to index
    %get3A_699 = arith.constant 0 : index
    %get3A_700 = tpu.vector_load %arg9[%get3A_698, %get3A_699] {strides = array<i32>} : memref<16x16xf32, #tpu.memory_space<vmem>>, vector<1x16xf32>,
    %get3A_701 = vector.shape_cast %get3A_700 : vector<1x16xf32> to vector<16xf32>
    %add3A_702 = arith.addf %get3A_701, %while3A_696 : vector<16xf32>
    %swap3A_703 = arith.constant 1 : i32
    %swap3A_704 = arith.index_cast %swap3A_703 : i32 to index
    %swap3A_705 = arith.constant 0 : index
    %swap3A_706 = tpu.vector_load %arg9[%swap3A_704, %swap3A_705] {strides = array<i32>} : memref<16x16xf32, #tpu.memory_space<vmem>>, vector<1x16xf32>,
    %swap3A_707 = vector.shape_cast %swap3A_706 : vector<1x16xf32> to vector<16xf32>
    %swap3A_708 = vector.shape_cast %add3A_702 : vector<16xf32> to vector<1x16xf32>
    tpu.vector_store %arg9[%swap3A_704, %swap3A_705], %swap3A_708 {strides = array<i32>} : memref<16x16xf32, #tpu.memory_space<vmem>>, vector<1x16xf32>,
    %slice3A_709 = vector.extract_strided_slice %get3A_4 {offsets = [2], sizes = [1], strides = [1]} : vector<16xi32> to vector<1xi32>
    %squeeze3A_710 = vector.extract %slice3A_709[0] : i32 from vector<1xi32>
    %max3A_711 = arith.maxsi %squeeze3A_710, %add3A_644 : i32
    %slice3A_712 = vector.extract_strided_slice %get3A_7 {offsets = [2], sizes = [1], strides = [1]} : vector<16xi32> to vector<1xi32>
    %squeeze3A_713 = vector.extract %slice3A_712[0] : i32 from vector<1xi32>
    %add3A_714 = arith.constant 512 : i32
    %add3A_715 = arith.addi %add3A_644, %add3A_714 : i32
    %min3A_716 = arith.minsi %squeeze3A_713, %add3A_715 : i32
    %broadcast_in_dim3A_717 = arith.constant 0.000000e+00 : f32
    %broadcast_in_dim3A_718 = vector.broadcast %broadcast_in_dim3A_717 : f32 to vector<16xf32>
    %while3A_719 = arith.subi %min3A_716, %max3A_711 : i32
    %while3A_720 = arith.addi %max3A_711, %while3A_719 : i32
    %while3A_721 = arith.constant 1 : i32
    %while3A_722 = arith.divsi %while3A_719, %while3A_721 : i32
    %while3A_723 = arith.muli %while3A_722, %while3A_721 : i32
    %while3A_724 = arith.addi %max3A_711, %while3A_723 : i32
    %while3A_725 = arith.constant 1 : i32
    %while3A_726 = scf.for %while3A_1157 = %max3A_711 to %while3A_724 step %while3A_725 iter_args(%while3A_1158 = %broadcast_in_dim3A_718) -> (vector<16xf32>)  : i32 {
      %sub3A = arith.subi %while3A_1157, %add3A_644 : i32
      %get3A_1159 = arith.index_cast %sub3A : i32 to index
      %get3A_1160 = arith.constant 0 : index
      %get3A_1161 = tpu.vector_load %arg6[%get3A_1159, %get3A_1160] {strides = array<i32>} : memref<512x16xf32, #tpu.memory_space<vmem>>, vector<1x16xf32>,
      %get3A_1162 = vector.shape_cast %get3A_1161 : vector<1x16xf32> to vector<16xf32>
      %add3A_1163 = arith.addf %while3A_1158, %get3A_1162 : vector<16xf32>
      scf.yield %add3A_1163 : vector<16xf32>
    }
    %while3A_727 = arith.constant 1 : i32
    %while3A_728 = scf.for %while3A_1157 = %while3A_724 to %while3A_720 step %while3A_727 iter_args(%while3A_1158 = %while3A_726) -> (vector<16xf32>)  : i32 {
      %sub3A = arith.subi %while3A_1157, %add3A_644 : i32
      %get3A_1159 = arith.index_cast %sub3A : i32 to index
      %get3A_1160 = arith.constant 0 : index
      %get3A_1161 = tpu.vector_load %arg6[%get3A_1159, %get3A_1160] {strides = array<i32>} : memref<512x16xf32, #tpu.memory_space<vmem>>, vector<1x16xf32>,
      %get3A_1162 = vector.shape_cast %get3A_1161 : vector<1x16xf32> to vector<16xf32>
      %add3A_1163 = arith.addf %while3A_1158, %get3A_1162 : vector<16xf32>
      scf.yield %add3A_1163 : vector<16xf32>
    }
    %get3A_729 = arith.constant 2 : i32
    %get3A_730 = arith.index_cast %get3A_729 : i32 to index
    %get3A_731 = arith.constant 0 : index
    %get3A_732 = tpu.vector_load %arg9[%get3A_730, %get3A_731] {strides = array<i32>} : memref<16x16xf32, #tpu.memory_space<vmem>>, vector<1x16xf32>,
    %get3A_733 = vector.shape_cast %get3A_732 : vector<1x16xf32> to vector<16xf32>
    %add3A_734 = arith.addf %get3A_733, %while3A_728 : vector<16xf32>
    %swap3A_735 = arith.constant 2 : i32
    %swap3A_736 = arith.index_cast %swap3A_735 : i32 to index
    %swap3A_737 = arith.constant 0 : index
    %swap3A_738 = tpu.vector_load %arg9[%swap3A_736, %swap3A_737] {strides = array<i32>} : memref<16x16xf32, #tpu.memory_space<vmem>>, vector<1x16xf32>,
    %swap3A_739 = vector.shape_cast %swap3A_738 : vector<1x16xf32> to vector<16xf32>
    %swap3A_740 = vector.shape_cast %add3A_734 : vector<16xf32> to vector<1x16xf32>
    tpu.vector_store %arg9[%swap3A_736, %swap3A_737], %swap3A_740 {strides = array<i32>} : memref<16x16xf32, #tpu.memory_space<vmem>>, vector<1x16xf32>,
    %slice3A_741 = vector.extract_strided_slice %get3A_4 {offsets = [3], sizes = [1], strides = [1]} : vector<16xi32> to vector<1xi32>
    %squeeze3A_742 = vector.extract %slice3A_741[0] : i32 from vector<1xi32>
    %max3A_743 = arith.maxsi %squeeze3A_742, %add3A_644 : i32
    %slice3A_744 = vector.extract_strided_slice %get3A_7 {offsets = [3], sizes = [1], strides = [1]} : vector<16xi32> to vector<1xi32>
    %squeeze3A_745 = vector.extract %slice3A_744[0] : i32 from vector<1xi32>
    %add3A_746 = arith.constant 512 : i32
    %add3A_747 = arith.addi %add3A_644, %add3A_746 : i32
    %min3A_748 = arith.minsi %squeeze3A_745, %add3A_747 : i32
    %broadcast_in_dim3A_749 = arith.constant 0.000000e+00 : f32
    %broadcast_in_dim3A_750 = vector.broadcast %broadcast_in_dim3A_749 : f32 to vector<16xf32>
    %while3A_751 = arith.subi %min3A_748, %max3A_743 : i32
    %while3A_752 = arith.addi %max3A_743, %while3A_751 : i32
    %while3A_753 = arith.constant 1 : i32
    %while3A_754 = arith.divsi %while3A_751, %while3A_753 : i32
    %while3A_755 = arith.muli %while3A_754, %while3A_753 : i32
    %while3A_756 = arith.addi %max3A_743, %while3A_755 : i32
    %while3A_757 = arith.constant 1 : i32
    %while3A_758 = scf.for %while3A_1157 = %max3A_743 to %while3A_756 step %while3A_757 iter_args(%while3A_1158 = %broadcast_in_dim3A_750) -> (vector<16xf32>)  : i32 {
      %sub3A = arith.subi %while3A_1157, %add3A_644 : i32
      %get3A_1159 = arith.index_cast %sub3A : i32 to index
      %get3A_1160 = arith.constant 0 : index
      %get3A_1161 = tpu.vector_load %arg6[%get3A_1159, %get3A_1160] {strides = array<i32>} : memref<512x16xf32, #tpu.memory_space<vmem>>, vector<1x16xf32>,
      %get3A_1162 = vector.shape_cast %get3A_1161 : vector<1x16xf32> to vector<16xf32>
      %add3A_1163 = arith.addf %while3A_1158, %get3A_1162 : vector<16xf32>
      scf.yield %add3A_1163 : vector<16xf32>
    }
    %while3A_759 = arith.constant 1 : i32
    %while3A_760 = scf.for %while3A_1157 = %while3A_756 to %while3A_752 step %while3A_759 iter_args(%while3A_1158 = %while3A_758) -> (vector<16xf32>)  : i32 {
      %sub3A = arith.subi %while3A_1157, %add3A_644 : i32
      %get3A_1159 = arith.index_cast %sub3A : i32 to index
      %get3A_1160 = arith.constant 0 : index
      %get3A_1161 = tpu.vector_load %arg6[%get3A_1159, %get3A_1160] {strides = array<i32>} : memref<512x16xf32, #tpu.memory_space<vmem>>, vector<1x16xf32>,
      %get3A_1162 = vector.shape_cast %get3A_1161 : vector<1x16xf32> to vector<16xf32>
      %add3A_1163 = arith.addf %while3A_1158, %get3A_1162 : vector<16xf32>
      scf.yield %add3A_1163 : vector<16xf32>
    }
    %get3A_761 = arith.constant 3 : i32
    %get3A_762 = arith.index_cast %get3A_761 : i32 to index
    %get3A_763 = arith.constant 0 : index
    %get3A_764 = tpu.vector_load %arg9[%get3A_762, %get3A_763] {strides = array<i32>} : memref<16x16xf32, #tpu.memory_space<vmem>>, vector<1x16xf32>,
    %get3A_765 = vector.shape_cast %get3A_764 : vector<1x16xf32> to vector<16xf32>
    %add3A_766 = arith.addf %get3A_765, %while3A_760 : vector<16xf32>
    %swap3A_767 = arith.constant 3 : i32
    %swap3A_768 = arith.index_cast %swap3A_767 : i32 to index
    %swap3A_769 = arith.constant 0 : index
    %swap3A_770 = tpu.vector_load %arg9[%swap3A_768, %swap3A_769] {strides = array<i32>} : memref<16x16xf32, #tpu.memory_space<vmem>>, vector<1x16xf32>,
    %swap3A_771 = vector.shape_cast %swap3A_770 : vector<1x16xf32> to vector<16xf32>
    %swap3A_772 = vector.shape_cast %add3A_766 : vector<16xf32> to vector<1x16xf32>
    tpu.vector_store %arg9[%swap3A_768, %swap3A_769], %swap3A_772 {strides = array<i32>} : memref<16x16xf32, #tpu.memory_space<vmem>>, vector<1x16xf32>,
    %slice3A_773 = vector.extract_strided_slice %get3A_4 {offsets = [4], sizes = [1], strides = [1]} : vector<16xi32> to vector<1xi32>
    %squeeze3A_774 = vector.extract %slice3A_773[0] : i32 from vector<1xi32>
    %max3A_775 = arith.maxsi %squeeze3A_774, %add3A_644 : i32
    %slice3A_776 = vector.extract_strided_slice %get3A_7 {offsets = [4], sizes = [1], strides = [1]} : vector<16xi32> to vector<1xi32>
    %squeeze3A_777 = vector.extract %slice3A_776[0] : i32 from vector<1xi32>
    %add3A_778 = arith.constant 512 : i32
    %add3A_779 = arith.addi %add3A_644, %add3A_778 : i32
    %min3A_780 = arith.minsi %squeeze3A_777, %add3A_779 : i32
    %broadcast_in_dim3A_781 = arith.constant 0.000000e+00 : f32
    %broadcast_in_dim3A_782 = vector.broadcast %broadcast_in_dim3A_781 : f32 to vector<16xf32>
    %while3A_783 = arith.subi %min3A_780, %max3A_775 : i32
    %while3A_784 = arith.addi %max3A_775, %while3A_783 : i32
    %while3A_785 = arith.constant 1 : i32
    %while3A_786 = arith.divsi %while3A_783, %while3A_785 : i32
    %while3A_787 = arith.muli %while3A_786, %while3A_785 : i32
    %while3A_788 = arith.addi %max3A_775, %while3A_787 : i32
    %while3A_789 = arith.constant 1 : i32
    %while3A_790 = scf.for %while3A_1157 = %max3A_775 to %while3A_788 step %while3A_789 iter_args(%while3A_1158 = %broadcast_in_dim3A_782) -> (vector<16xf32>)  : i32 {
      %sub3A = arith.subi %while3A_1157, %add3A_644 : i32
      %get3A_1159 = arith.index_cast %sub3A : i32 to index
      %get3A_1160 = arith.constant 0 : index
      %get3A_1161 = tpu.vector_load %arg6[%get3A_1159, %get3A_1160] {strides = array<i32>} : memref<512x16xf32, #tpu.memory_space<vmem>>, vector<1x16xf32>,
      %get3A_1162 = vector.shape_cast %get3A_1161 : vector<1x16xf32> to vector<16xf32>
      %add3A_1163 = arith.addf %while3A_1158, %get3A_1162 : vector<16xf32>
      scf.yield %add3A_1163 : vector<16xf32>
    }
    %while3A_791 = arith.constant 1 : i32
    %while3A_792 = scf.for %while3A_1157 = %while3A_788 to %while3A_784 step %while3A_791 iter_args(%while3A_1158 = %while3A_790) -> (vector<16xf32>)  : i32 {
      %sub3A = arith.subi %while3A_1157, %add3A_644 : i32
      %get3A_1159 = arith.index_cast %sub3A : i32 to index
      %get3A_1160 = arith.constant 0 : index
      %get3A_1161 = tpu.vector_load %arg6[%get3A_1159, %get3A_1160] {strides = array<i32>} : memref<512x16xf32, #tpu.memory_space<vmem>>, vector<1x16xf32>,
      %get3A_1162 = vector.shape_cast %get3A_1161 : vector<1x16xf32> to vector<16xf32>
      %add3A_1163 = arith.addf %while3A_1158, %get3A_1162 : vector<16xf32>
      scf.yield %add3A_1163 : vector<16xf32>
    }
    %get3A_793 = arith.constant 4 : i32
    %get3A_794 = arith.index_cast %get3A_793 : i32 to index
    %get3A_795 = arith.constant 0 : index
    %get3A_796 = tpu.vector_load %arg9[%get3A_794, %get3A_795] {strides = array<i32>} : memref<16x16xf32, #tpu.memory_space<vmem>>, vector<1x16xf32>,
    %get3A_797 = vector.shape_cast %get3A_796 : vector<1x16xf32> to vector<16xf32>
    %add3A_798 = arith.addf %get3A_797, %while3A_792 : vector<16xf32>
    %swap3A_799 = arith.constant 4 : i32
    %swap3A_800 = arith.index_cast %swap3A_799 : i32 to index
    %swap3A_801 = arith.constant 0 : index
    %swap3A_802 = tpu.vector_load %arg9[%swap3A_800, %swap3A_801] {strides = array<i32>} : memref<16x16xf32, #tpu.memory_space<vmem>>, vector<1x16xf32>,
    %swap3A_803 = vector.shape_cast %swap3A_802 : vector<1x16xf32> to vector<16xf32>
    %swap3A_804 = vector.shape_cast %add3A_798 : vector<16xf32> to vector<1x16xf32>
    tpu.vector_store %arg9[%swap3A_800, %swap3A_801], %swap3A_804 {strides = array<i32>} : memref<16x16xf32, #tpu.memory_space<vmem>>, vector<1x16xf32>,
    %slice3A_805 = vector.extract_strided_slice %get3A_4 {offsets = [5], sizes = [1], strides = [1]} : vector<16xi32> to vector<1xi32>
    %squeeze3A_806 = vector.extract %slice3A_805[0] : i32 from vector<1xi32>
    %max3A_807 = arith.maxsi %squeeze3A_806, %add3A_644 : i32
    %slice3A_808 = vector.extract_strided_slice %get3A_7 {offsets = [5], sizes = [1], strides = [1]} : vector<16xi32> to vector<1xi32>
    %squeeze3A_809 = vector.extract %slice3A_808[0] : i32 from vector<1xi32>
    %add3A_810 = arith.constant 512 : i32
    %add3A_811 = arith.addi %add3A_644, %add3A_810 : i32
    %min3A_812 = arith.minsi %squeeze3A_809, %add3A_811 : i32
    %broadcast_in_dim3A_813 = arith.constant 0.000000e+00 : f32
    %broadcast_in_dim3A_814 = vector.broadcast %broadcast_in_dim3A_813 : f32 to vector<16xf32>
    %while3A_815 = arith.subi %min3A_812, %max3A_807 : i32
    %while3A_816 = arith.addi %max3A_807, %while3A_815 : i32
    %while3A_817 = arith.constant 1 : i32
    %while3A_818 = arith.divsi %while3A_815, %while3A_817 : i32
    %while3A_819 = arith.muli %while3A_818, %while3A_817 : i32
    %while3A_820 = arith.addi %max3A_807, %while3A_819 : i32
    %while3A_821 = arith.constant 1 : i32
    %while3A_822 = scf.for %while3A_1157 = %max3A_807 to %while3A_820 step %while3A_821 iter_args(%while3A_1158 = %broadcast_in_dim3A_814) -> (vector<16xf32>)  : i32 {
      %sub3A = arith.subi %while3A_1157, %add3A_644 : i32
      %get3A_1159 = arith.index_cast %sub3A : i32 to index
      %get3A_1160 = arith.constant 0 : index
      %get3A_1161 = tpu.vector_load %arg6[%get3A_1159, %get3A_1160] {strides = array<i32>} : memref<512x16xf32, #tpu.memory_space<vmem>>, vector<1x16xf32>,
      %get3A_1162 = vector.shape_cast %get3A_1161 : vector<1x16xf32> to vector<16xf32>
      %add3A_1163 = arith.addf %while3A_1158, %get3A_1162 : vector<16xf32>
      scf.yield %add3A_1163 : vector<16xf32>
    }
    %while3A_823 = arith.constant 1 : i32
    %while3A_824 = scf.for %while3A_1157 = %while3A_820 to %while3A_816 step %while3A_823 iter_args(%while3A_1158 = %while3A_822) -> (vector<16xf32>)  : i32 {
      %sub3A = arith.subi %while3A_1157, %add3A_644 : i32
      %get3A_1159 = arith.index_cast %sub3A : i32 to index
      %get3A_1160 = arith.constant 0 : index
      %get3A_1161 = tpu.vector_load %arg6[%get3A_1159, %get3A_1160] {strides = array<i32>} : memref<512x16xf32, #tpu.memory_space<vmem>>, vector<1x16xf32>,
      %get3A_1162 = vector.shape_cast %get3A_1161 : vector<1x16xf32> to vector<16xf32>
      %add3A_1163 = arith.addf %while3A_1158, %get3A_1162 : vector<16xf32>
      scf.yield %add3A_1163 : vector<16xf32>
    }
    %get3A_825 = arith.constant 5 : i32
    %get3A_826 = arith.index_cast %get3A_825 : i32 to index
    %get3A_827 = arith.constant 0 : index
    %get3A_828 = tpu.vector_load %arg9[%get3A_826, %get3A_827] {strides = array<i32>} : memref<16x16xf32, #tpu.memory_space<vmem>>, vector<1x16xf32>,
    %get3A_829 = vector.shape_cast %get3A_828 : vector<1x16xf32> to vector<16xf32>
    %add3A_830 = arith.addf %get3A_829, %while3A_824 : vector<16xf32>
    %swap3A_831 = arith.constant 5 : i32
    %swap3A_832 = arith.index_cast %swap3A_831 : i32 to index
    %swap3A_833 = arith.constant 0 : index
    %swap3A_834 = tpu.vector_load %arg9[%swap3A_832, %swap3A_833] {strides = array<i32>} : memref<16x16xf32, #tpu.memory_space<vmem>>, vector<1x16xf32>,
    %swap3A_835 = vector.shape_cast %swap3A_834 : vector<1x16xf32> to vector<16xf32>
    %swap3A_836 = vector.shape_cast %add3A_830 : vector<16xf32> to vector<1x16xf32>
    tpu.vector_store %arg9[%swap3A_832, %swap3A_833], %swap3A_836 {strides = array<i32>} : memref<16x16xf32, #tpu.memory_space<vmem>>, vector<1x16xf32>,
    %slice3A_837 = vector.extract_strided_slice %get3A_4 {offsets = [6], sizes = [1], strides = [1]} : vector<16xi32> to vector<1xi32>
    %squeeze3A_838 = vector.extract %slice3A_837[0] : i32 from vector<1xi32>
    %max3A_839 = arith.maxsi %squeeze3A_838, %add3A_644 : i32
    %slice3A_840 = vector.extract_strided_slice %get3A_7 {offsets = [6], sizes = [1], strides = [1]} : vector<16xi32> to vector<1xi32>
    %squeeze3A_841 = vector.extract %slice3A_840[0] : i32 from vector<1xi32>
    %add3A_842 = arith.constant 512 : i32
    %add3A_843 = arith.addi %add3A_644, %add3A_842 : i32
    %min3A_844 = arith.minsi %squeeze3A_841, %add3A_843 : i32
    %broadcast_in_dim3A_845 = arith.constant 0.000000e+00 : f32
    %broadcast_in_dim3A_846 = vector.broadcast %broadcast_in_dim3A_845 : f32 to vector<16xf32>
    %while3A_847 = arith.subi %min3A_844, %max3A_839 : i32
    %while3A_848 = arith.addi %max3A_839, %while3A_847 : i32
    %while3A_849 = arith.constant 1 : i32
    %while3A_850 = arith.divsi %while3A_847, %while3A_849 : i32
    %while3A_851 = arith.muli %while3A_850, %while3A_849 : i32
    %while3A_852 = arith.addi %max3A_839, %while3A_851 : i32
    %while3A_853 = arith.constant 1 : i32
    %while3A_854 = scf.for %while3A_1157 = %max3A_839 to %while3A_852 step %while3A_853 iter_args(%while3A_1158 = %broadcast_in_dim3A_846) -> (vector<16xf32>)  : i32 {
      %sub3A = arith.subi %while3A_1157, %add3A_644 : i32
      %get3A_1159 = arith.index_cast %sub3A : i32 to index
      %get3A_1160 = arith.constant 0 : index
      %get3A_1161 = tpu.vector_load %arg6[%get3A_1159, %get3A_1160] {strides = array<i32>} : memref<512x16xf32, #tpu.memory_space<vmem>>, vector<1x16xf32>,
      %get3A_1162 = vector.shape_cast %get3A_1161 : vector<1x16xf32> to vector<16xf32>
      %add3A_1163 = arith.addf %while3A_1158, %get3A_1162 : vector<16xf32>
      scf.yield %add3A_1163 : vector<16xf32>
    }
    %while3A_855 = arith.constant 1 : i32
    %while3A_856 = scf.for %while3A_1157 = %while3A_852 to %while3A_848 step %while3A_855 iter_args(%while3A_1158 = %while3A_854) -> (vector<16xf32>)  : i32 {
      %sub3A = arith.subi %while3A_1157, %add3A_644 : i32
      %get3A_1159 = arith.index_cast %sub3A : i32 to index
      %get3A_1160 = arith.constant 0 : index
      %get3A_1161 = tpu.vector_load %arg6[%get3A_1159, %get3A_1160] {strides = array<i32>} : memref<512x16xf32, #tpu.memory_space<vmem>>, vector<1x16xf32>,
      %get3A_1162 = vector.shape_cast %get3A_1161 : vector<1x16xf32> to vector<16xf32>
      %add3A_1163 = arith.addf %while3A_1158, %get3A_1162 : vector<16xf32>
      scf.yield %add3A_1163 : vector<16xf32>
    }
    %get3A_857 = arith.constant 6 : i32
    %get3A_858 = arith.index_cast %get3A_857 : i32 to index
    %get3A_859 = arith.constant 0 : index
    %get3A_860 = tpu.vector_load %arg9[%get3A_858, %get3A_859] {strides = array<i32>} : memref<16x16xf32, #tpu.memory_space<vmem>>, vector<1x16xf32>,
    %get3A_861 = vector.shape_cast %get3A_860 : vector<1x16xf32> to vector<16xf32>
    %add3A_862 = arith.addf %get3A_861, %while3A_856 : vector<16xf32>
    %swap3A_863 = arith.constant 6 : i32
    %swap3A_864 = arith.index_cast %swap3A_863 : i32 to index
    %swap3A_865 = arith.constant 0 : index
    %swap3A_866 = tpu.vector_load %arg9[%swap3A_864, %swap3A_865] {strides = array<i32>} : memref<16x16xf32, #tpu.memory_space<vmem>>, vector<1x16xf32>,
    %swap3A_867 = vector.shape_cast %swap3A_866 : vector<1x16xf32> to vector<16xf32>
    %swap3A_868 = vector.shape_cast %add3A_862 : vector<16xf32> to vector<1x16xf32>
    tpu.vector_store %arg9[%swap3A_864, %swap3A_865], %swap3A_868 {strides = array<i32>} : memref<16x16xf32, #tpu.memory_space<vmem>>, vector<1x16xf32>,
    %slice3A_869 = vector.extract_strided_slice %get3A_4 {offsets = [7], sizes = [1], strides = [1]} : vector<16xi32> to vector<1xi32>
    %squeeze3A_870 = vector.extract %slice3A_869[0] : i32 from vector<1xi32>
    %max3A_871 = arith.maxsi %squeeze3A_870, %add3A_644 : i32
    %slice3A_872 = vector.extract_strided_slice %get3A_7 {offsets = [7], sizes = [1], strides = [1]} : vector<16xi32> to vector<1xi32>
    %squeeze3A_873 = vector.extract %slice3A_872[0] : i32 from vector<1xi32>
    %add3A_874 = arith.constant 512 : i32
    %add3A_875 = arith.addi %add3A_644, %add3A_874 : i32
    %min3A_876 = arith.minsi %squeeze3A_873, %add3A_875 : i32
    %broadcast_in_dim3A_877 = arith.constant 0.000000e+00 : f32
    %broadcast_in_dim3A_878 = vector.broadcast %broadcast_in_dim3A_877 : f32 to vector<16xf32>
    %while3A_879 = arith.subi %min3A_876, %max3A_871 : i32
    %while3A_880 = arith.addi %max3A_871, %while3A_879 : i32
    %while3A_881 = arith.constant 1 : i32
    %while3A_882 = arith.divsi %while3A_879, %while3A_881 : i32
    %while3A_883 = arith.muli %while3A_882, %while3A_881 : i32
    %while3A_884 = arith.addi %max3A_871, %while3A_883 : i32
    %while3A_885 = arith.constant 1 : i32
    %while3A_886 = scf.for %while3A_1157 = %max3A_871 to %while3A_884 step %while3A_885 iter_args(%while3A_1158 = %broadcast_in_dim3A_878) -> (vector<16xf32>)  : i32 {
      %sub3A = arith.subi %while3A_1157, %add3A_644 : i32
      %get3A_1159 = arith.index_cast %sub3A : i32 to index
      %get3A_1160 = arith.constant 0 : index
      %get3A_1161 = tpu.vector_load %arg6[%get3A_1159, %get3A_1160] {strides = array<i32>} : memref<512x16xf32, #tpu.memory_space<vmem>>, vector<1x16xf32>,
      %get3A_1162 = vector.shape_cast %get3A_1161 : vector<1x16xf32> to vector<16xf32>
      %add3A_1163 = arith.addf %while3A_1158, %get3A_1162 : vector<16xf32>
      scf.yield %add3A_1163 : vector<16xf32>
    }
    %while3A_887 = arith.constant 1 : i32
    %while3A_888 = scf.for %while3A_1157 = %while3A_884 to %while3A_880 step %while3A_887 iter_args(%while3A_1158 = %while3A_886) -> (vector<16xf32>)  : i32 {
      %sub3A = arith.subi %while3A_1157, %add3A_644 : i32
      %get3A_1159 = arith.index_cast %sub3A : i32 to index
      %get3A_1160 = arith.constant 0 : index
      %get3A_1161 = tpu.vector_load %arg6[%get3A_1159, %get3A_1160] {strides = array<i32>} : memref<512x16xf32, #tpu.memory_space<vmem>>, vector<1x16xf32>,
      %get3A_1162 = vector.shape_cast %get3A_1161 : vector<1x16xf32> to vector<16xf32>
      %add3A_1163 = arith.addf %while3A_1158, %get3A_1162 : vector<16xf32>
      scf.yield %add3A_1163 : vector<16xf32>
    }
    %get3A_889 = arith.constant 7 : i32
    %get3A_890 = arith.index_cast %get3A_889 : i32 to index
    %get3A_891 = arith.constant 0 : index
    %get3A_892 = tpu.vector_load %arg9[%get3A_890, %get3A_891] {strides = array<i32>} : memref<16x16xf32, #tpu.memory_space<vmem>>, vector<1x16xf32>,
    %get3A_893 = vector.shape_cast %get3A_892 : vector<1x16xf32> to vector<16xf32>
    %add3A_894 = arith.addf %get3A_893, %while3A_888 : vector<16xf32>
    %swap3A_895 = arith.constant 7 : i32
    %swap3A_896 = arith.index_cast %swap3A_895 : i32 to index
    %swap3A_897 = arith.constant 0 : index
    %swap3A_898 = tpu.vector_load %arg9[%swap3A_896, %swap3A_897] {strides = array<i32>} : memref<16x16xf32, #tpu.memory_space<vmem>>, vector<1x16xf32>,
    %swap3A_899 = vector.shape_cast %swap3A_898 : vector<1x16xf32> to vector<16xf32>
    %swap3A_900 = vector.shape_cast %add3A_894 : vector<16xf32> to vector<1x16xf32>
    tpu.vector_store %arg9[%swap3A_896, %swap3A_897], %swap3A_900 {strides = array<i32>} : memref<16x16xf32, #tpu.memory_space<vmem>>, vector<1x16xf32>,
    %slice3A_901 = vector.extract_strided_slice %get3A_4 {offsets = [8], sizes = [1], strides = [1]} : vector<16xi32> to vector<1xi32>
    %squeeze3A_902 = vector.extract %slice3A_901[0] : i32 from vector<1xi32>
    %max3A_903 = arith.maxsi %squeeze3A_902, %add3A_644 : i32
    %slice3A_904 = vector.extract_strided_slice %get3A_7 {offsets = [8], sizes = [1], strides = [1]} : vector<16xi32> to vector<1xi32>
    %squeeze3A_905 = vector.extract %slice3A_904[0] : i32 from vector<1xi32>
    %add3A_906 = arith.constant 512 : i32
    %add3A_907 = arith.addi %add3A_644, %add3A_906 : i32
    %min3A_908 = arith.minsi %squeeze3A_905, %add3A_907 : i32
    %broadcast_in_dim3A_909 = arith.constant 0.000000e+00 : f32
    %broadcast_in_dim3A_910 = vector.broadcast %broadcast_in_dim3A_909 : f32 to vector<16xf32>
    %while3A_911 = arith.subi %min3A_908, %max3A_903 : i32
    %while3A_912 = arith.addi %max3A_903, %while3A_911 : i32
    %while3A_913 = arith.constant 1 : i32
    %while3A_914 = arith.divsi %while3A_911, %while3A_913 : i32
    %while3A_915 = arith.muli %while3A_914, %while3A_913 : i32
    %while3A_916 = arith.addi %max3A_903, %while3A_915 : i32
    %while3A_917 = arith.constant 1 : i32
    %while3A_918 = scf.for %while3A_1157 = %max3A_903 to %while3A_916 step %while3A_917 iter_args(%while3A_1158 = %broadcast_in_dim3A_910) -> (vector<16xf32>)  : i32 {
      %sub3A = arith.subi %while3A_1157, %add3A_644 : i32
      %get3A_1159 = arith.index_cast %sub3A : i32 to index
      %get3A_1160 = arith.constant 0 : index
      %get3A_1161 = tpu.vector_load %arg6[%get3A_1159, %get3A_1160] {strides = array<i32>} : memref<512x16xf32, #tpu.memory_space<vmem>>, vector<1x16xf32>,
      %get3A_1162 = vector.shape_cast %get3A_1161 : vector<1x16xf32> to vector<16xf32>
      %add3A_1163 = arith.addf %while3A_1158, %get3A_1162 : vector<16xf32>
      scf.yield %add3A_1163 : vector<16xf32>
    }
    %while3A_919 = arith.constant 1 : i32
    %while3A_920 = scf.for %while3A_1157 = %while3A_916 to %while3A_912 step %while3A_919 iter_args(%while3A_1158 = %while3A_918) -> (vector<16xf32>)  : i32 {
      %sub3A = arith.subi %while3A_1157, %add3A_644 : i32
      %get3A_1159 = arith.index_cast %sub3A : i32 to index
      %get3A_1160 = arith.constant 0 : index
      %get3A_1161 = tpu.vector_load %arg6[%get3A_1159, %get3A_1160] {strides = array<i32>} : memref<512x16xf32, #tpu.memory_space<vmem>>, vector<1x16xf32>,
      %get3A_1162 = vector.shape_cast %get3A_1161 : vector<1x16xf32> to vector<16xf32>
      %add3A_1163 = arith.addf %while3A_1158, %get3A_1162 : vector<16xf32>
      scf.yield %add3A_1163 : vector<16xf32>
    }
    %get3A_921 = arith.constant 8 : i32
    %get3A_922 = arith.index_cast %get3A_921 : i32 to index
    %get3A_923 = arith.constant 0 : index
    %get3A_924 = tpu.vector_load %arg9[%get3A_922, %get3A_923] {strides = array<i32>} : memref<16x16xf32, #tpu.memory_space<vmem>>, vector<1x16xf32>,
    %get3A_925 = vector.shape_cast %get3A_924 : vector<1x16xf32> to vector<16xf32>
    %add3A_926 = arith.addf %get3A_925, %while3A_920 : vector<16xf32>
    %swap3A_927 = arith.constant 8 : i32
    %swap3A_928 = arith.index_cast %swap3A_927 : i32 to index
    %swap3A_929 = arith.constant 0 : index
    %swap3A_930 = tpu.vector_load %arg9[%swap3A_928, %swap3A_929] {strides = array<i32>} : memref<16x16xf32, #tpu.memory_space<vmem>>, vector<1x16xf32>,
    %swap3A_931 = vector.shape_cast %swap3A_930 : vector<1x16xf32> to vector<16xf32>
    %swap3A_932 = vector.shape_cast %add3A_926 : vector<16xf32> to vector<1x16xf32>
    tpu.vector_store %arg9[%swap3A_928, %swap3A_929], %swap3A_932 {strides = array<i32>} : memref<16x16xf32, #tpu.memory_space<vmem>>, vector<1x16xf32>,
    %slice3A_933 = vector.extract_strided_slice %get3A_4 {offsets = [9], sizes = [1], strides = [1]} : vector<16xi32> to vector<1xi32>
    %squeeze3A_934 = vector.extract %slice3A_933[0] : i32 from vector<1xi32>
    %max3A_935 = arith.maxsi %squeeze3A_934, %add3A_644 : i32
    %slice3A_936 = vector.extract_strided_slice %get3A_7 {offsets = [9], sizes = [1], strides = [1]} : vector<16xi32> to vector<1xi32>
    %squeeze3A_937 = vector.extract %slice3A_936[0] : i32 from vector<1xi32>
    %add3A_938 = arith.constant 512 : i32
    %add3A_939 = arith.addi %add3A_644, %add3A_938 : i32
    %min3A_940 = arith.minsi %squeeze3A_937, %add3A_939 : i32
    %broadcast_in_dim3A_941 = arith.constant 0.000000e+00 : f32
    %broadcast_in_dim3A_942 = vector.broadcast %broadcast_in_dim3A_941 : f32 to vector<16xf32>
    %while3A_943 = arith.subi %min3A_940, %max3A_935 : i32
    %while3A_944 = arith.addi %max3A_935, %while3A_943 : i32
    %while3A_945 = arith.constant 1 : i32
    %while3A_946 = arith.divsi %while3A_943, %while3A_945 : i32
    %while3A_947 = arith.muli %while3A_946, %while3A_945 : i32
    %while3A_948 = arith.addi %max3A_935, %while3A_947 : i32
    %while3A_949 = arith.constant 1 : i32
    %while3A_950 = scf.for %while3A_1157 = %max3A_935 to %while3A_948 step %while3A_949 iter_args(%while3A_1158 = %broadcast_in_dim3A_942) -> (vector<16xf32>)  : i32 {
      %sub3A = arith.subi %while3A_1157, %add3A_644 : i32
      %get3A_1159 = arith.index_cast %sub3A : i32 to index
      %get3A_1160 = arith.constant 0 : index
      %get3A_1161 = tpu.vector_load %arg6[%get3A_1159, %get3A_1160] {strides = array<i32>} : memref<512x16xf32, #tpu.memory_space<vmem>>, vector<1x16xf32>,
      %get3A_1162 = vector.shape_cast %get3A_1161 : vector<1x16xf32> to vector<16xf32>
      %add3A_1163 = arith.addf %while3A_1158, %get3A_1162 : vector<16xf32>
      scf.yield %add3A_1163 : vector<16xf32>
    }
    %while3A_951 = arith.constant 1 : i32
    %while3A_952 = scf.for %while3A_1157 = %while3A_948 to %while3A_944 step %while3A_951 iter_args(%while3A_1158 = %while3A_950) -> (vector<16xf32>)  : i32 {
      %sub3A = arith.subi %while3A_1157, %add3A_644 : i32
      %get3A_1159 = arith.index_cast %sub3A : i32 to index
      %get3A_1160 = arith.constant 0 : index
      %get3A_1161 = tpu.vector_load %arg6[%get3A_1159, %get3A_1160] {strides = array<i32>} : memref<512x16xf32, #tpu.memory_space<vmem>>, vector<1x16xf32>,
      %get3A_1162 = vector.shape_cast %get3A_1161 : vector<1x16xf32> to vector<16xf32>
      %add3A_1163 = arith.addf %while3A_1158, %get3A_1162 : vector<16xf32>
      scf.yield %add3A_1163 : vector<16xf32>
    }
    %get3A_953 = arith.constant 9 : i32
    %get3A_954 = arith.index_cast %get3A_953 : i32 to index
    %get3A_955 = arith.constant 0 : index
    %get3A_956 = tpu.vector_load %arg9[%get3A_954, %get3A_955] {strides = array<i32>} : memref<16x16xf32, #tpu.memory_space<vmem>>, vector<1x16xf32>,
    %get3A_957 = vector.shape_cast %get3A_956 : vector<1x16xf32> to vector<16xf32>
    %add3A_958 = arith.addf %get3A_957, %while3A_952 : vector<16xf32>
    %swap3A_959 = arith.constant 9 : i32
    %swap3A_960 = arith.index_cast %swap3A_959 : i32 to index
    %swap3A_961 = arith.constant 0 : index
    %swap3A_962 = tpu.vector_load %arg9[%swap3A_960, %swap3A_961] {strides = array<i32>} : memref<16x16xf32, #tpu.memory_space<vmem>>, vector<1x16xf32>,
    %swap3A_963 = vector.shape_cast %swap3A_962 : vector<1x16xf32> to vector<16xf32>
    %swap3A_964 = vector.shape_cast %add3A_958 : vector<16xf32> to vector<1x16xf32>
    tpu.vector_store %arg9[%swap3A_960, %swap3A_961], %swap3A_964 {strides = array<i32>} : memref<16x16xf32, #tpu.memory_space<vmem>>, vector<1x16xf32>,
    %slice3A_965 = vector.extract_strided_slice %get3A_4 {offsets = [10], sizes = [1], strides = [1]} : vector<16xi32> to vector<1xi32>
    %squeeze3A_966 = vector.extract %slice3A_965[0] : i32 from vector<1xi32>
    %max3A_967 = arith.maxsi %squeeze3A_966, %add3A_644 : i32
    %slice3A_968 = vector.extract_strided_slice %get3A_7 {offsets = [10], sizes = [1], strides = [1]} : vector<16xi32> to vector<1xi32>
    %squeeze3A_969 = vector.extract %slice3A_968[0] : i32 from vector<1xi32>
    %add3A_970 = arith.constant 512 : i32
    %add3A_971 = arith.addi %add3A_644, %add3A_970 : i32
    %min3A_972 = arith.minsi %squeeze3A_969, %add3A_971 : i32
    %broadcast_in_dim3A_973 = arith.constant 0.000000e+00 : f32
    %broadcast_in_dim3A_974 = vector.broadcast %broadcast_in_dim3A_973 : f32 to vector<16xf32>
    %while3A_975 = arith.subi %min3A_972, %max3A_967 : i32
    %while3A_976 = arith.addi %max3A_967, %while3A_975 : i32
    %while3A_977 = arith.constant 1 : i32
    %while3A_978 = arith.divsi %while3A_975, %while3A_977 : i32
    %while3A_979 = arith.muli %while3A_978, %while3A_977 : i32
    %while3A_980 = arith.addi %max3A_967, %while3A_979 : i32
    %while3A_981 = arith.constant 1 : i32
    %while3A_982 = scf.for %while3A_1157 = %max3A_967 to %while3A_980 step %while3A_981 iter_args(%while3A_1158 = %broadcast_in_dim3A_974) -> (vector<16xf32>)  : i32 {
      %sub3A = arith.subi %while3A_1157, %add3A_644 : i32
      %get3A_1159 = arith.index_cast %sub3A : i32 to index
      %get3A_1160 = arith.constant 0 : index
      %get3A_1161 = tpu.vector_load %arg6[%get3A_1159, %get3A_1160] {strides = array<i32>} : memref<512x16xf32, #tpu.memory_space<vmem>>, vector<1x16xf32>,
      %get3A_1162 = vector.shape_cast %get3A_1161 : vector<1x16xf32> to vector<16xf32>
      %add3A_1163 = arith.addf %while3A_1158, %get3A_1162 : vector<16xf32>
      scf.yield %add3A_1163 : vector<16xf32>
    }
    %while3A_983 = arith.constant 1 : i32
    %while3A_984 = scf.for %while3A_1157 = %while3A_980 to %while3A_976 step %while3A_983 iter_args(%while3A_1158 = %while3A_982) -> (vector<16xf32>)  : i32 {
      %sub3A = arith.subi %while3A_1157, %add3A_644 : i32
      %get3A_1159 = arith.index_cast %sub3A : i32 to index
      %get3A_1160 = arith.constant 0 : index
      %get3A_1161 = tpu.vector_load %arg6[%get3A_1159, %get3A_1160] {strides = array<i32>} : memref<512x16xf32, #tpu.memory_space<vmem>>, vector<1x16xf32>,
      %get3A_1162 = vector.shape_cast %get3A_1161 : vector<1x16xf32> to vector<16xf32>
      %add3A_1163 = arith.addf %while3A_1158, %get3A_1162 : vector<16xf32>
      scf.yield %add3A_1163 : vector<16xf32>
    }
    %get3A_985 = arith.constant 10 : i32
    %get3A_986 = arith.index_cast %get3A_985 : i32 to index
    %get3A_987 = arith.constant 0 : index
    %get3A_988 = tpu.vector_load %arg9[%get3A_986, %get3A_987] {strides = array<i32>} : memref<16x16xf32, #tpu.memory_space<vmem>>, vector<1x16xf32>,
    %get3A_989 = vector.shape_cast %get3A_988 : vector<1x16xf32> to vector<16xf32>
    %add3A_990 = arith.addf %get3A_989, %while3A_984 : vector<16xf32>
    %swap3A_991 = arith.constant 10 : i32
    %swap3A_992 = arith.index_cast %swap3A_991 : i32 to index
    %swap3A_993 = arith.constant 0 : index
    %swap3A_994 = tpu.vector_load %arg9[%swap3A_992, %swap3A_993] {strides = array<i32>} : memref<16x16xf32, #tpu.memory_space<vmem>>, vector<1x16xf32>,
    %swap3A_995 = vector.shape_cast %swap3A_994 : vector<1x16xf32> to vector<16xf32>
    %swap3A_996 = vector.shape_cast %add3A_990 : vector<16xf32> to vector<1x16xf32>
    tpu.vector_store %arg9[%swap3A_992, %swap3A_993], %swap3A_996 {strides = array<i32>} : memref<16x16xf32, #tpu.memory_space<vmem>>, vector<1x16xf32>,
    %slice3A_997 = vector.extract_strided_slice %get3A_4 {offsets = [11], sizes = [1], strides = [1]} : vector<16xi32> to vector<1xi32>
    %squeeze3A_998 = vector.extract %slice3A_997[0] : i32 from vector<1xi32>
    %max3A_999 = arith.maxsi %squeeze3A_998, %add3A_644 : i32
    %slice3A_1000 = vector.extract_strided_slice %get3A_7 {offsets = [11], sizes = [1], strides = [1]} : vector<16xi32> to vector<1xi32>
    %squeeze3A_1001 = vector.extract %slice3A_1000[0] : i32 from vector<1xi32>
    %add3A_1002 = arith.constant 512 : i32
    %add3A_1003 = arith.addi %add3A_644, %add3A_1002 : i32
    %min3A_1004 = arith.minsi %squeeze3A_1001, %add3A_1003 : i32
    %broadcast_in_dim3A_1005 = arith.constant 0.000000e+00 : f32
    %broadcast_in_dim3A_1006 = vector.broadcast %broadcast_in_dim3A_1005 : f32 to vector<16xf32>
    %while3A_1007 = arith.subi %min3A_1004, %max3A_999 : i32
    %while3A_1008 = arith.addi %max3A_999, %while3A_1007 : i32
    %while3A_1009 = arith.constant 1 : i32
    %while3A_1010 = arith.divsi %while3A_1007, %while3A_1009 : i32
    %while3A_1011 = arith.muli %while3A_1010, %while3A_1009 : i32
    %while3A_1012 = arith.addi %max3A_999, %while3A_1011 : i32
    %while3A_1013 = arith.constant 1 : i32
    %while3A_1014 = scf.for %while3A_1157 = %max3A_999 to %while3A_1012 step %while3A_1013 iter_args(%while3A_1158 = %broadcast_in_dim3A_1006) -> (vector<16xf32>)  : i32 {
      %sub3A = arith.subi %while3A_1157, %add3A_644 : i32
      %get3A_1159 = arith.index_cast %sub3A : i32 to index
      %get3A_1160 = arith.constant 0 : index
      %get3A_1161 = tpu.vector_load %arg6[%get3A_1159, %get3A_1160] {strides = array<i32>} : memref<512x16xf32, #tpu.memory_space<vmem>>, vector<1x16xf32>,
      %get3A_1162 = vector.shape_cast %get3A_1161 : vector<1x16xf32> to vector<16xf32>
      %add3A_1163 = arith.addf %while3A_1158, %get3A_1162 : vector<16xf32>
      scf.yield %add3A_1163 : vector<16xf32>
    }
    %while3A_1015 = arith.constant 1 : i32
    %while3A_1016 = scf.for %while3A_1157 = %while3A_1012 to %while3A_1008 step %while3A_1015 iter_args(%while3A_1158 = %while3A_1014) -> (vector<16xf32>)  : i32 {
      %sub3A = arith.subi %while3A_1157, %add3A_644 : i32
      %get3A_1159 = arith.index_cast %sub3A : i32 to index
      %get3A_1160 = arith.constant 0 : index
      %get3A_1161 = tpu.vector_load %arg6[%get3A_1159, %get3A_1160] {strides = array<i32>} : memref<512x16xf32, #tpu.memory_space<vmem>>, vector<1x16xf32>,
      %get3A_1162 = vector.shape_cast %get3A_1161 : vector<1x16xf32> to vector<16xf32>
      %add3A_1163 = arith.addf %while3A_1158, %get3A_1162 : vector<16xf32>
      scf.yield %add3A_1163 : vector<16xf32>
    }
    %get3A_1017 = arith.constant 11 : i32
    %get3A_1018 = arith.index_cast %get3A_1017 : i32 to index
    %get3A_1019 = arith.constant 0 : index
    %get3A_1020 = tpu.vector_load %arg9[%get3A_1018, %get3A_1019] {strides = array<i32>} : memref<16x16xf32, #tpu.memory_space<vmem>>, vector<1x16xf32>,
    %get3A_1021 = vector.shape_cast %get3A_1020 : vector<1x16xf32> to vector<16xf32>
    %add3A_1022 = arith.addf %get3A_1021, %while3A_1016 : vector<16xf32>
    %swap3A_1023 = arith.constant 11 : i32
    %swap3A_1024 = arith.index_cast %swap3A_1023 : i32 to index
    %swap3A_1025 = arith.constant 0 : index
    %swap3A_1026 = tpu.vector_load %arg9[%swap3A_1024, %swap3A_1025] {strides = array<i32>} : memref<16x16xf32, #tpu.memory_space<vmem>>, vector<1x16xf32>,
    %swap3A_1027 = vector.shape_cast %swap3A_1026 : vector<1x16xf32> to vector<16xf32>
    %swap3A_1028 = vector.shape_cast %add3A_1022 : vector<16xf32> to vector<1x16xf32>
    tpu.vector_store %arg9[%swap3A_1024, %swap3A_1025], %swap3A_1028 {strides = array<i32>} : memref<16x16xf32, #tpu.memory_space<vmem>>, vector<1x16xf32>,
    %slice3A_1029 = vector.extract_strided_slice %get3A_4 {offsets = [12], sizes = [1], strides = [1]} : vector<16xi32> to vector<1xi32>
    %squeeze3A_1030 = vector.extract %slice3A_1029[0] : i32 from vector<1xi32>
    %max3A_1031 = arith.maxsi %squeeze3A_1030, %add3A_644 : i32
    %slice3A_1032 = vector.extract_strided_slice %get3A_7 {offsets = [12], sizes = [1], strides = [1]} : vector<16xi32> to vector<1xi32>
    %squeeze3A_1033 = vector.extract %slice3A_1032[0] : i32 from vector<1xi32>
    %add3A_1034 = arith.constant 512 : i32
    %add3A_1035 = arith.addi %add3A_644, %add3A_1034 : i32
    %min3A_1036 = arith.minsi %squeeze3A_1033, %add3A_1035 : i32
    %broadcast_in_dim3A_1037 = arith.constant 0.000000e+00 : f32
    %broadcast_in_dim3A_1038 = vector.broadcast %broadcast_in_dim3A_1037 : f32 to vector<16xf32>
    %while3A_1039 = arith.subi %min3A_1036, %max3A_1031 : i32
    %while3A_1040 = arith.addi %max3A_1031, %while3A_1039 : i32
    %while3A_1041 = arith.constant 1 : i32
    %while3A_1042 = arith.divsi %while3A_1039, %while3A_1041 : i32
    %while3A_1043 = arith.muli %while3A_1042, %while3A_1041 : i32
    %while3A_1044 = arith.addi %max3A_1031, %while3A_1043 : i32
    %while3A_1045 = arith.constant 1 : i32
    %while3A_1046 = scf.for %while3A_1157 = %max3A_1031 to %while3A_1044 step %while3A_1045 iter_args(%while3A_1158 = %broadcast_in_dim3A_1038) -> (vector<16xf32>)  : i32 {
      %sub3A = arith.subi %while3A_1157, %add3A_644 : i32
      %get3A_1159 = arith.index_cast %sub3A : i32 to index
      %get3A_1160 = arith.constant 0 : index
      %get3A_1161 = tpu.vector_load %arg6[%get3A_1159, %get3A_1160] {strides = array<i32>} : memref<512x16xf32, #tpu.memory_space<vmem>>, vector<1x16xf32>,
      %get3A_1162 = vector.shape_cast %get3A_1161 : vector<1x16xf32> to vector<16xf32>
      %add3A_1163 = arith.addf %while3A_1158, %get3A_1162 : vector<16xf32>
      scf.yield %add3A_1163 : vector<16xf32>
    }
    %while3A_1047 = arith.constant 1 : i32
    %while3A_1048 = scf.for %while3A_1157 = %while3A_1044 to %while3A_1040 step %while3A_1047 iter_args(%while3A_1158 = %while3A_1046) -> (vector<16xf32>)  : i32 {
      %sub3A = arith.subi %while3A_1157, %add3A_644 : i32
      %get3A_1159 = arith.index_cast %sub3A : i32 to index
      %get3A_1160 = arith.constant 0 : index
      %get3A_1161 = tpu.vector_load %arg6[%get3A_1159, %get3A_1160] {strides = array<i32>} : memref<512x16xf32, #tpu.memory_space<vmem>>, vector<1x16xf32>,
      %get3A_1162 = vector.shape_cast %get3A_1161 : vector<1x16xf32> to vector<16xf32>
      %add3A_1163 = arith.addf %while3A_1158, %get3A_1162 : vector<16xf32>
      scf.yield %add3A_1163 : vector<16xf32>
    }
    %get3A_1049 = arith.constant 12 : i32
    %get3A_1050 = arith.index_cast %get3A_1049 : i32 to index
    %get3A_1051 = arith.constant 0 : index
    %get3A_1052 = tpu.vector_load %arg9[%get3A_1050, %get3A_1051] {strides = array<i32>} : memref<16x16xf32, #tpu.memory_space<vmem>>, vector<1x16xf32>,
    %get3A_1053 = vector.shape_cast %get3A_1052 : vector<1x16xf32> to vector<16xf32>
    %add3A_1054 = arith.addf %get3A_1053, %while3A_1048 : vector<16xf32>
    %swap3A_1055 = arith.constant 12 : i32
    %swap3A_1056 = arith.index_cast %swap3A_1055 : i32 to index
    %swap3A_1057 = arith.constant 0 : index
    %swap3A_1058 = tpu.vector_load %arg9[%swap3A_1056, %swap3A_1057] {strides = array<i32>} : memref<16x16xf32, #tpu.memory_space<vmem>>, vector<1x16xf32>,
    %swap3A_1059 = vector.shape_cast %swap3A_1058 : vector<1x16xf32> to vector<16xf32>
    %swap3A_1060 = vector.shape_cast %add3A_1054 : vector<16xf32> to vector<1x16xf32>
    tpu.vector_store %arg9[%swap3A_1056, %swap3A_1057], %swap3A_1060 {strides = array<i32>} : memref<16x16xf32, #tpu.memory_space<vmem>>, vector<1x16xf32>,
    %slice3A_1061 = vector.extract_strided_slice %get3A_4 {offsets = [13], sizes = [1], strides = [1]} : vector<16xi32> to vector<1xi32>
    %squeeze3A_1062 = vector.extract %slice3A_1061[0] : i32 from vector<1xi32>
    %max3A_1063 = arith.maxsi %squeeze3A_1062, %add3A_644 : i32
    %slice3A_1064 = vector.extract_strided_slice %get3A_7 {offsets = [13], sizes = [1], strides = [1]} : vector<16xi32> to vector<1xi32>
    %squeeze3A_1065 = vector.extract %slice3A_1064[0] : i32 from vector<1xi32>
    %add3A_1066 = arith.constant 512 : i32
    %add3A_1067 = arith.addi %add3A_644, %add3A_1066 : i32
    %min3A_1068 = arith.minsi %squeeze3A_1065, %add3A_1067 : i32
    %broadcast_in_dim3A_1069 = arith.constant 0.000000e+00 : f32
    %broadcast_in_dim3A_1070 = vector.broadcast %broadcast_in_dim3A_1069 : f32 to vector<16xf32>
    %while3A_1071 = arith.subi %min3A_1068, %max3A_1063 : i32
    %while3A_1072 = arith.addi %max3A_1063, %while3A_1071 : i32
    %while3A_1073 = arith.constant 1 : i32
    %while3A_1074 = arith.divsi %while3A_1071, %while3A_1073 : i32
    %while3A_1075 = arith.muli %while3A_1074, %while3A_1073 : i32
    %while3A_1076 = arith.addi %max3A_1063, %while3A_1075 : i32
    %while3A_1077 = arith.constant 1 : i32
    %while3A_1078 = scf.for %while3A_1157 = %max3A_1063 to %while3A_1076 step %while3A_1077 iter_args(%while3A_1158 = %broadcast_in_dim3A_1070) -> (vector<16xf32>)  : i32 {
      %sub3A = arith.subi %while3A_1157, %add3A_644 : i32
      %get3A_1159 = arith.index_cast %sub3A : i32 to index
      %get3A_1160 = arith.constant 0 : index
      %get3A_1161 = tpu.vector_load %arg6[%get3A_1159, %get3A_1160] {strides = array<i32>} : memref<512x16xf32, #tpu.memory_space<vmem>>, vector<1x16xf32>,
      %get3A_1162 = vector.shape_cast %get3A_1161 : vector<1x16xf32> to vector<16xf32>
      %add3A_1163 = arith.addf %while3A_1158, %get3A_1162 : vector<16xf32>
      scf.yield %add3A_1163 : vector<16xf32>
    }
    %while3A_1079 = arith.constant 1 : i32
    %while3A_1080 = scf.for %while3A_1157 = %while3A_1076 to %while3A_1072 step %while3A_1079 iter_args(%while3A_1158 = %while3A_1078) -> (vector<16xf32>)  : i32 {
      %sub3A = arith.subi %while3A_1157, %add3A_644 : i32
      %get3A_1159 = arith.index_cast %sub3A : i32 to index
      %get3A_1160 = arith.constant 0 : index
      %get3A_1161 = tpu.vector_load %arg6[%get3A_1159, %get3A_1160] {strides = array<i32>} : memref<512x16xf32, #tpu.memory_space<vmem>>, vector<1x16xf32>,
      %get3A_1162 = vector.shape_cast %get3A_1161 : vector<1x16xf32> to vector<16xf32>
      %add3A_1163 = arith.addf %while3A_1158, %get3A_1162 : vector<16xf32>
      scf.yield %add3A_1163 : vector<16xf32>
    }
    %get3A_1081 = arith.constant 13 : i32
    %get3A_1082 = arith.index_cast %get3A_1081 : i32 to index
    %get3A_1083 = arith.constant 0 : index
    %get3A_1084 = tpu.vector_load %arg9[%get3A_1082, %get3A_1083] {strides = array<i32>} : memref<16x16xf32, #tpu.memory_space<vmem>>, vector<1x16xf32>,
    %get3A_1085 = vector.shape_cast %get3A_1084 : vector<1x16xf32> to vector<16xf32>
    %add3A_1086 = arith.addf %get3A_1085, %while3A_1080 : vector<16xf32>
    %swap3A_1087 = arith.constant 13 : i32
    %swap3A_1088 = arith.index_cast %swap3A_1087 : i32 to index
    %swap3A_1089 = arith.constant 0 : index
    %swap3A_1090 = tpu.vector_load %arg9[%swap3A_1088, %swap3A_1089] {strides = array<i32>} : memref<16x16xf32, #tpu.memory_space<vmem>>, vector<1x16xf32>,
    %swap3A_1091 = vector.shape_cast %swap3A_1090 : vector<1x16xf32> to vector<16xf32>
    %swap3A_1092 = vector.shape_cast %add3A_1086 : vector<16xf32> to vector<1x16xf32>
    tpu.vector_store %arg9[%swap3A_1088, %swap3A_1089], %swap3A_1092 {strides = array<i32>} : memref<16x16xf32, #tpu.memory_space<vmem>>, vector<1x16xf32>,
    %slice3A_1093 = vector.extract_strided_slice %get3A_4 {offsets = [14], sizes = [1], strides = [1]} : vector<16xi32> to vector<1xi32>
    %squeeze3A_1094 = vector.extract %slice3A_1093[0] : i32 from vector<1xi32>
    %max3A_1095 = arith.maxsi %squeeze3A_1094, %add3A_644 : i32
    %slice3A_1096 = vector.extract_strided_slice %get3A_7 {offsets = [14], sizes = [1], strides = [1]} : vector<16xi32> to vector<1xi32>
    %squeeze3A_1097 = vector.extract %slice3A_1096[0] : i32 from vector<1xi32>
    %add3A_1098 = arith.constant 512 : i32
    %add3A_1099 = arith.addi %add3A_644, %add3A_1098 : i32
    %min3A_1100 = arith.minsi %squeeze3A_1097, %add3A_1099 : i32
    %broadcast_in_dim3A_1101 = arith.constant 0.000000e+00 : f32
    %broadcast_in_dim3A_1102 = vector.broadcast %broadcast_in_dim3A_1101 : f32 to vector<16xf32>
    %while3A_1103 = arith.subi %min3A_1100, %max3A_1095 : i32
    %while3A_1104 = arith.addi %max3A_1095, %while3A_1103 : i32
    %while3A_1105 = arith.constant 1 : i32
    %while3A_1106 = arith.divsi %while3A_1103, %while3A_1105 : i32
    %while3A_1107 = arith.muli %while3A_1106, %while3A_1105 : i32
    %while3A_1108 = arith.addi %max3A_1095, %while3A_1107 : i32
    %while3A_1109 = arith.constant 1 : i32
    %while3A_1110 = scf.for %while3A_1157 = %max3A_1095 to %while3A_1108 step %while3A_1109 iter_args(%while3A_1158 = %broadcast_in_dim3A_1102) -> (vector<16xf32>)  : i32 {
      %sub3A = arith.subi %while3A_1157, %add3A_644 : i32
      %get3A_1159 = arith.index_cast %sub3A : i32 to index
      %get3A_1160 = arith.constant 0 : index
      %get3A_1161 = tpu.vector_load %arg6[%get3A_1159, %get3A_1160] {strides = array<i32>} : memref<512x16xf32, #tpu.memory_space<vmem>>, vector<1x16xf32>,
      %get3A_1162 = vector.shape_cast %get3A_1161 : vector<1x16xf32> to vector<16xf32>
      %add3A_1163 = arith.addf %while3A_1158, %get3A_1162 : vector<16xf32>
      scf.yield %add3A_1163 : vector<16xf32>
    }
    %while3A_1111 = arith.constant 1 : i32
    %while3A_1112 = scf.for %while3A_1157 = %while3A_1108 to %while3A_1104 step %while3A_1111 iter_args(%while3A_1158 = %while3A_1110) -> (vector<16xf32>)  : i32 {
      %sub3A = arith.subi %while3A_1157, %add3A_644 : i32
      %get3A_1159 = arith.index_cast %sub3A : i32 to index
      %get3A_1160 = arith.constant 0 : index
      %get3A_1161 = tpu.vector_load %arg6[%get3A_1159, %get3A_1160] {strides = array<i32>} : memref<512x16xf32, #tpu.memory_space<vmem>>, vector<1x16xf32>,
      %get3A_1162 = vector.shape_cast %get3A_1161 : vector<1x16xf32> to vector<16xf32>
      %add3A_1163 = arith.addf %while3A_1158, %get3A_1162 : vector<16xf32>
      scf.yield %add3A_1163 : vector<16xf32>
    }
    %get3A_1113 = arith.constant 14 : i32
    %get3A_1114 = arith.index_cast %get3A_1113 : i32 to index
    %get3A_1115 = arith.constant 0 : index
    %get3A_1116 = tpu.vector_load %arg9[%get3A_1114, %get3A_1115] {strides = array<i32>} : memref<16x16xf32, #tpu.memory_space<vmem>>, vector<1x16xf32>,
    %get3A_1117 = vector.shape_cast %get3A_1116 : vector<1x16xf32> to vector<16xf32>
    %add3A_1118 = arith.addf %get3A_1117, %while3A_1112 : vector<16xf32>
    %swap3A_1119 = arith.constant 14 : i32
    %swap3A_1120 = arith.index_cast %swap3A_1119 : i32 to index
    %swap3A_1121 = arith.constant 0 : index
    %swap3A_1122 = tpu.vector_load %arg9[%swap3A_1120, %swap3A_1121] {strides = array<i32>} : memref<16x16xf32, #tpu.memory_space<vmem>>, vector<1x16xf32>,
    %swap3A_1123 = vector.shape_cast %swap3A_1122 : vector<1x16xf32> to vector<16xf32>
    %swap3A_1124 = vector.shape_cast %add3A_1118 : vector<16xf32> to vector<1x16xf32>
    tpu.vector_store %arg9[%swap3A_1120, %swap3A_1121], %swap3A_1124 {strides = array<i32>} : memref<16x16xf32, #tpu.memory_space<vmem>>, vector<1x16xf32>,
    %slice3A_1125 = vector.extract_strided_slice %get3A_4 {offsets = [15], sizes = [1], strides = [1]} : vector<16xi32> to vector<1xi32>
    %squeeze3A_1126 = vector.extract %slice3A_1125[0] : i32 from vector<1xi32>
    %max3A_1127 = arith.maxsi %squeeze3A_1126, %add3A_644 : i32
    %slice3A_1128 = vector.extract_strided_slice %get3A_7 {offsets = [15], sizes = [1], strides = [1]} : vector<16xi32> to vector<1xi32>
    %squeeze3A_1129 = vector.extract %slice3A_1128[0] : i32 from vector<1xi32>
    %add3A_1130 = arith.constant 512 : i32
    %add3A_1131 = arith.addi %add3A_644, %add3A_1130 : i32
    %min3A_1132 = arith.minsi %squeeze3A_1129, %add3A_1131 : i32
    %broadcast_in_dim3A_1133 = arith.constant 0.000000e+00 : f32
    %broadcast_in_dim3A_1134 = vector.broadcast %broadcast_in_dim3A_1133 : f32 to vector<16xf32>
    %while3A_1135 = arith.subi %min3A_1132, %max3A_1127 : i32
    %while3A_1136 = arith.addi %max3A_1127, %while3A_1135 : i32
    %while3A_1137 = arith.constant 1 : i32
    %while3A_1138 = arith.divsi %while3A_1135, %while3A_1137 : i32
    %while3A_1139 = arith.muli %while3A_1138, %while3A_1137 : i32
    %while3A_1140 = arith.addi %max3A_1127, %while3A_1139 : i32
    %while3A_1141 = arith.constant 1 : i32
    %while3A_1142 = scf.for %while3A_1157 = %max3A_1127 to %while3A_1140 step %while3A_1141 iter_args(%while3A_1158 = %broadcast_in_dim3A_1134) -> (vector<16xf32>)  : i32 {
      %sub3A = arith.subi %while3A_1157, %add3A_644 : i32
      %get3A_1159 = arith.index_cast %sub3A : i32 to index
      %get3A_1160 = arith.constant 0 : index
      %get3A_1161 = tpu.vector_load %arg6[%get3A_1159, %get3A_1160] {strides = array<i32>} : memref<512x16xf32, #tpu.memory_space<vmem>>, vector<1x16xf32>,
      %get3A_1162 = vector.shape_cast %get3A_1161 : vector<1x16xf32> to vector<16xf32>
      %add3A_1163 = arith.addf %while3A_1158, %get3A_1162 : vector<16xf32>
      scf.yield %add3A_1163 : vector<16xf32>
    }
    %while3A_1143 = arith.constant 1 : i32
    %while3A_1144 = scf.for %while3A_1157 = %while3A_1140 to %while3A_1136 step %while3A_1143 iter_args(%while3A_1158 = %while3A_1142) -> (vector<16xf32>)  : i32 {
      %sub3A = arith.subi %while3A_1157, %add3A_644 : i32
      %get3A_1159 = arith.index_cast %sub3A : i32 to index
      %get3A_1160 = arith.constant 0 : index
      %get3A_1161 = tpu.vector_load %arg6[%get3A_1159, %get3A_1160] {strides = array<i32>} : memref<512x16xf32, #tpu.memory_space<vmem>>, vector<1x16xf32>,
      %get3A_1162 = vector.shape_cast %get3A_1161 : vector<1x16xf32> to vector<16xf32>
      %add3A_1163 = arith.addf %while3A_1158, %get3A_1162 : vector<16xf32>
      scf.yield %add3A_1163 : vector<16xf32>
    }
    %get3A_1145 = arith.constant 15 : i32
    %get3A_1146 = arith.index_cast %get3A_1145 : i32 to index
    %get3A_1147 = arith.constant 0 : index
    %get3A_1148 = tpu.vector_load %arg9[%get3A_1146, %get3A_1147] {strides = array<i32>} : memref<16x16xf32, #tpu.memory_space<vmem>>, vector<1x16xf32>,
    %get3A_1149 = vector.shape_cast %get3A_1148 : vector<1x16xf32> to vector<16xf32>
    %add3A_1150 = arith.addf %get3A_1149, %while3A_1144 : vector<16xf32>
    %swap3A_1151 = arith.constant 15 : i32
    %swap3A_1152 = arith.index_cast %swap3A_1151 : i32 to index
    %swap3A_1153 = arith.constant 0 : index
    %swap3A_1154 = tpu.vector_load %arg9[%swap3A_1152, %swap3A_1153] {strides = array<i32>} : memref<16x16xf32, #tpu.memory_space<vmem>>, vector<1x16xf32>,
    %swap3A_1155 = vector.shape_cast %swap3A_1154 : vector<1x16xf32> to vector<16xf32>
    %swap3A_1156 = vector.shape_cast %add3A_1150 : vector<16xf32> to vector<1x16xf32>
    tpu.vector_store %arg9[%swap3A_1152, %swap3A_1153], %swap3A_1156 {strides = array<i32>} : memref<16x16xf32, #tpu.memory_space<vmem>>, vector<1x16xf32>,
    "tpu.region"() ({
      %run_scoped3A = tpu.sem_alloc : memref<!tpu.dma_semaphore, #tpu.memory_space<semaphore_mem>>
      %dma_start3A = arith.constant 0 : i32
      %dma_start3A_1157 = arith.constant 0 : i32
      %dma_start3A_1158 = tpu.memref_slice %arg5[%add3A, %dma_start3A, %dma_start3A_1157] : memref<32x16x16xf32, #tpu.memory_space<hbm>> -> memref<1x16x16xf32, #tpu.memory_space<hbm>>
      %dma_start3A_1159 = tpu.memref_squeeze %dma_start3A_1158 : memref<1x16x16xf32, #tpu.memory_space<hbm>> -> memref<16x16xf32, #tpu.memory_space<hbm>>
      %dma_start3A_1160 = arith.constant 0 : i32
      %dma_start3A_1161 = arith.constant 0 : i32
      %dma_start3A_1162 = tpu.memref_slice %arg5[%add3A, %dma_start3A_1160, %dma_start3A_1161] : memref<32x16x16xf32, #tpu.memory_space<hbm>> -> memref<1x16x16xf32, #tpu.memory_space<hbm>>
      %dma_start3A_1163 = tpu.memref_squeeze %dma_start3A_1162 : memref<1x16x16xf32, #tpu.memory_space<hbm>> -> memref<16x16xf32, #tpu.memory_space<hbm>>
      tpu.enqueue_dma source(%arg9 : memref<16x16xf32, #tpu.memory_space<vmem>>) target(%dma_start3A_1163 : memref<16x16xf32, #tpu.memory_space<hbm>>) target_semaphore(%run_scoped3A : memref<!tpu.dma_semaphore, #tpu.memory_space<semaphore_mem>>)
      %dma_wait3A = arith.constant 0 : i32
      %dma_wait3A_1164 = arith.constant 0 : i32
      %dma_wait3A_1165 = tpu.memref_slice %arg5[%add3A, %dma_wait3A, %dma_wait3A_1164] : memref<32x16x16xf32, #tpu.memory_space<hbm>> -> memref<1x16x16xf32, #tpu.memory_space<hbm>>
      %dma_wait3A_1166 = tpu.memref_squeeze %dma_wait3A_1165 : memref<1x16x16xf32, #tpu.memory_space<hbm>> -> memref<16x16xf32, #tpu.memory_space<hbm>>
      %dma_wait3A_1167 = arith.constant 0 : i32
      %dma_wait3A_1168 = arith.constant 0 : i32
      %dma_wait3A_1169 = tpu.memref_slice %arg5[%add3A, %dma_wait3A_1167, %dma_wait3A_1168] : memref<32x16x16xf32, #tpu.memory_space<hbm>> -> memref<1x16x16xf32, #tpu.memory_space<hbm>>
      %dma_wait3A_1170 = tpu.memref_squeeze %dma_wait3A_1169 : memref<1x16x16xf32, #tpu.memory_space<hbm>> -> memref<16x16xf32, #tpu.memory_space<hbm>>
      tpu.wait_dma2 semaphore(%run_scoped3A : memref<!tpu.dma_semaphore, #tpu.memory_space<semaphore_mem>>) src(%arg9 : memref<16x16xf32, #tpu.memory_space<vmem>>) dst(%dma_wait3A_1170 : memref<16x16xf32, #tpu.memory_space<hbm>>)
      tpu.yield
    }) : () -> ()
    return
  }
}

module attributes {stable_mosaic.version = 14 : i64} {
  func.func @_mlp_kernel(%arg0: i32, %arg1: memref<32xf32, #tpu.memory_space<smem>>, %arg2: memref<16xf32, #tpu.memory_space<smem>>, %arg3: memref<16384x128xf32, #tpu.memory_space<vmem>>, %arg4: memref<128x32xf32, #tpu.memory_space<vmem>>, %arg5: memref<32x16xf32, #tpu.memory_space<vmem>>, %arg6: memref<16384x16xf32, #tpu.memory_space<vmem>>) attributes {dimension_semantics = [#tpu.dimension_semantics<arbitrary>], iteration_bounds = array<i64: 2>, scalar_prefetch = 2 : i64, scratch_operands = 0 : i64, tpu.core_type = #tpu.core_type<tc>, window_params = [{transform_indices = @transform_0, window_bounds = array<i64: 16384, 128>}, {pipeline_mode = #tpu.pipeline_mode<synchronous>, transform_indices = @transform_1, window_bounds = array<i64: 128, 32>}, {pipeline_mode = #tpu.pipeline_mode<synchronous>, transform_indices = @transform_2, window_bounds = array<i64: 32, 16>}, {transform_indices = @transform_3, window_bounds = array<i64: 16384, 16>}]} {
    %get3A = arith.constant 0 : index
    %get3A_0 = arith.constant 0 : index
    %get3A_1 = vector.load %arg3[%get3A, %get3A_0] : memref<16384x128xf32, #tpu.memory_space<vmem>>, vector<16384x128xf32>
    %convert_element_type3A = arith.truncf %get3A_1 : vector<16384x128xf32> to vector<16384x128xbf16>
    %get3A_2 = arith.constant 0 : index
    %get3A_3 = arith.constant 0 : index
    %get3A_4 = vector.load %arg4[%get3A_2, %get3A_3] : memref<128x32xf32, #tpu.memory_space<vmem>>, vector<128x32xf32>
    %convert_element_type3A_5 = arith.truncf %get3A_4 : vector<128x32xf32> to vector<128x32xbf16>
    %dot_general3A = arith.constant dense<0.000000e+00> : vector<16384x32xf32>
    %dot_general3A_6 = tpu.matmul %convert_element_type3A, %convert_element_type3A_5, %dot_general3A {dimension_numbers = #tpu.dot_dimension_numbers<[1], [0], [0], [1], [0, 0, 1, 1], [], []>, transpose_lhs_hint = false} : vector<16384x128xbf16>, vector<128x32xbf16>, vector<16384x32xf32> -> vector<16384x32xf32>
    %iota3A = tpu.iota {dimensions = array<i32: 0>} : vector<32x1xi32>
    %broadcast_in_dim3A = arith.constant 0.000000e+00 : f32
    %broadcast_in_dim3A_7 = vector.broadcast %broadcast_in_dim3A : f32 to vector<32x1xf32>
    %eq3A = arith.constant 0 : i32
    %eq3A_8 = vector.broadcast %eq3A : i32 to vector<32x1xi32>
    %eq3A_9 = arith.cmpi eq, %iota3A, %eq3A_8 : vector<32x1xi32>
    %get3A_10 = arith.constant 0 : index
    %get3A_11 = memref.load %arg1[%get3A_10] : memref<32xf32, #tpu.memory_space<smem>>
    %broadcast_in_dim3A_12 = vector.broadcast %get3A_11 : f32 to vector<32x1xf32>
    %select_n3A = arith.select %eq3A_9, %broadcast_in_dim3A_12, %broadcast_in_dim3A_7 : vector<32x1xi1>, vector<32x1xf32>
    %eq3A_13 = arith.constant 1 : i32
    %eq3A_14 = vector.broadcast %eq3A_13 : i32 to vector<32x1xi32>
    %eq3A_15 = arith.cmpi eq, %iota3A, %eq3A_14 : vector<32x1xi32>
    %get3A_16 = arith.constant 1 : index
    %get3A_17 = memref.load %arg1[%get3A_16] : memref<32xf32, #tpu.memory_space<smem>>
    %broadcast_in_dim3A_18 = vector.broadcast %get3A_17 : f32 to vector<32x1xf32>
    %select_n3A_19 = arith.select %eq3A_15, %broadcast_in_dim3A_18, %select_n3A : vector<32x1xi1>, vector<32x1xf32>
    %eq3A_20 = arith.constant 2 : i32
    %eq3A_21 = vector.broadcast %eq3A_20 : i32 to vector<32x1xi32>
    %eq3A_22 = arith.cmpi eq, %iota3A, %eq3A_21 : vector<32x1xi32>
    %get3A_23 = arith.constant 2 : index
    %get3A_24 = memref.load %arg1[%get3A_23] : memref<32xf32, #tpu.memory_space<smem>>
    %broadcast_in_dim3A_25 = vector.broadcast %get3A_24 : f32 to vector<32x1xf32>
    %select_n3A_26 = arith.select %eq3A_22, %broadcast_in_dim3A_25, %select_n3A_19 : vector<32x1xi1>, vector<32x1xf32>
    %eq3A_27 = arith.constant 3 : i32
    %eq3A_28 = vector.broadcast %eq3A_27 : i32 to vector<32x1xi32>
    %eq3A_29 = arith.cmpi eq, %iota3A, %eq3A_28 : vector<32x1xi32>
    %get3A_30 = arith.constant 3 : index
    %get3A_31 = memref.load %arg1[%get3A_30] : memref<32xf32, #tpu.memory_space<smem>>
    %broadcast_in_dim3A_32 = vector.broadcast %get3A_31 : f32 to vector<32x1xf32>
    %select_n3A_33 = arith.select %eq3A_29, %broadcast_in_dim3A_32, %select_n3A_26 : vector<32x1xi1>, vector<32x1xf32>
    %eq3A_34 = arith.constant 4 : i32
    %eq3A_35 = vector.broadcast %eq3A_34 : i32 to vector<32x1xi32>
    %eq3A_36 = arith.cmpi eq, %iota3A, %eq3A_35 : vector<32x1xi32>
    %get3A_37 = arith.constant 4 : index
    %get3A_38 = memref.load %arg1[%get3A_37] : memref<32xf32, #tpu.memory_space<smem>>
    %broadcast_in_dim3A_39 = vector.broadcast %get3A_38 : f32 to vector<32x1xf32>
    %select_n3A_40 = arith.select %eq3A_36, %broadcast_in_dim3A_39, %select_n3A_33 : vector<32x1xi1>, vector<32x1xf32>
    %eq3A_41 = arith.constant 5 : i32
    %eq3A_42 = vector.broadcast %eq3A_41 : i32 to vector<32x1xi32>
    %eq3A_43 = arith.cmpi eq, %iota3A, %eq3A_42 : vector<32x1xi32>
    %get3A_44 = arith.constant 5 : index
    %get3A_45 = memref.load %arg1[%get3A_44] : memref<32xf32, #tpu.memory_space<smem>>
    %broadcast_in_dim3A_46 = vector.broadcast %get3A_45 : f32 to vector<32x1xf32>
    %select_n3A_47 = arith.select %eq3A_43, %broadcast_in_dim3A_46, %select_n3A_40 : vector<32x1xi1>, vector<32x1xf32>
    %eq3A_48 = arith.constant 6 : i32
    %eq3A_49 = vector.broadcast %eq3A_48 : i32 to vector<32x1xi32>
    %eq3A_50 = arith.cmpi eq, %iota3A, %eq3A_49 : vector<32x1xi32>
    %get3A_51 = arith.constant 6 : index
    %get3A_52 = memref.load %arg1[%get3A_51] : memref<32xf32, #tpu.memory_space<smem>>
    %broadcast_in_dim3A_53 = vector.broadcast %get3A_52 : f32 to vector<32x1xf32>
    %select_n3A_54 = arith.select %eq3A_50, %broadcast_in_dim3A_53, %select_n3A_47 : vector<32x1xi1>, vector<32x1xf32>
    %eq3A_55 = arith.constant 7 : i32
    %eq3A_56 = vector.broadcast %eq3A_55 : i32 to vector<32x1xi32>
    %eq3A_57 = arith.cmpi eq, %iota3A, %eq3A_56 : vector<32x1xi32>
    %get3A_58 = arith.constant 7 : index
    %get3A_59 = memref.load %arg1[%get3A_58] : memref<32xf32, #tpu.memory_space<smem>>
    %broadcast_in_dim3A_60 = vector.broadcast %get3A_59 : f32 to vector<32x1xf32>
    %select_n3A_61 = arith.select %eq3A_57, %broadcast_in_dim3A_60, %select_n3A_54 : vector<32x1xi1>, vector<32x1xf32>
    %eq3A_62 = arith.constant 8 : i32
    %eq3A_63 = vector.broadcast %eq3A_62 : i32 to vector<32x1xi32>
    %eq3A_64 = arith.cmpi eq, %iota3A, %eq3A_63 : vector<32x1xi32>
    %get3A_65 = arith.constant 8 : index
    %get3A_66 = memref.load %arg1[%get3A_65] : memref<32xf32, #tpu.memory_space<smem>>
    %broadcast_in_dim3A_67 = vector.broadcast %get3A_66 : f32 to vector<32x1xf32>
    %select_n3A_68 = arith.select %eq3A_64, %broadcast_in_dim3A_67, %select_n3A_61 : vector<32x1xi1>, vector<32x1xf32>
    %eq3A_69 = arith.constant 9 : i32
    %eq3A_70 = vector.broadcast %eq3A_69 : i32 to vector<32x1xi32>
    %eq3A_71 = arith.cmpi eq, %iota3A, %eq3A_70 : vector<32x1xi32>
    %get3A_72 = arith.constant 9 : index
    %get3A_73 = memref.load %arg1[%get3A_72] : memref<32xf32, #tpu.memory_space<smem>>
    %broadcast_in_dim3A_74 = vector.broadcast %get3A_73 : f32 to vector<32x1xf32>
    %select_n3A_75 = arith.select %eq3A_71, %broadcast_in_dim3A_74, %select_n3A_68 : vector<32x1xi1>, vector<32x1xf32>
    %eq3A_76 = arith.constant 10 : i32
    %eq3A_77 = vector.broadcast %eq3A_76 : i32 to vector<32x1xi32>
    %eq3A_78 = arith.cmpi eq, %iota3A, %eq3A_77 : vector<32x1xi32>
    %get3A_79 = arith.constant 10 : index
    %get3A_80 = memref.load %arg1[%get3A_79] : memref<32xf32, #tpu.memory_space<smem>>
    %broadcast_in_dim3A_81 = vector.broadcast %get3A_80 : f32 to vector<32x1xf32>
    %select_n3A_82 = arith.select %eq3A_78, %broadcast_in_dim3A_81, %select_n3A_75 : vector<32x1xi1>, vector<32x1xf32>
    %eq3A_83 = arith.constant 11 : i32
    %eq3A_84 = vector.broadcast %eq3A_83 : i32 to vector<32x1xi32>
    %eq3A_85 = arith.cmpi eq, %iota3A, %eq3A_84 : vector<32x1xi32>
    %get3A_86 = arith.constant 11 : index
    %get3A_87 = memref.load %arg1[%get3A_86] : memref<32xf32, #tpu.memory_space<smem>>
    %broadcast_in_dim3A_88 = vector.broadcast %get3A_87 : f32 to vector<32x1xf32>
    %select_n3A_89 = arith.select %eq3A_85, %broadcast_in_dim3A_88, %select_n3A_82 : vector<32x1xi1>, vector<32x1xf32>
    %eq3A_90 = arith.constant 12 : i32
    %eq3A_91 = vector.broadcast %eq3A_90 : i32 to vector<32x1xi32>
    %eq3A_92 = arith.cmpi eq, %iota3A, %eq3A_91 : vector<32x1xi32>
    %get3A_93 = arith.constant 12 : index
    %get3A_94 = memref.load %arg1[%get3A_93] : memref<32xf32, #tpu.memory_space<smem>>
    %broadcast_in_dim3A_95 = vector.broadcast %get3A_94 : f32 to vector<32x1xf32>
    %select_n3A_96 = arith.select %eq3A_92, %broadcast_in_dim3A_95, %select_n3A_89 : vector<32x1xi1>, vector<32x1xf32>
    %eq3A_97 = arith.constant 13 : i32
    %eq3A_98 = vector.broadcast %eq3A_97 : i32 to vector<32x1xi32>
    %eq3A_99 = arith.cmpi eq, %iota3A, %eq3A_98 : vector<32x1xi32>
    %get3A_100 = arith.constant 13 : index
    %get3A_101 = memref.load %arg1[%get3A_100] : memref<32xf32, #tpu.memory_space<smem>>
    %broadcast_in_dim3A_102 = vector.broadcast %get3A_101 : f32 to vector<32x1xf32>
    %select_n3A_103 = arith.select %eq3A_99, %broadcast_in_dim3A_102, %select_n3A_96 : vector<32x1xi1>, vector<32x1xf32>
    %eq3A_104 = arith.constant 14 : i32
    %eq3A_105 = vector.broadcast %eq3A_104 : i32 to vector<32x1xi32>
    %eq3A_106 = arith.cmpi eq, %iota3A, %eq3A_105 : vector<32x1xi32>
    %get3A_107 = arith.constant 14 : index
    %get3A_108 = memref.load %arg1[%get3A_107] : memref<32xf32, #tpu.memory_space<smem>>
    %broadcast_in_dim3A_109 = vector.broadcast %get3A_108 : f32 to vector<32x1xf32>
    %select_n3A_110 = arith.select %eq3A_106, %broadcast_in_dim3A_109, %select_n3A_103 : vector<32x1xi1>, vector<32x1xf32>
    %eq3A_111 = arith.constant 15 : i32
    %eq3A_112 = vector.broadcast %eq3A_111 : i32 to vector<32x1xi32>
    %eq3A_113 = arith.cmpi eq, %iota3A, %eq3A_112 : vector<32x1xi32>
    %get3A_114 = arith.constant 15 : index
    %get3A_115 = memref.load %arg1[%get3A_114] : memref<32xf32, #tpu.memory_space<smem>>
    %broadcast_in_dim3A_116 = vector.broadcast %get3A_115 : f32 to vector<32x1xf32>
    %select_n3A_117 = arith.select %eq3A_113, %broadcast_in_dim3A_116, %select_n3A_110 : vector<32x1xi1>, vector<32x1xf32>
    %eq3A_118 = arith.constant 16 : i32
    %eq3A_119 = vector.broadcast %eq3A_118 : i32 to vector<32x1xi32>
    %eq3A_120 = arith.cmpi eq, %iota3A, %eq3A_119 : vector<32x1xi32>
    %get3A_121 = arith.constant 16 : index
    %get3A_122 = memref.load %arg1[%get3A_121] : memref<32xf32, #tpu.memory_space<smem>>
    %broadcast_in_dim3A_123 = vector.broadcast %get3A_122 : f32 to vector<32x1xf32>
    %select_n3A_124 = arith.select %eq3A_120, %broadcast_in_dim3A_123, %select_n3A_117 : vector<32x1xi1>, vector<32x1xf32>
    %eq3A_125 = arith.constant 17 : i32
    %eq3A_126 = vector.broadcast %eq3A_125 : i32 to vector<32x1xi32>
    %eq3A_127 = arith.cmpi eq, %iota3A, %eq3A_126 : vector<32x1xi32>
    %get3A_128 = arith.constant 17 : index
    %get3A_129 = memref.load %arg1[%get3A_128] : memref<32xf32, #tpu.memory_space<smem>>
    %broadcast_in_dim3A_130 = vector.broadcast %get3A_129 : f32 to vector<32x1xf32>
    %select_n3A_131 = arith.select %eq3A_127, %broadcast_in_dim3A_130, %select_n3A_124 : vector<32x1xi1>, vector<32x1xf32>
    %eq3A_132 = arith.constant 18 : i32
    %eq3A_133 = vector.broadcast %eq3A_132 : i32 to vector<32x1xi32>
    %eq3A_134 = arith.cmpi eq, %iota3A, %eq3A_133 : vector<32x1xi32>
    %get3A_135 = arith.constant 18 : index
    %get3A_136 = memref.load %arg1[%get3A_135] : memref<32xf32, #tpu.memory_space<smem>>
    %broadcast_in_dim3A_137 = vector.broadcast %get3A_136 : f32 to vector<32x1xf32>
    %select_n3A_138 = arith.select %eq3A_134, %broadcast_in_dim3A_137, %select_n3A_131 : vector<32x1xi1>, vector<32x1xf32>
    %eq3A_139 = arith.constant 19 : i32
    %eq3A_140 = vector.broadcast %eq3A_139 : i32 to vector<32x1xi32>
    %eq3A_141 = arith.cmpi eq, %iota3A, %eq3A_140 : vector<32x1xi32>
    %get3A_142 = arith.constant 19 : index
    %get3A_143 = memref.load %arg1[%get3A_142] : memref<32xf32, #tpu.memory_space<smem>>
    %broadcast_in_dim3A_144 = vector.broadcast %get3A_143 : f32 to vector<32x1xf32>
    %select_n3A_145 = arith.select %eq3A_141, %broadcast_in_dim3A_144, %select_n3A_138 : vector<32x1xi1>, vector<32x1xf32>
    %eq3A_146 = arith.constant 20 : i32
    %eq3A_147 = vector.broadcast %eq3A_146 : i32 to vector<32x1xi32>
    %eq3A_148 = arith.cmpi eq, %iota3A, %eq3A_147 : vector<32x1xi32>
    %get3A_149 = arith.constant 20 : index
    %get3A_150 = memref.load %arg1[%get3A_149] : memref<32xf32, #tpu.memory_space<smem>>
    %broadcast_in_dim3A_151 = vector.broadcast %get3A_150 : f32 to vector<32x1xf32>
    %select_n3A_152 = arith.select %eq3A_148, %broadcast_in_dim3A_151, %select_n3A_145 : vector<32x1xi1>, vector<32x1xf32>
    %eq3A_153 = arith.constant 21 : i32
    %eq3A_154 = vector.broadcast %eq3A_153 : i32 to vector<32x1xi32>
    %eq3A_155 = arith.cmpi eq, %iota3A, %eq3A_154 : vector<32x1xi32>
    %get3A_156 = arith.constant 21 : index
    %get3A_157 = memref.load %arg1[%get3A_156] : memref<32xf32, #tpu.memory_space<smem>>
    %broadcast_in_dim3A_158 = vector.broadcast %get3A_157 : f32 to vector<32x1xf32>
    %select_n3A_159 = arith.select %eq3A_155, %broadcast_in_dim3A_158, %select_n3A_152 : vector<32x1xi1>, vector<32x1xf32>
    %eq3A_160 = arith.constant 22 : i32
    %eq3A_161 = vector.broadcast %eq3A_160 : i32 to vector<32x1xi32>
    %eq3A_162 = arith.cmpi eq, %iota3A, %eq3A_161 : vector<32x1xi32>
    %get3A_163 = arith.constant 22 : index
    %get3A_164 = memref.load %arg1[%get3A_163] : memref<32xf32, #tpu.memory_space<smem>>
    %broadcast_in_dim3A_165 = vector.broadcast %get3A_164 : f32 to vector<32x1xf32>
    %select_n3A_166 = arith.select %eq3A_162, %broadcast_in_dim3A_165, %select_n3A_159 : vector<32x1xi1>, vector<32x1xf32>
    %eq3A_167 = arith.constant 23 : i32
    %eq3A_168 = vector.broadcast %eq3A_167 : i32 to vector<32x1xi32>
    %eq3A_169 = arith.cmpi eq, %iota3A, %eq3A_168 : vector<32x1xi32>
    %get3A_170 = arith.constant 23 : index
    %get3A_171 = memref.load %arg1[%get3A_170] : memref<32xf32, #tpu.memory_space<smem>>
    %broadcast_in_dim3A_172 = vector.broadcast %get3A_171 : f32 to vector<32x1xf32>
    %select_n3A_173 = arith.select %eq3A_169, %broadcast_in_dim3A_172, %select_n3A_166 : vector<32x1xi1>, vector<32x1xf32>
    %eq3A_174 = arith.constant 24 : i32
    %eq3A_175 = vector.broadcast %eq3A_174 : i32 to vector<32x1xi32>
    %eq3A_176 = arith.cmpi eq, %iota3A, %eq3A_175 : vector<32x1xi32>
    %get3A_177 = arith.constant 24 : index
    %get3A_178 = memref.load %arg1[%get3A_177] : memref<32xf32, #tpu.memory_space<smem>>
    %broadcast_in_dim3A_179 = vector.broadcast %get3A_178 : f32 to vector<32x1xf32>
    %select_n3A_180 = arith.select %eq3A_176, %broadcast_in_dim3A_179, %select_n3A_173 : vector<32x1xi1>, vector<32x1xf32>
    %eq3A_181 = arith.constant 25 : i32
    %eq3A_182 = vector.broadcast %eq3A_181 : i32 to vector<32x1xi32>
    %eq3A_183 = arith.cmpi eq, %iota3A, %eq3A_182 : vector<32x1xi32>
    %get3A_184 = arith.constant 25 : index
    %get3A_185 = memref.load %arg1[%get3A_184] : memref<32xf32, #tpu.memory_space<smem>>
    %broadcast_in_dim3A_186 = vector.broadcast %get3A_185 : f32 to vector<32x1xf32>
    %select_n3A_187 = arith.select %eq3A_183, %broadcast_in_dim3A_186, %select_n3A_180 : vector<32x1xi1>, vector<32x1xf32>
    %eq3A_188 = arith.constant 26 : i32
    %eq3A_189 = vector.broadcast %eq3A_188 : i32 to vector<32x1xi32>
    %eq3A_190 = arith.cmpi eq, %iota3A, %eq3A_189 : vector<32x1xi32>
    %get3A_191 = arith.constant 26 : index
    %get3A_192 = memref.load %arg1[%get3A_191] : memref<32xf32, #tpu.memory_space<smem>>
    %broadcast_in_dim3A_193 = vector.broadcast %get3A_192 : f32 to vector<32x1xf32>
    %select_n3A_194 = arith.select %eq3A_190, %broadcast_in_dim3A_193, %select_n3A_187 : vector<32x1xi1>, vector<32x1xf32>
    %eq3A_195 = arith.constant 27 : i32
    %eq3A_196 = vector.broadcast %eq3A_195 : i32 to vector<32x1xi32>
    %eq3A_197 = arith.cmpi eq, %iota3A, %eq3A_196 : vector<32x1xi32>
    %get3A_198 = arith.constant 27 : index
    %get3A_199 = memref.load %arg1[%get3A_198] : memref<32xf32, #tpu.memory_space<smem>>
    %broadcast_in_dim3A_200 = vector.broadcast %get3A_199 : f32 to vector<32x1xf32>
    %select_n3A_201 = arith.select %eq3A_197, %broadcast_in_dim3A_200, %select_n3A_194 : vector<32x1xi1>, vector<32x1xf32>
    %eq3A_202 = arith.constant 28 : i32
    %eq3A_203 = vector.broadcast %eq3A_202 : i32 to vector<32x1xi32>
    %eq3A_204 = arith.cmpi eq, %iota3A, %eq3A_203 : vector<32x1xi32>
    %get3A_205 = arith.constant 28 : index
    %get3A_206 = memref.load %arg1[%get3A_205] : memref<32xf32, #tpu.memory_space<smem>>
    %broadcast_in_dim3A_207 = vector.broadcast %get3A_206 : f32 to vector<32x1xf32>
    %select_n3A_208 = arith.select %eq3A_204, %broadcast_in_dim3A_207, %select_n3A_201 : vector<32x1xi1>, vector<32x1xf32>
    %eq3A_209 = arith.constant 29 : i32
    %eq3A_210 = vector.broadcast %eq3A_209 : i32 to vector<32x1xi32>
    %eq3A_211 = arith.cmpi eq, %iota3A, %eq3A_210 : vector<32x1xi32>
    %get3A_212 = arith.constant 29 : index
    %get3A_213 = memref.load %arg1[%get3A_212] : memref<32xf32, #tpu.memory_space<smem>>
    %broadcast_in_dim3A_214 = vector.broadcast %get3A_213 : f32 to vector<32x1xf32>
    %select_n3A_215 = arith.select %eq3A_211, %broadcast_in_dim3A_214, %select_n3A_208 : vector<32x1xi1>, vector<32x1xf32>
    %eq3A_216 = arith.constant 30 : i32
    %eq3A_217 = vector.broadcast %eq3A_216 : i32 to vector<32x1xi32>
    %eq3A_218 = arith.cmpi eq, %iota3A, %eq3A_217 : vector<32x1xi32>
    %get3A_219 = arith.constant 30 : index
    %get3A_220 = memref.load %arg1[%get3A_219] : memref<32xf32, #tpu.memory_space<smem>>
    %broadcast_in_dim3A_221 = vector.broadcast %get3A_220 : f32 to vector<32x1xf32>
    %select_n3A_222 = arith.select %eq3A_218, %broadcast_in_dim3A_221, %select_n3A_215 : vector<32x1xi1>, vector<32x1xf32>
    %eq3A_223 = arith.constant 31 : i32
    %eq3A_224 = vector.broadcast %eq3A_223 : i32 to vector<32x1xi32>
    %eq3A_225 = arith.cmpi eq, %iota3A, %eq3A_224 : vector<32x1xi32>
    %get3A_226 = arith.constant 31 : index
    %get3A_227 = memref.load %arg1[%get3A_226] : memref<32xf32, #tpu.memory_space<smem>>
    %broadcast_in_dim3A_228 = vector.broadcast %get3A_227 : f32 to vector<32x1xf32>
    %select_n3A_229 = arith.select %eq3A_225, %broadcast_in_dim3A_228, %select_n3A_222 : vector<32x1xi1>, vector<32x1xf32>
    %reshape3A = vector.shape_cast %select_n3A_229 : vector<32x1xf32> to vector<1x32xf32>
    %add3A = vector.broadcast %reshape3A : vector<1x32xf32> to vector<16384x32xf32>
    %add3A_230 = arith.addf %dot_general3A_6, %add3A : vector<16384x32xf32>
    %ge3A = arith.constant 0.000000e+00 : f32
    %ge3A_231 = vector.broadcast %ge3A : f32 to vector<16384x32xf32>
    %ge3A_232 = arith.cmpf oge, %add3A_230, %ge3A_231 : vector<16384x32xf32>
    %mul3A = arith.constant 2.000000e-01 : f32
    %mul3A_233 = vector.broadcast %mul3A : f32 to vector<16384x32xf32>
    %mul3A_234 = arith.mulf %mul3A_233, %add3A_230 : vector<16384x32xf32>
    %select_n3A_235 = arith.select %ge3A_232, %add3A_230, %mul3A_234 : vector<16384x32xi1>, vector<16384x32xf32>
    %convert_element_type3A_236 = arith.truncf %select_n3A_235 : vector<16384x32xf32> to vector<16384x32xbf16>
    %get3A_237 = arith.constant 0 : index
    %get3A_238 = arith.constant 0 : index
    %get3A_239 = vector.load %arg5[%get3A_237, %get3A_238] : memref<32x16xf32, #tpu.memory_space<vmem>>, vector<32x16xf32>
    %convert_element_type3A_240 = arith.truncf %get3A_239 : vector<32x16xf32> to vector<32x16xbf16>
    %dot_general3A_241 = arith.constant dense<0.000000e+00> : vector<16384x16xf32>
    %dot_general3A_242 = tpu.matmul %convert_element_type3A_236, %convert_element_type3A_240, %dot_general3A_241 {dimension_numbers = #tpu.dot_dimension_numbers<[1], [0], [0], [1], [0, 0, 1, 1], [], []>, transpose_lhs_hint = false} : vector<16384x32xbf16>, vector<32x16xbf16>, vector<16384x16xf32> -> vector<16384x16xf32>
    %iota3A_243 = tpu.iota {dimensions = array<i32: 0>} : vector<16x1xi32>
    %broadcast_in_dim3A_244 = arith.constant 0.000000e+00 : f32
    %broadcast_in_dim3A_245 = vector.broadcast %broadcast_in_dim3A_244 : f32 to vector<16x1xf32>
    %eq3A_246 = arith.constant 0 : i32
    %eq3A_247 = vector.broadcast %eq3A_246 : i32 to vector<16x1xi32>
    %eq3A_248 = arith.cmpi eq, %iota3A_243, %eq3A_247 : vector<16x1xi32>
    %get3A_249 = arith.constant 0 : index
    %get3A_250 = memref.load %arg2[%get3A_249] : memref<16xf32, #tpu.memory_space<smem>>
    %broadcast_in_dim3A_251 = vector.broadcast %get3A_250 : f32 to vector<16x1xf32>
    %select_n3A_252 = arith.select %eq3A_248, %broadcast_in_dim3A_251, %broadcast_in_dim3A_245 : vector<16x1xi1>, vector<16x1xf32>
    %eq3A_253 = arith.constant 1 : i32
    %eq3A_254 = vector.broadcast %eq3A_253 : i32 to vector<16x1xi32>
    %eq3A_255 = arith.cmpi eq, %iota3A_243, %eq3A_254 : vector<16x1xi32>
    %get3A_256 = arith.constant 1 : index
    %get3A_257 = memref.load %arg2[%get3A_256] : memref<16xf32, #tpu.memory_space<smem>>
    %broadcast_in_dim3A_258 = vector.broadcast %get3A_257 : f32 to vector<16x1xf32>
    %select_n3A_259 = arith.select %eq3A_255, %broadcast_in_dim3A_258, %select_n3A_252 : vector<16x1xi1>, vector<16x1xf32>
    %eq3A_260 = arith.constant 2 : i32
    %eq3A_261 = vector.broadcast %eq3A_260 : i32 to vector<16x1xi32>
    %eq3A_262 = arith.cmpi eq, %iota3A_243, %eq3A_261 : vector<16x1xi32>
    %get3A_263 = arith.constant 2 : index
    %get3A_264 = memref.load %arg2[%get3A_263] : memref<16xf32, #tpu.memory_space<smem>>
    %broadcast_in_dim3A_265 = vector.broadcast %get3A_264 : f32 to vector<16x1xf32>
    %select_n3A_266 = arith.select %eq3A_262, %broadcast_in_dim3A_265, %select_n3A_259 : vector<16x1xi1>, vector<16x1xf32>
    %eq3A_267 = arith.constant 3 : i32
    %eq3A_268 = vector.broadcast %eq3A_267 : i32 to vector<16x1xi32>
    %eq3A_269 = arith.cmpi eq, %iota3A_243, %eq3A_268 : vector<16x1xi32>
    %get3A_270 = arith.constant 3 : index
    %get3A_271 = memref.load %arg2[%get3A_270] : memref<16xf32, #tpu.memory_space<smem>>
    %broadcast_in_dim3A_272 = vector.broadcast %get3A_271 : f32 to vector<16x1xf32>
    %select_n3A_273 = arith.select %eq3A_269, %broadcast_in_dim3A_272, %select_n3A_266 : vector<16x1xi1>, vector<16x1xf32>
    %eq3A_274 = arith.constant 4 : i32
    %eq3A_275 = vector.broadcast %eq3A_274 : i32 to vector<16x1xi32>
    %eq3A_276 = arith.cmpi eq, %iota3A_243, %eq3A_275 : vector<16x1xi32>
    %get3A_277 = arith.constant 4 : index
    %get3A_278 = memref.load %arg2[%get3A_277] : memref<16xf32, #tpu.memory_space<smem>>
    %broadcast_in_dim3A_279 = vector.broadcast %get3A_278 : f32 to vector<16x1xf32>
    %select_n3A_280 = arith.select %eq3A_276, %broadcast_in_dim3A_279, %select_n3A_273 : vector<16x1xi1>, vector<16x1xf32>
    %eq3A_281 = arith.constant 5 : i32
    %eq3A_282 = vector.broadcast %eq3A_281 : i32 to vector<16x1xi32>
    %eq3A_283 = arith.cmpi eq, %iota3A_243, %eq3A_282 : vector<16x1xi32>
    %get3A_284 = arith.constant 5 : index
    %get3A_285 = memref.load %arg2[%get3A_284] : memref<16xf32, #tpu.memory_space<smem>>
    %broadcast_in_dim3A_286 = vector.broadcast %get3A_285 : f32 to vector<16x1xf32>
    %select_n3A_287 = arith.select %eq3A_283, %broadcast_in_dim3A_286, %select_n3A_280 : vector<16x1xi1>, vector<16x1xf32>
    %eq3A_288 = arith.constant 6 : i32
    %eq3A_289 = vector.broadcast %eq3A_288 : i32 to vector<16x1xi32>
    %eq3A_290 = arith.cmpi eq, %iota3A_243, %eq3A_289 : vector<16x1xi32>
    %get3A_291 = arith.constant 6 : index
    %get3A_292 = memref.load %arg2[%get3A_291] : memref<16xf32, #tpu.memory_space<smem>>
    %broadcast_in_dim3A_293 = vector.broadcast %get3A_292 : f32 to vector<16x1xf32>
    %select_n3A_294 = arith.select %eq3A_290, %broadcast_in_dim3A_293, %select_n3A_287 : vector<16x1xi1>, vector<16x1xf32>
    %eq3A_295 = arith.constant 7 : i32
    %eq3A_296 = vector.broadcast %eq3A_295 : i32 to vector<16x1xi32>
    %eq3A_297 = arith.cmpi eq, %iota3A_243, %eq3A_296 : vector<16x1xi32>
    %get3A_298 = arith.constant 7 : index
    %get3A_299 = memref.load %arg2[%get3A_298] : memref<16xf32, #tpu.memory_space<smem>>
    %broadcast_in_dim3A_300 = vector.broadcast %get3A_299 : f32 to vector<16x1xf32>
    %select_n3A_301 = arith.select %eq3A_297, %broadcast_in_dim3A_300, %select_n3A_294 : vector<16x1xi1>, vector<16x1xf32>
    %eq3A_302 = arith.constant 8 : i32
    %eq3A_303 = vector.broadcast %eq3A_302 : i32 to vector<16x1xi32>
    %eq3A_304 = arith.cmpi eq, %iota3A_243, %eq3A_303 : vector<16x1xi32>
    %get3A_305 = arith.constant 8 : index
    %get3A_306 = memref.load %arg2[%get3A_305] : memref<16xf32, #tpu.memory_space<smem>>
    %broadcast_in_dim3A_307 = vector.broadcast %get3A_306 : f32 to vector<16x1xf32>
    %select_n3A_308 = arith.select %eq3A_304, %broadcast_in_dim3A_307, %select_n3A_301 : vector<16x1xi1>, vector<16x1xf32>
    %eq3A_309 = arith.constant 9 : i32
    %eq3A_310 = vector.broadcast %eq3A_309 : i32 to vector<16x1xi32>
    %eq3A_311 = arith.cmpi eq, %iota3A_243, %eq3A_310 : vector<16x1xi32>
    %get3A_312 = arith.constant 9 : index
    %get3A_313 = memref.load %arg2[%get3A_312] : memref<16xf32, #tpu.memory_space<smem>>
    %broadcast_in_dim3A_314 = vector.broadcast %get3A_313 : f32 to vector<16x1xf32>
    %select_n3A_315 = arith.select %eq3A_311, %broadcast_in_dim3A_314, %select_n3A_308 : vector<16x1xi1>, vector<16x1xf32>
    %eq3A_316 = arith.constant 10 : i32
    %eq3A_317 = vector.broadcast %eq3A_316 : i32 to vector<16x1xi32>
    %eq3A_318 = arith.cmpi eq, %iota3A_243, %eq3A_317 : vector<16x1xi32>
    %get3A_319 = arith.constant 10 : index
    %get3A_320 = memref.load %arg2[%get3A_319] : memref<16xf32, #tpu.memory_space<smem>>
    %broadcast_in_dim3A_321 = vector.broadcast %get3A_320 : f32 to vector<16x1xf32>
    %select_n3A_322 = arith.select %eq3A_318, %broadcast_in_dim3A_321, %select_n3A_315 : vector<16x1xi1>, vector<16x1xf32>
    %eq3A_323 = arith.constant 11 : i32
    %eq3A_324 = vector.broadcast %eq3A_323 : i32 to vector<16x1xi32>
    %eq3A_325 = arith.cmpi eq, %iota3A_243, %eq3A_324 : vector<16x1xi32>
    %get3A_326 = arith.constant 11 : index
    %get3A_327 = memref.load %arg2[%get3A_326] : memref<16xf32, #tpu.memory_space<smem>>
    %broadcast_in_dim3A_328 = vector.broadcast %get3A_327 : f32 to vector<16x1xf32>
    %select_n3A_329 = arith.select %eq3A_325, %broadcast_in_dim3A_328, %select_n3A_322 : vector<16x1xi1>, vector<16x1xf32>
    %eq3A_330 = arith.constant 12 : i32
    %eq3A_331 = vector.broadcast %eq3A_330 : i32 to vector<16x1xi32>
    %eq3A_332 = arith.cmpi eq, %iota3A_243, %eq3A_331 : vector<16x1xi32>
    %get3A_333 = arith.constant 12 : index
    %get3A_334 = memref.load %arg2[%get3A_333] : memref<16xf32, #tpu.memory_space<smem>>
    %broadcast_in_dim3A_335 = vector.broadcast %get3A_334 : f32 to vector<16x1xf32>
    %select_n3A_336 = arith.select %eq3A_332, %broadcast_in_dim3A_335, %select_n3A_329 : vector<16x1xi1>, vector<16x1xf32>
    %eq3A_337 = arith.constant 13 : i32
    %eq3A_338 = vector.broadcast %eq3A_337 : i32 to vector<16x1xi32>
    %eq3A_339 = arith.cmpi eq, %iota3A_243, %eq3A_338 : vector<16x1xi32>
    %get3A_340 = arith.constant 13 : index
    %get3A_341 = memref.load %arg2[%get3A_340] : memref<16xf32, #tpu.memory_space<smem>>
    %broadcast_in_dim3A_342 = vector.broadcast %get3A_341 : f32 to vector<16x1xf32>
    %select_n3A_343 = arith.select %eq3A_339, %broadcast_in_dim3A_342, %select_n3A_336 : vector<16x1xi1>, vector<16x1xf32>
    %eq3A_344 = arith.constant 14 : i32
    %eq3A_345 = vector.broadcast %eq3A_344 : i32 to vector<16x1xi32>
    %eq3A_346 = arith.cmpi eq, %iota3A_243, %eq3A_345 : vector<16x1xi32>
    %get3A_347 = arith.constant 14 : index
    %get3A_348 = memref.load %arg2[%get3A_347] : memref<16xf32, #tpu.memory_space<smem>>
    %broadcast_in_dim3A_349 = vector.broadcast %get3A_348 : f32 to vector<16x1xf32>
    %select_n3A_350 = arith.select %eq3A_346, %broadcast_in_dim3A_349, %select_n3A_343 : vector<16x1xi1>, vector<16x1xf32>
    %eq3A_351 = arith.constant 15 : i32
    %eq3A_352 = vector.broadcast %eq3A_351 : i32 to vector<16x1xi32>
    %eq3A_353 = arith.cmpi eq, %iota3A_243, %eq3A_352 : vector<16x1xi32>
    %get3A_354 = arith.constant 15 : index
    %get3A_355 = memref.load %arg2[%get3A_354] : memref<16xf32, #tpu.memory_space<smem>>
    %broadcast_in_dim3A_356 = vector.broadcast %get3A_355 : f32 to vector<16x1xf32>
    %select_n3A_357 = arith.select %eq3A_353, %broadcast_in_dim3A_356, %select_n3A_350 : vector<16x1xi1>, vector<16x1xf32>
    %reshape3A_358 = vector.shape_cast %select_n3A_357 : vector<16x1xf32> to vector<1x16xf32>
    %add3A_359 = vector.broadcast %reshape3A_358 : vector<1x16xf32> to vector<16384x16xf32>
    %add3A_360 = arith.addf %dot_general3A_242, %add3A_359 : vector<16384x16xf32>
    %ge3A_361 = arith.constant 0.000000e+00 : f32
    %ge3A_362 = vector.broadcast %ge3A_361 : f32 to vector<16384x16xf32>
    %ge3A_363 = arith.cmpf oge, %add3A_360, %ge3A_362 : vector<16384x16xf32>
    %mul3A_364 = arith.constant 2.000000e-01 : f32
    %mul3A_365 = vector.broadcast %mul3A_364 : f32 to vector<16384x16xf32>
    %mul3A_366 = arith.mulf %mul3A_365, %add3A_360 : vector<16384x16xf32>
    %select_n3A_367 = arith.select %ge3A_363, %add3A_360, %mul3A_366 : vector<16384x16xi1>, vector<16384x16xf32>
    %swap3A = arith.constant 0 : index
    %swap3A_368 = arith.constant 0 : index
    %swap3A_369 = vector.load %arg6[%swap3A, %swap3A_368] : memref<16384x16xf32, #tpu.memory_space<vmem>>, vector<16384x16xf32>
    tpu.vector_store %arg6[%swap3A, %swap3A_368], %select_n3A_367 {strides = array<i32>} : memref<16384x16xf32, #tpu.memory_space<vmem>>, vector<16384x16xf32>,
    return
  }
  func.func @transform_0(%arg0: i32, %arg1: memref<32xf32, #tpu.memory_space<smem>>, %arg2: memref<16xf32, #tpu.memory_space<smem>>) -> (i32, i32) {
    %c0_i32 = arith.constant 0 : i32
    %c0_i32_0 = arith.constant 0 : i32
    return %arg0, %c0_i32 : i32, i32
  }
  func.func @transform_1(%arg0: i32, %arg1: memref<32xf32, #tpu.memory_space<smem>>, %arg2: memref<16xf32, #tpu.memory_space<smem>>) -> (i32, i32) {
    %c0_i32 = arith.constant 0 : i32
    %c0_i32_0 = arith.constant 0 : i32
    %c0_i32_1 = arith.constant 0 : i32
    return %c0_i32, %c0_i32_0 : i32, i32
  }
  func.func @transform_2(%arg0: i32, %arg1: memref<32xf32, #tpu.memory_space<smem>>, %arg2: memref<16xf32, #tpu.memory_space<smem>>) -> (i32, i32) {
    %c0_i32 = arith.constant 0 : i32
    %c0_i32_0 = arith.constant 0 : i32
    %c0_i32_1 = arith.constant 0 : i32
    return %c0_i32, %c0_i32_0 : i32, i32
  }
  func.func @transform_3(%arg0: i32, %arg1: memref<32xf32, #tpu.memory_space<smem>>, %arg2: memref<16xf32, #tpu.memory_space<smem>>) -> (i32, i32) {
    %c0_i32 = arith.constant 0 : i32
    %c0_i32_0 = arith.constant 0 : i32
    return %arg0, %c0_i32 : i32, i32
  }
}

module attributes {stable_mosaic.version = 14 : i64} {
  func.func @_merge_kernel(%arg0: i32, %arg1: memref<17xi32, #tpu.memory_space<smem>>, %arg2: memref<32x16x16xf32, #tpu.memory_space<vmem>>, %arg3: memref<16x128xf32, #tpu.memory_space<vmem>>, %arg4: memref<1x128xf32, #tpu.memory_space<vmem>>, %arg5: memref<16x128xf32, #tpu.memory_space<vmem>>) attributes {dimension_semantics = [#tpu.dimension_semantics<arbitrary>], iteration_bounds = array<i64: 1>, scalar_prefetch = 1 : i64, scratch_operands = 0 : i64, tpu.core_type = #tpu.core_type<tc>, window_params = [{pipeline_mode = #tpu.pipeline_mode<synchronous>, transform_indices = @transform_0, window_bounds = array<i64: 32, 16, 16>}, {pipeline_mode = #tpu.pipeline_mode<synchronous>, transform_indices = @transform_1, window_bounds = array<i64: 16, 128>}, {pipeline_mode = #tpu.pipeline_mode<synchronous>, transform_indices = @transform_2, window_bounds = array<i64: 1, 128>}, {pipeline_mode = #tpu.pipeline_mode<synchronous>, transform_indices = @transform_3, window_bounds = array<i64: 16, 128>}]} {
    %get3A = arith.constant 0 : index
    %get3A_0 = arith.constant 0 : index
    %get3A_1 = arith.constant 0 : index
    %get3A_2 = vector.load %arg2[%get3A, %get3A_0, %get3A_1] : memref<32x16x16xf32, #tpu.memory_space<vmem>>, vector<32x16x16xf32>
    %reduce_sum3A = arith.constant dense<0.000000e+00> : vector<16x16xf32>
    %reduce_sum3A_3 = vector.multi_reduction <add>, %get3A_2, %reduce_sum3A [0] : vector<32x16x16xf32> to vector<16x16xf32>
    %iota3A = tpu.iota {dimensions = array<i32: 0>} : vector<16x1xi32>
    %broadcast_in_dim3A = arith.constant 0 : i32
    %broadcast_in_dim3A_4 = vector.broadcast %broadcast_in_dim3A : i32 to vector<16x1xi32>
    %eq3A = arith.constant 0 : i32
    %eq3A_5 = vector.broadcast %eq3A : i32 to vector<16x1xi32>
    %eq3A_6 = arith.cmpi eq, %iota3A, %eq3A_5 : vector<16x1xi32>
    %get3A_7 = arith.constant 0 : index
    %get3A_8 = memref.load %arg1[%get3A_7] : memref<17xi32, #tpu.memory_space<smem>>
    %broadcast_in_dim3A_9 = vector.broadcast %get3A_8 : i32 to vector<16x1xi32>
    %select_n3A = arith.select %eq3A_6, %broadcast_in_dim3A_9, %broadcast_in_dim3A_4 : vector<16x1xi1>, vector<16x1xi32>
    %eq3A_10 = arith.constant 1 : i32
    %eq3A_11 = vector.broadcast %eq3A_10 : i32 to vector<16x1xi32>
    %eq3A_12 = arith.cmpi eq, %iota3A, %eq3A_11 : vector<16x1xi32>
    %get3A_13 = arith.constant 1 : index
    %get3A_14 = memref.load %arg1[%get3A_13] : memref<17xi32, #tpu.memory_space<smem>>
    %broadcast_in_dim3A_15 = vector.broadcast %get3A_14 : i32 to vector<16x1xi32>
    %select_n3A_16 = arith.select %eq3A_12, %broadcast_in_dim3A_15, %select_n3A : vector<16x1xi1>, vector<16x1xi32>
    %eq3A_17 = arith.constant 2 : i32
    %eq3A_18 = vector.broadcast %eq3A_17 : i32 to vector<16x1xi32>
    %eq3A_19 = arith.cmpi eq, %iota3A, %eq3A_18 : vector<16x1xi32>
    %get3A_20 = arith.constant 2 : index
    %get3A_21 = memref.load %arg1[%get3A_20] : memref<17xi32, #tpu.memory_space<smem>>
    %broadcast_in_dim3A_22 = vector.broadcast %get3A_21 : i32 to vector<16x1xi32>
    %select_n3A_23 = arith.select %eq3A_19, %broadcast_in_dim3A_22, %select_n3A_16 : vector<16x1xi1>, vector<16x1xi32>
    %eq3A_24 = arith.constant 3 : i32
    %eq3A_25 = vector.broadcast %eq3A_24 : i32 to vector<16x1xi32>
    %eq3A_26 = arith.cmpi eq, %iota3A, %eq3A_25 : vector<16x1xi32>
    %get3A_27 = arith.constant 3 : index
    %get3A_28 = memref.load %arg1[%get3A_27] : memref<17xi32, #tpu.memory_space<smem>>
    %broadcast_in_dim3A_29 = vector.broadcast %get3A_28 : i32 to vector<16x1xi32>
    %select_n3A_30 = arith.select %eq3A_26, %broadcast_in_dim3A_29, %select_n3A_23 : vector<16x1xi1>, vector<16x1xi32>
    %eq3A_31 = arith.constant 4 : i32
    %eq3A_32 = vector.broadcast %eq3A_31 : i32 to vector<16x1xi32>
    %eq3A_33 = arith.cmpi eq, %iota3A, %eq3A_32 : vector<16x1xi32>
    %get3A_34 = arith.constant 4 : index
    %get3A_35 = memref.load %arg1[%get3A_34] : memref<17xi32, #tpu.memory_space<smem>>
    %broadcast_in_dim3A_36 = vector.broadcast %get3A_35 : i32 to vector<16x1xi32>
    %select_n3A_37 = arith.select %eq3A_33, %broadcast_in_dim3A_36, %select_n3A_30 : vector<16x1xi1>, vector<16x1xi32>
    %eq3A_38 = arith.constant 5 : i32
    %eq3A_39 = vector.broadcast %eq3A_38 : i32 to vector<16x1xi32>
    %eq3A_40 = arith.cmpi eq, %iota3A, %eq3A_39 : vector<16x1xi32>
    %get3A_41 = arith.constant 5 : index
    %get3A_42 = memref.load %arg1[%get3A_41] : memref<17xi32, #tpu.memory_space<smem>>
    %broadcast_in_dim3A_43 = vector.broadcast %get3A_42 : i32 to vector<16x1xi32>
    %select_n3A_44 = arith.select %eq3A_40, %broadcast_in_dim3A_43, %select_n3A_37 : vector<16x1xi1>, vector<16x1xi32>
    %eq3A_45 = arith.constant 6 : i32
    %eq3A_46 = vector.broadcast %eq3A_45 : i32 to vector<16x1xi32>
    %eq3A_47 = arith.cmpi eq, %iota3A, %eq3A_46 : vector<16x1xi32>
    %get3A_48 = arith.constant 6 : index
    %get3A_49 = memref.load %arg1[%get3A_48] : memref<17xi32, #tpu.memory_space<smem>>
    %broadcast_in_dim3A_50 = vector.broadcast %get3A_49 : i32 to vector<16x1xi32>
    %select_n3A_51 = arith.select %eq3A_47, %broadcast_in_dim3A_50, %select_n3A_44 : vector<16x1xi1>, vector<16x1xi32>
    %eq3A_52 = arith.constant 7 : i32
    %eq3A_53 = vector.broadcast %eq3A_52 : i32 to vector<16x1xi32>
    %eq3A_54 = arith.cmpi eq, %iota3A, %eq3A_53 : vector<16x1xi32>
    %get3A_55 = arith.constant 7 : index
    %get3A_56 = memref.load %arg1[%get3A_55] : memref<17xi32, #tpu.memory_space<smem>>
    %broadcast_in_dim3A_57 = vector.broadcast %get3A_56 : i32 to vector<16x1xi32>
    %select_n3A_58 = arith.select %eq3A_54, %broadcast_in_dim3A_57, %select_n3A_51 : vector<16x1xi1>, vector<16x1xi32>
    %eq3A_59 = arith.constant 8 : i32
    %eq3A_60 = vector.broadcast %eq3A_59 : i32 to vector<16x1xi32>
    %eq3A_61 = arith.cmpi eq, %iota3A, %eq3A_60 : vector<16x1xi32>
    %get3A_62 = arith.constant 8 : index
    %get3A_63 = memref.load %arg1[%get3A_62] : memref<17xi32, #tpu.memory_space<smem>>
    %broadcast_in_dim3A_64 = vector.broadcast %get3A_63 : i32 to vector<16x1xi32>
    %select_n3A_65 = arith.select %eq3A_61, %broadcast_in_dim3A_64, %select_n3A_58 : vector<16x1xi1>, vector<16x1xi32>
    %eq3A_66 = arith.constant 9 : i32
    %eq3A_67 = vector.broadcast %eq3A_66 : i32 to vector<16x1xi32>
    %eq3A_68 = arith.cmpi eq, %iota3A, %eq3A_67 : vector<16x1xi32>
    %get3A_69 = arith.constant 9 : index
    %get3A_70 = memref.load %arg1[%get3A_69] : memref<17xi32, #tpu.memory_space<smem>>
    %broadcast_in_dim3A_71 = vector.broadcast %get3A_70 : i32 to vector<16x1xi32>
    %select_n3A_72 = arith.select %eq3A_68, %broadcast_in_dim3A_71, %select_n3A_65 : vector<16x1xi1>, vector<16x1xi32>
    %eq3A_73 = arith.constant 10 : i32
    %eq3A_74 = vector.broadcast %eq3A_73 : i32 to vector<16x1xi32>
    %eq3A_75 = arith.cmpi eq, %iota3A, %eq3A_74 : vector<16x1xi32>
    %get3A_76 = arith.constant 10 : index
    %get3A_77 = memref.load %arg1[%get3A_76] : memref<17xi32, #tpu.memory_space<smem>>
    %broadcast_in_dim3A_78 = vector.broadcast %get3A_77 : i32 to vector<16x1xi32>
    %select_n3A_79 = arith.select %eq3A_75, %broadcast_in_dim3A_78, %select_n3A_72 : vector<16x1xi1>, vector<16x1xi32>
    %eq3A_80 = arith.constant 11 : i32
    %eq3A_81 = vector.broadcast %eq3A_80 : i32 to vector<16x1xi32>
    %eq3A_82 = arith.cmpi eq, %iota3A, %eq3A_81 : vector<16x1xi32>
    %get3A_83 = arith.constant 11 : index
    %get3A_84 = memref.load %arg1[%get3A_83] : memref<17xi32, #tpu.memory_space<smem>>
    %broadcast_in_dim3A_85 = vector.broadcast %get3A_84 : i32 to vector<16x1xi32>
    %select_n3A_86 = arith.select %eq3A_82, %broadcast_in_dim3A_85, %select_n3A_79 : vector<16x1xi1>, vector<16x1xi32>
    %eq3A_87 = arith.constant 12 : i32
    %eq3A_88 = vector.broadcast %eq3A_87 : i32 to vector<16x1xi32>
    %eq3A_89 = arith.cmpi eq, %iota3A, %eq3A_88 : vector<16x1xi32>
    %get3A_90 = arith.constant 12 : index
    %get3A_91 = memref.load %arg1[%get3A_90] : memref<17xi32, #tpu.memory_space<smem>>
    %broadcast_in_dim3A_92 = vector.broadcast %get3A_91 : i32 to vector<16x1xi32>
    %select_n3A_93 = arith.select %eq3A_89, %broadcast_in_dim3A_92, %select_n3A_86 : vector<16x1xi1>, vector<16x1xi32>
    %eq3A_94 = arith.constant 13 : i32
    %eq3A_95 = vector.broadcast %eq3A_94 : i32 to vector<16x1xi32>
    %eq3A_96 = arith.cmpi eq, %iota3A, %eq3A_95 : vector<16x1xi32>
    %get3A_97 = arith.constant 13 : index
    %get3A_98 = memref.load %arg1[%get3A_97] : memref<17xi32, #tpu.memory_space<smem>>
    %broadcast_in_dim3A_99 = vector.broadcast %get3A_98 : i32 to vector<16x1xi32>
    %select_n3A_100 = arith.select %eq3A_96, %broadcast_in_dim3A_99, %select_n3A_93 : vector<16x1xi1>, vector<16x1xi32>
    %eq3A_101 = arith.constant 14 : i32
    %eq3A_102 = vector.broadcast %eq3A_101 : i32 to vector<16x1xi32>
    %eq3A_103 = arith.cmpi eq, %iota3A, %eq3A_102 : vector<16x1xi32>
    %get3A_104 = arith.constant 14 : index
    %get3A_105 = memref.load %arg1[%get3A_104] : memref<17xi32, #tpu.memory_space<smem>>
    %broadcast_in_dim3A_106 = vector.broadcast %get3A_105 : i32 to vector<16x1xi32>
    %select_n3A_107 = arith.select %eq3A_103, %broadcast_in_dim3A_106, %select_n3A_100 : vector<16x1xi1>, vector<16x1xi32>
    %eq3A_108 = arith.constant 15 : i32
    %eq3A_109 = vector.broadcast %eq3A_108 : i32 to vector<16x1xi32>
    %eq3A_110 = arith.cmpi eq, %iota3A, %eq3A_109 : vector<16x1xi32>
    %get3A_111 = arith.constant 15 : index
    %get3A_112 = memref.load %arg1[%get3A_111] : memref<17xi32, #tpu.memory_space<smem>>
    %broadcast_in_dim3A_113 = vector.broadcast %get3A_112 : i32 to vector<16x1xi32>
    %select_n3A_114 = arith.select %eq3A_110, %broadcast_in_dim3A_113, %select_n3A_107 : vector<16x1xi1>, vector<16x1xi32>
    %iota3A_115 = tpu.iota {dimensions = array<i32: 0>} : vector<16x1xi32>
    %broadcast_in_dim3A_116 = arith.constant 0 : i32
    %broadcast_in_dim3A_117 = vector.broadcast %broadcast_in_dim3A_116 : i32 to vector<16x1xi32>
    %eq3A_118 = arith.constant 0 : i32
    %eq3A_119 = vector.broadcast %eq3A_118 : i32 to vector<16x1xi32>
    %eq3A_120 = arith.cmpi eq, %iota3A_115, %eq3A_119 : vector<16x1xi32>
    %get3A_121 = arith.constant 1 : index
    %get3A_122 = memref.load %arg1[%get3A_121] : memref<17xi32, #tpu.memory_space<smem>>
    %broadcast_in_dim3A_123 = vector.broadcast %get3A_122 : i32 to vector<16x1xi32>
    %select_n3A_124 = arith.select %eq3A_120, %broadcast_in_dim3A_123, %broadcast_in_dim3A_117 : vector<16x1xi1>, vector<16x1xi32>
    %eq3A_125 = arith.constant 1 : i32
    %eq3A_126 = vector.broadcast %eq3A_125 : i32 to vector<16x1xi32>
    %eq3A_127 = arith.cmpi eq, %iota3A_115, %eq3A_126 : vector<16x1xi32>
    %get3A_128 = arith.constant 2 : index
    %get3A_129 = memref.load %arg1[%get3A_128] : memref<17xi32, #tpu.memory_space<smem>>
    %broadcast_in_dim3A_130 = vector.broadcast %get3A_129 : i32 to vector<16x1xi32>
    %select_n3A_131 = arith.select %eq3A_127, %broadcast_in_dim3A_130, %select_n3A_124 : vector<16x1xi1>, vector<16x1xi32>
    %eq3A_132 = arith.constant 2 : i32
    %eq3A_133 = vector.broadcast %eq3A_132 : i32 to vector<16x1xi32>
    %eq3A_134 = arith.cmpi eq, %iota3A_115, %eq3A_133 : vector<16x1xi32>
    %get3A_135 = arith.constant 3 : index
    %get3A_136 = memref.load %arg1[%get3A_135] : memref<17xi32, #tpu.memory_space<smem>>
    %broadcast_in_dim3A_137 = vector.broadcast %get3A_136 : i32 to vector<16x1xi32>
    %select_n3A_138 = arith.select %eq3A_134, %broadcast_in_dim3A_137, %select_n3A_131 : vector<16x1xi1>, vector<16x1xi32>
    %eq3A_139 = arith.constant 3 : i32
    %eq3A_140 = vector.broadcast %eq3A_139 : i32 to vector<16x1xi32>
    %eq3A_141 = arith.cmpi eq, %iota3A_115, %eq3A_140 : vector<16x1xi32>
    %get3A_142 = arith.constant 4 : index
    %get3A_143 = memref.load %arg1[%get3A_142] : memref<17xi32, #tpu.memory_space<smem>>
    %broadcast_in_dim3A_144 = vector.broadcast %get3A_143 : i32 to vector<16x1xi32>
    %select_n3A_145 = arith.select %eq3A_141, %broadcast_in_dim3A_144, %select_n3A_138 : vector<16x1xi1>, vector<16x1xi32>
    %eq3A_146 = arith.constant 4 : i32
    %eq3A_147 = vector.broadcast %eq3A_146 : i32 to vector<16x1xi32>
    %eq3A_148 = arith.cmpi eq, %iota3A_115, %eq3A_147 : vector<16x1xi32>
    %get3A_149 = arith.constant 5 : index
    %get3A_150 = memref.load %arg1[%get3A_149] : memref<17xi32, #tpu.memory_space<smem>>
    %broadcast_in_dim3A_151 = vector.broadcast %get3A_150 : i32 to vector<16x1xi32>
    %select_n3A_152 = arith.select %eq3A_148, %broadcast_in_dim3A_151, %select_n3A_145 : vector<16x1xi1>, vector<16x1xi32>
    %eq3A_153 = arith.constant 5 : i32
    %eq3A_154 = vector.broadcast %eq3A_153 : i32 to vector<16x1xi32>
    %eq3A_155 = arith.cmpi eq, %iota3A_115, %eq3A_154 : vector<16x1xi32>
    %get3A_156 = arith.constant 6 : index
    %get3A_157 = memref.load %arg1[%get3A_156] : memref<17xi32, #tpu.memory_space<smem>>
    %broadcast_in_dim3A_158 = vector.broadcast %get3A_157 : i32 to vector<16x1xi32>
    %select_n3A_159 = arith.select %eq3A_155, %broadcast_in_dim3A_158, %select_n3A_152 : vector<16x1xi1>, vector<16x1xi32>
    %eq3A_160 = arith.constant 6 : i32
    %eq3A_161 = vector.broadcast %eq3A_160 : i32 to vector<16x1xi32>
    %eq3A_162 = arith.cmpi eq, %iota3A_115, %eq3A_161 : vector<16x1xi32>
    %get3A_163 = arith.constant 7 : index
    %get3A_164 = memref.load %arg1[%get3A_163] : memref<17xi32, #tpu.memory_space<smem>>
    %broadcast_in_dim3A_165 = vector.broadcast %get3A_164 : i32 to vector<16x1xi32>
    %select_n3A_166 = arith.select %eq3A_162, %broadcast_in_dim3A_165, %select_n3A_159 : vector<16x1xi1>, vector<16x1xi32>
    %eq3A_167 = arith.constant 7 : i32
    %eq3A_168 = vector.broadcast %eq3A_167 : i32 to vector<16x1xi32>
    %eq3A_169 = arith.cmpi eq, %iota3A_115, %eq3A_168 : vector<16x1xi32>
    %get3A_170 = arith.constant 8 : index
    %get3A_171 = memref.load %arg1[%get3A_170] : memref<17xi32, #tpu.memory_space<smem>>
    %broadcast_in_dim3A_172 = vector.broadcast %get3A_171 : i32 to vector<16x1xi32>
    %select_n3A_173 = arith.select %eq3A_169, %broadcast_in_dim3A_172, %select_n3A_166 : vector<16x1xi1>, vector<16x1xi32>
    %eq3A_174 = arith.constant 8 : i32
    %eq3A_175 = vector.broadcast %eq3A_174 : i32 to vector<16x1xi32>
    %eq3A_176 = arith.cmpi eq, %iota3A_115, %eq3A_175 : vector<16x1xi32>
    %get3A_177 = arith.constant 9 : index
    %get3A_178 = memref.load %arg1[%get3A_177] : memref<17xi32, #tpu.memory_space<smem>>
    %broadcast_in_dim3A_179 = vector.broadcast %get3A_178 : i32 to vector<16x1xi32>
    %select_n3A_180 = arith.select %eq3A_176, %broadcast_in_dim3A_179, %select_n3A_173 : vector<16x1xi1>, vector<16x1xi32>
    %eq3A_181 = arith.constant 9 : i32
    %eq3A_182 = vector.broadcast %eq3A_181 : i32 to vector<16x1xi32>
    %eq3A_183 = arith.cmpi eq, %iota3A_115, %eq3A_182 : vector<16x1xi32>
    %get3A_184 = arith.constant 10 : index
    %get3A_185 = memref.load %arg1[%get3A_184] : memref<17xi32, #tpu.memory_space<smem>>
    %broadcast_in_dim3A_186 = vector.broadcast %get3A_185 : i32 to vector<16x1xi32>
    %select_n3A_187 = arith.select %eq3A_183, %broadcast_in_dim3A_186, %select_n3A_180 : vector<16x1xi1>, vector<16x1xi32>
    %eq3A_188 = arith.constant 10 : i32
    %eq3A_189 = vector.broadcast %eq3A_188 : i32 to vector<16x1xi32>
    %eq3A_190 = arith.cmpi eq, %iota3A_115, %eq3A_189 : vector<16x1xi32>
    %get3A_191 = arith.constant 11 : index
    %get3A_192 = memref.load %arg1[%get3A_191] : memref<17xi32, #tpu.memory_space<smem>>
    %broadcast_in_dim3A_193 = vector.broadcast %get3A_192 : i32 to vector<16x1xi32>
    %select_n3A_194 = arith.select %eq3A_190, %broadcast_in_dim3A_193, %select_n3A_187 : vector<16x1xi1>, vector<16x1xi32>
    %eq3A_195 = arith.constant 11 : i32
    %eq3A_196 = vector.broadcast %eq3A_195 : i32 to vector<16x1xi32>
    %eq3A_197 = arith.cmpi eq, %iota3A_115, %eq3A_196 : vector<16x1xi32>
    %get3A_198 = arith.constant 12 : index
    %get3A_199 = memref.load %arg1[%get3A_198] : memref<17xi32, #tpu.memory_space<smem>>
    %broadcast_in_dim3A_200 = vector.broadcast %get3A_199 : i32 to vector<16x1xi32>
    %select_n3A_201 = arith.select %eq3A_197, %broadcast_in_dim3A_200, %select_n3A_194 : vector<16x1xi1>, vector<16x1xi32>
    %eq3A_202 = arith.constant 12 : i32
    %eq3A_203 = vector.broadcast %eq3A_202 : i32 to vector<16x1xi32>
    %eq3A_204 = arith.cmpi eq, %iota3A_115, %eq3A_203 : vector<16x1xi32>
    %get3A_205 = arith.constant 13 : index
    %get3A_206 = memref.load %arg1[%get3A_205] : memref<17xi32, #tpu.memory_space<smem>>
    %broadcast_in_dim3A_207 = vector.broadcast %get3A_206 : i32 to vector<16x1xi32>
    %select_n3A_208 = arith.select %eq3A_204, %broadcast_in_dim3A_207, %select_n3A_201 : vector<16x1xi1>, vector<16x1xi32>
    %eq3A_209 = arith.constant 13 : i32
    %eq3A_210 = vector.broadcast %eq3A_209 : i32 to vector<16x1xi32>
    %eq3A_211 = arith.cmpi eq, %iota3A_115, %eq3A_210 : vector<16x1xi32>
    %get3A_212 = arith.constant 14 : index
    %get3A_213 = memref.load %arg1[%get3A_212] : memref<17xi32, #tpu.memory_space<smem>>
    %broadcast_in_dim3A_214 = vector.broadcast %get3A_213 : i32 to vector<16x1xi32>
    %select_n3A_215 = arith.select %eq3A_211, %broadcast_in_dim3A_214, %select_n3A_208 : vector<16x1xi1>, vector<16x1xi32>
    %eq3A_216 = arith.constant 14 : i32
    %eq3A_217 = vector.broadcast %eq3A_216 : i32 to vector<16x1xi32>
    %eq3A_218 = arith.cmpi eq, %iota3A_115, %eq3A_217 : vector<16x1xi32>
    %get3A_219 = arith.constant 15 : index
    %get3A_220 = memref.load %arg1[%get3A_219] : memref<17xi32, #tpu.memory_space<smem>>
    %broadcast_in_dim3A_221 = vector.broadcast %get3A_220 : i32 to vector<16x1xi32>
    %select_n3A_222 = arith.select %eq3A_218, %broadcast_in_dim3A_221, %select_n3A_215 : vector<16x1xi1>, vector<16x1xi32>
    %eq3A_223 = arith.constant 15 : i32
    %eq3A_224 = vector.broadcast %eq3A_223 : i32 to vector<16x1xi32>
    %eq3A_225 = arith.cmpi eq, %iota3A_115, %eq3A_224 : vector<16x1xi32>
    %get3A_226 = arith.constant 16 : index
    %get3A_227 = memref.load %arg1[%get3A_226] : memref<17xi32, #tpu.memory_space<smem>>
    %broadcast_in_dim3A_228 = vector.broadcast %get3A_227 : i32 to vector<16x1xi32>
    %select_n3A_229 = arith.select %eq3A_225, %broadcast_in_dim3A_228, %select_n3A_222 : vector<16x1xi1>, vector<16x1xi32>
    %sub3A = arith.subi %select_n3A_229, %select_n3A_114 : vector<16x1xi32>
    %convert_element_type3A = arith.sitofp %sub3A : vector<16x1xi32> to vector<16x1xf32>
    %get3A_230 = arith.constant 0 : index
    %get3A_231 = arith.constant 0 : index
    %get3A_232 = vector.load %arg3[%get3A_230, %get3A_231] : memref<16x128xf32, #tpu.memory_space<vmem>>, vector<16x128xf32>
    %dot_general3A = arith.constant dense<0.000000e+00> : vector<16x128xf32>
    %dot_general3A_233 = tpu.matmul %reduce_sum3A_3, %get3A_232, %dot_general3A {dimension_numbers = #tpu.dot_dimension_numbers<[1], [0], [0], [1], [0, 0, 1, 1], [], []>, transpose_lhs_hint = false} : vector<16x16xf32>, vector<16x128xf32>, vector<16x128xf32> -> vector<16x128xf32>
    %get3A_234 = arith.constant 0 : index
    %get3A_235 = arith.constant 0 : index
    %get3A_236 = vector.load %arg4[%get3A_234, %get3A_235] : memref<1x128xf32, #tpu.memory_space<vmem>>, vector<1x128xf32>
    %mul3A = vector.broadcast %convert_element_type3A : vector<16x1xf32> to vector<16x128xf32>
    %mul3A_237 = vector.broadcast %get3A_236 : vector<1x128xf32> to vector<16x128xf32>
    %mul3A_238 = arith.mulf %mul3A, %mul3A_237 : vector<16x128xf32>
    %add3A = arith.addf %dot_general3A_233, %mul3A_238 : vector<16x128xf32>
    %swap3A = arith.constant 0 : index
    %swap3A_239 = arith.constant 0 : index
    %swap3A_240 = vector.load %arg5[%swap3A, %swap3A_239] : memref<16x128xf32, #tpu.memory_space<vmem>>, vector<16x128xf32>
    tpu.vector_store %arg5[%swap3A, %swap3A_239], %add3A {strides = array<i32>} : memref<16x128xf32, #tpu.memory_space<vmem>>, vector<16x128xf32>,
    return
  }
  func.func @transform_0(%arg0: i32, %arg1: memref<17xi32, #tpu.memory_space<smem>>) -> (i32, i32, i32) {
    %c0_i32 = arith.constant 0 : i32
    %c0_i32_0 = arith.constant 0 : i32
    %c0_i32_1 = arith.constant 0 : i32
    %c0_i32_2 = arith.constant 0 : i32
    return %c0_i32, %c0_i32_0, %c0_i32_1 : i32, i32, i32
  }
  func.func @transform_1(%arg0: i32, %arg1: memref<17xi32, #tpu.memory_space<smem>>) -> (i32, i32) {
    %c0_i32 = arith.constant 0 : i32
    %c0_i32_0 = arith.constant 0 : i32
    %c0_i32_1 = arith.constant 0 : i32
    return %c0_i32, %c0_i32_0 : i32, i32
  }
  func.func @transform_2(%arg0: i32, %arg1: memref<17xi32, #tpu.memory_space<smem>>) -> (i32, i32) {
    %c0_i32 = arith.constant 0 : i32
    %c0_i32_0 = arith.constant 0 : i32
    %c0_i32_1 = arith.constant 0 : i32
    return %c0_i32, %c0_i32_0 : i32, i32
  }
  func.func @transform_3(%arg0: i32, %arg1: memref<17xi32, #tpu.memory_space<smem>>) -> (i32, i32) {
    %c0_i32 = arith.constant 0 : i32
    %c0_i32_0 = arith.constant 0 : i32
    %c0_i32_1 = arith.constant 0 : i32
    return %c0_i32, %c0_i32_0 : i32, i32
  }
}

</mosaic_0001>

<sc_bundles>
// kernel: kernel.5.cloned.1.call-start
scs
__scs_entry_jumppad:
0x0: {  	(pc) =	sbr.rel $0x88, $3  }
0x1: {  	(tag) =	ssettag $0x0;
	lr =	simm.s32 $0x1  }
0x2: {  	[smem:$0x3F99] =	sst lr;
	_ =	strace $0xD0000000  }
0x3: {  	_ = 	snop  }
0x4: {  	_ = 	snop  }
0x5: {  	_ = 	snop  }
0x6: {  	_ = 	snop  }
0x7: {  	_ = 	snop  }
__scs_overlays_trampoline_lowered:
0x8: {  	[smem:$0x3FA8] =	sst s0  }
0x9: {  	[smem:$0x3FA9] =	sst s1  }
0xa: {  	[smem:$0x3FAA] =	sst s2  }
0xb: {  	[smem:$0x3FAB] =	sst s3  }
0xc: {  	[smem:$0x3FAC] =	sst s4  }
0xd: {  	[smem:$0x3FAD] =	sst s5  }
0xe: {  	[smem:$0x3FAE] =	sst s6  }
0xf: {  	[smem:$0x3FAF] =	sst s7  }
0x10: {  	[smem:$0x3FB0] =	sst s8  }
0x11: {  	[smem:$0x3FB1] =	sst s9;
	s0 =	simm.s32 @!p0 $0x0  }
0x12: {  	s1 =	sld [smem:$0x3F97];
	s0 =	simm.s32 @p0 $0x1  }
0x13: {  	[smem:$0x3FB2] =	sst s0;
	s0 =	simm.s32 @!p1 $0x0  }
0x14: {  	s2 =	sld [smem:$0x3F96];
	s0 =	simm.s32 @p1 $0x1  }
0x15: {  	[smem:$0x3FB3] =	sst s0;
	s0 =	simm.s32 @!p2 $0x0  }
0x16: {  	s3 =	sld [smem:$0x3FDB];
	s0 =	simm.s32 @p2 $0x1  }
0x17: {  	s4 =	simm.s32 $0x1BF5;
	[smem:$0x3FB5] =	sst s0  }
0x18: {  	s0 =	sld [smem:$0x3F98];
	_ =	swait.ge [sflag:s4], $0x0  }
0x19: {  	s7 =	sld [smem:$0x3F99]  }
0x1a: {  	s8 =	sadd.s32 $0xFFFFE003, lr  }
0x1b: {  	s9 =	sadd.s32 $0xFFFFFEF7, lr;
	s5 =	simm.s32 $0xFFFFFFFF;
	p2 =	slt.u32 s8, $0xFFFFF086  }
0x1c: {  	p1 =	slt.u32 s9, $0xF7A;
	s5 =	simm.s32 @!p2 $0x0  }
0x1d: {  	s5 =	simm.s32 @p1 $0x1;
	p0 =	seq.s32 s7, s2  }
0x1e: {  	s7 =	smul.u32 @!p0 $0xF7A, s2;
	p2 =	seq.s32 @!p0 s5, $0x0  }
0x1f: {  	s9 =	smul.u32 $0xF7A, s1;
	s8 =	simm.s32 @!p0 $0x1BF5;
	p2 =	por !p2, p0  }
0x20: {  	[sflag:s8] =	ssyncset.s32 @!p0 $0xFFFFF086;
	s6 =	sadd.s32 @!p0 s3, s7;
	s7 =	simm.s32 @!p0 $0x108  }
0x21: {  	s3 =	sadd.s32 s3, s9;
	s6 =	sadd.s32 @!p0 $0x88, s6;
	s7 =	simm.s32 @p2 $0x1082  }
0x22: {  	[simem:s7], [sflag:s8] =	dma.local @!p0 [hbm:s6], $0xF7A  }
0x23: {  	s9 =	sor.u32 $0xD0000000, s2;
	s6 =	simm.s32 $0x108;
	_ =	swait.ge @!p0 [sflag:s8], $0x0  }
0x24: {  	s3 =	sadd.s32 $0x88, s3;
	s6 =	simm.s32 @!p1 $0x1082;
	[sflag:s4] =	ssyncset.s32 $0xFFFFF086  }
0x25: {  	[simem:s6], [sflag:s4] =	dma.local [hbm:s3], $0xF7A  }
0x26: {  	[smem:$0x3F99] =	sst s1;
	(tag) =	ssettag s2;
	_ =	strace s9  }
0x27: {  	s1 =	sld [smem:$0x3FA9]  }
0x28: {  	s2 =	sld [smem:$0x3FAA]  }
0x29: {  	s4 =	sld [smem:$0x3FAC]  }
0x2a: {  	p0 =	seq.s32 s5, $0x0;
	s5 =	sld [smem:$0x3FAD]  }
0x2b: {  	s6 =	sld [smem:$0x3FAE]  }
0x2c: {  	s7 =	sld [smem:$0x3FAF]  }
0x2d: {  	s3 =	simm.s32 $0x108;
	s8 =	sld [smem:$0x3FB0]  }
0x2e: {  	s3 =	simm.s32 @!p0 $0x1082;
	s9 =	sld [smem:$0x3FB1]  }
0x2f: {  	lr =	sadd.s32 s0, s3;
	s0 =	sld [smem:$0x3FA8]  }
0x30: {  	s3 =	sld [smem:$0x3FAB]  }
0x31: {  	[smem:$0x3FB4] =	sst s10  }
0x32: {  	s10 =	sld [smem:$0x3FB2];
	_ =	sdelay $0x3  }
0x33: {  	p0 =	seq.s32 s10, $0x1;
	s10 =	sld [smem:$0x3FB4];
	_ =	sdelay $0x3  }
0x34: {  	[smem:$0x3FB4] =	sst s10  }
0x35: {  	s10 =	sld [smem:$0x3FB3];
	_ =	sdelay $0x3  }
0x36: {  	p1 =	seq.s32 s10, $0x1;
	s10 =	sld [smem:$0x3FB4];
	_ =	sdelay $0x3  }
0x37: {  	[smem:$0x3FB4] =	sst s10  }
0x38: {  	s10 =	sld [smem:$0x3FB5]  }
0x39: {  	_ = 	snop;
	(pc) =	sbr.ind lr, $3  }
0x3a: {  	_ = 	snop  }
0x3b: {  	_ = 	snop  }
0x3c: {  	p2 =	seq.s32 s10, $0x1;
	s10 =	sld [smem:$0x3FB4]  }
0x3d: {  	_ =	shalt  }
0x3e: {  	_ =	shalt  }
0x3f: {  	_ =	shalt  }
0x40: {  	_ =	shalt  }
0x41: {  	_ =	shalt  }
0x42: {  	_ =	shalt  }
0x43: {  	_ =	shalt  }
0x44: {  	_ =	shalt  }
0x45: {  	_ =	shalt  }
0x46: {  	_ =	shalt  }
0x47: {  	_ =	shalt  }
0x48: {  	_ =	shalt  }
0x49: {  	_ =	shalt  }
0x4a: {  	_ =	shalt  }
0x4b: {  	_ =	shalt  }
0x4c: {  	_ =	shalt  }
0x4d: {  	_ =	shalt  }
0x4e: {  	_ =	shalt  }
0x4f: {  	_ =	shalt  }
0x50: {  	_ =	shalt  }
0x51: {  	_ =	shalt  }
0x52: {  	_ =	shalt  }
0x53: {  	_ =	shalt  }
0x54: {  	_ =	shalt  }
0x55: {  	_ =	shalt  }
0x56: {  	_ =	shalt  }
0x57: {  	_ =	shalt  }
0x58: {  	_ =	shalt  }
0x59: {  	_ =	shalt  }
0x5a: {  	_ =	shalt  }
0x5b: {  	_ =	shalt  }
0x5c: {  	_ =	shalt  }
0x5d: {  	_ =	shalt  }
0x5e: {  	_ =	shalt  }
0x5f: {  	_ =	shalt  }
0x60: {  	_ =	shalt  }
0x61: {  	_ =	shalt  }
0x62: {  	_ =	shalt  }
0x63: {  	_ =	shalt  }
0x64: {  	_ =	shalt  }
0x65: {  	_ =	shalt  }
0x66: {  	_ =	shalt  }
0x67: {  	_ =	shalt  }
0x68: {  	_ =	shalt  }
0x69: {  	_ =	shalt  }
0x6a: {  	_ =	shalt  }
0x6b: {  	_ =	shalt  }
0x6c: {  	_ =	shalt  }
0x6d: {  	_ =	shalt  }
0x6e: {  	_ =	shalt  }
0x6f: {  	_ =	shalt  }
0x70: {  	_ =	shalt  }
0x71: {  	_ =	shalt  }
0x72: {  	_ =	shalt  }
0x73: {  	_ =	shalt  }
0x74: {  	_ =	shalt  }
0x75: {  	_ =	shalt  }
0x76: {  	_ =	shalt  }
0x77: {  	_ =	shalt  }
0x78: {  	_ =	shalt  }
0x79: {  	_ =	shalt  }
0x7a: {  	_ =	shalt  }
0x7b: {  	_ =	shalt  }
0x7c: {  	_ =	shalt  }
0x7d: {  	_ =	shalt  }
0x7e: {  	_ =	shalt  }
0x7f: {  	_ =	shalt  }
0x80: {  	_ =	shalt  }
0x81: {  	_ =	shalt  }
0x82: {  	_ =	shalt  }
0x83: {  	_ =	shalt  }
0x84: {  	_ =	shalt  }
0x85: {  	_ =	shalt  }
0x86: {  	_ =	shalt  }
0x87: {  	_ =	shalt  }
.Lfunc_end0:
.L_simem_size_0:
called_computation_lowered:
.L_overlay_start_0:
0x88: {  	s2 =	sld [smem:$0x3FD9]  }
0x89: {  	s3 =	sld [smem:$0x3FFE];
	_ =	sdelay $0x1  }
0x8a: {  	s1 =	srdreg.scid  }
0x8b: {  	s0 =	sand.u32 $0x1, s1  }
0x8c: {  	s17 =	sshll.u32 s0, $0xA;
	s2 =	sadd.s32 s3, s2  }
0x8d: {  	s2 =	sadd.s32 s2, s17  }
0x8e: {  	[smem:$0x3FC0] =	sst s2  }
0x8f: {  	_ = 	snop  }
0x90: {  	s2 =	sld [smem:$0x3FD0];
	(tm) =	ssettm $0x1  }
0x91: {  	s18 =	sld [smem:$0x3FFB];
	_ =	sdelay $0x3  }
0x92: {  	_ =	strace s18  }
0x93: {  	s3 =	sld [smem:$0x3FFC];
	_ =	sdelay $0x3  }
0x94: {  	_ =	strace s3  }
0x95: {  	s3 =	sld [smem:$0x3FFD];
	_ =	sdelay $0x3  }
0x96: {  	_ =	strace s3  }
0x97: {  	_ =	strace $0x8FFFFFFF  }
0x98: {  	s19 =	sld [smem:$0x3FDB];
	_ =	sdelay $0x1  }
0x99: {  	s4 =	simm.s32 $_scs_section_size  }
0x9a: {  	s5 =	simm.s32 $_size__tile_overlayer_lowered;
	s6 =	simm.s32 $_tile_overlayer_lowered  }
0x9b: {  	s22 =	simm.s32 $0x1BFF;
	s21 =	sshll.u32 s6, $0x1;
	s3 =	sadd.s32 s4, s19  }
0x9c: {  	s7 =	simm.s32 $0x0;
	s20 =	sshll.u32 s5, $0x1;
	s5 =	sadd.s32 s21, s3  }
0x9d: {  	[timem:s7], [sflag:s22] =	dma.local [hbm:s5], s20  }
0x9e: {  	_ =	swait.ge [sflag:s22], s20  }
0x9f: {  	s4 =	ssub.s32 $0x0, s20;
	[sflag:s22] =	ssyncset.done $0x0  }
0xa0: {  	[sflag:s22] =	ssyncadd.s32 s4;
	_ =	sdelay $0x1  }
0xa1: {  	s23 =	simm.s32 $0x1B8B  }
0xa2: {  	_ =	swait.ge [sflag:s23], $0x1  }
0xa3: {  	[sflag:s23] =	ssyncset.done $0x0  }
0xa4: {  	s25 =	simm.s32 $0x1B8E;
	s24 =	sld [smem:$0x3FFE];
	[sflag:s23] =	ssyncadd.s32 $0xFFFFFFFF  }
0xa5: {  	s26 =	simm.s32 $execute0_lowered;
	[smem:$0x3FD2] =	sst s25  }
0xa6: {  	s5 =	sshll.u32 s26, $0x1;
	_ =	strace $0x80000046;
	[dreg:$0x1] =	wrdreg $0xFFFFFFFF  }
0xa7: {  	s28 =	simm.s32 $_size_execute0_lowered;
	s3 =	sadd.s32 s3, s5;
	[dreg:$0x0] =	wrdreg $0x0  }
0xa8: {  	s5 =	sshll.u32 s28, $0x1;
	[dreg:$0x2] =	wrdreg s3  }
0xa9: {  	[dreg:$0x3] =	wrdreg s5  }
0xaa: {  	[dreg:$0x4] =	wrdreg $0xC0  }
0xab: {  	_ =	task [dreg:s7], $0x5FFFF  }
0xac: {  	[dreg:$0x1] =	wrdreg $0xFFFFFFFF  }
0xad: {  	[dreg:$0x0] =	wrdreg $0x60  }
0xae: {  	[dreg:$0x2] =	wrdreg s24  }
0xaf: {  	[dreg:$0x3] =	wrdreg s2  }
0xb0: {  	[dreg:$0x4] =	wrdreg $0x9  }
0xb1: {  	_ =	task.clear_ibuf [dreg:s7], $0x5FFFF;
	_ =	strace $0x90000046  }
0xb2: {  	s29 =	simm.s32 $0x9;
	_ =	strace $0x80000048  }
0xb3: {  	_ =	swait.ge [sflag:s29], $0x1  }
0xb4: {  	[sflag:s29] =	ssyncadd.s32 $0xFFFFFFFF  }
0xb5: {  	_ =	strace $0x90000048  }
0xb6: {  	_ =	sfence  }
0xb7: {  	s30 =	sld [smem:$0x0];
	_ =	sdelay $0x2  }
0xb8: {  	s31 =	sshll.u32 s1, $0xD;
	s1 =	sshrl.u32 s1, $0x2  }
0xb9: {  	s3 =	sand.u32 $0x4000, s31;
	s1 =	sadd.s32 s1, s30  }
0xba: {  	s0 =	sor.u32 s3, s0;
	s1 =	sshll.u32 s1, $0x11  }
0xbb: {  	s0 =	sor.u32 s1, s0  }
0xbc: {  	s0 =	sadd.s32 $0x8F2B, s0  }
0xbd: {  	[sflag:s0] =	ssyncadd.remote.s32 $0x1  }
0xbe: {  	_ =	sfence.sel $0xFFFF  }
0xbf: {  	[dreg:$0x0] =	wrdreg $0xFFFFFFFF;
	(pc) =	sbr.abs _section_cstart, $3  }
0xc0: {  	[dreg:$0x1] =	wrdreg $0xFFFFFFFF  }
0xc1: {  	_ =	task.clear_ibuf [dreg:s7], $0x2FFFF;
	_ =	strace $0x9FFFFFFF  }
0xc2: {  	(tm) =	ssettm $0x7FFFFFFF  }
0xc3: {  	_ =	shalt  }
tec
execute0_lowered:
.L_overlay_start_1:
0x0: {  	(tag) =	ssettag $0x1  }
0x1: {  	s0 =	rddreg [dreg:$0x0]  }
0x2: {  	s1 =	srdreg.scid;
	s10 =	simm.s32 $0x0;
	s8 =	stileid.u32  }
0x3: {  	s1 =	sand.u32 $0x1, s1;
	[smem:$0x7FF] =	sst s10;
	s3 =	sadd.s32 $0x1600, s0  }
0x4: {  	s4 =	sadd.s32 $0x1400, s0;
	s25 =	sshll.u32 s8, $0xA;
	s28 =	sshll.u32 s8, $0x13  }
0x5: {  	s2 =	sshll.u32 s1, $0x4;
	_ =	strace $0x80000047;
	[dreg:$0x3] =	wrdreg s4  }
0x6: {  	s23 =	ssub.s32 $0x2, s1;
	s26 =	sshll.u32 s1, $0xE;
	s1 =	sshll.u32 s1, $0x17  }
0x7: {  	s2 =	sor.u32 s8, s2;
	s7 =	sshrl.u32 s23, $0x1;
	s29 =	sor.u32 s26, s25  }
0x8: {  	s1 =	sor.u32 s1, s28;
	s22 =	sshll.u32 s2, $0x8;
	s5 =	sshll.u32 s2, $0xA  }
0x9: {  	s2 =	sshll.u32 s2, $0xE;
	s4 =	ssub.s32 s23, s7;
	s26 =	ssub.s32 $0x0, s29  }
0xa: {  	s31 =	sxor.u32 $0xFFFC0000, s1;
	s0 =	sadd.s32 s22, s0;
	s2 =	sadd.s32 s3, s2  }
.Ltmp0:
0xb: {  	s30 =	smax.u32 s4, $0x1;
	[dreg:$0x4] =	wrdreg s2;
	(pc) =	sbr.rel .LBB2_1-.Ltmp0, $4  }
0xc: {  	s6 =	sor.u32 $0x200, s5;
	s28 =	sshra.s32 s31, $0x2;
	[dreg:$0x7] =	wrdreg s30  }
0xd: {  	s24 =	sshll.u32 s6, $0x4;
	s0 =	sadd.s32 $0x81600, s0;
	[dreg:$0x8] =	wrdreg s28  }
0xe: {  	s9 =	sadd.s32 $0x400, s5;
	s2 =	sadd.s32 s3, s24;
	[dreg:$0x6] =	wrdreg s0  }
0xf: {  	s3 =	simm.s32 $0x0;
	[dreg:$0x5] =	wrdreg s2;
	s2 =	simm.s32 $0x1  }
.LBB2_128:
0x10: {  	v0 =	vadd.f32 v1, v0;
	s3 =	rddreg [dreg:$0x9]  }
.LBB2_129:
0x11: {  	v1 =	vld [tilespmem:$0x10880];
	_ =	sdelay $0x4  }
0x12: {  	v0 =	vadd.f32 v1, v0;
	_ =	sdelay $0x1  }
0x13: {  	s0 =	rddreg [dreg:$0x6];
	s1 =	simm.s32 $0x10100;
	s2 =	simm.s32 $0x1;
	[tilespmem:$0x10880] =	vst v0  }
0x14: {  	[hbm4b:s0+s10] =	stream.linear.scatter [tilespmem:s1], [sflag:$0x1], $0x800, $0x38;
	[tilespmem:$0x10900] =	vst v63  }
0x15: {  	_ =	swait.ge [sflag:s2], $0x800  }
0x16: {  	s3 =	sadd.s32 $0x1, s3;
	s31 =	rddreg [dreg:$0x7]  }
0x17: {  	p0 =	sne.s32 s3, s31  }
.Ltmp1:
0x18: {  	_ = 	snop;
	(pc) =	sbr.rel @!p0 .LBB2_130-.Ltmp1, $3  }
0x19: {  	_ =	sdelay $0x1  }
0x1a: {  	[sflag:s2] =	ssyncset.done $0x0  }
0x1b: {  	[sflag:s2] =	ssyncadd.s32 $0xFFFFF800  }
.LBB2_1:
0x1c: {  	[dreg:$0x9] =	wrdreg s3  }
0x1d: {  	s0 =	rddreg [dreg:$0x3];
	s1 =	simm.s32 $0x10000  }
0x1e: {  	[tilespmem:s1], [sflag:$0x1] =	stream.linear.gather [hbm4b:s0+s10], $0x80, $0x38;
	[tilespmem:$0x10900] =	vst v63  }
0x1f: {  	_ =	swait.ge [sflag:s2], $0x80  }
0x20: {  	[sflag:s2] =	ssyncset.done $0x0  }
0x21: {  	[sflag:s2] =	ssyncadd.s32 $0xFFFFFF80  }
0x22: {  	s30 =	simm.s32 $0x10080;
	s29 =	rddreg [dreg:$0x1]  }
0x23: {  	[tilespmem:s30], [sflag:$0x1] =	stream.linear.gather [hbm4b:s29+s10], $0x80, $0x38;
	[tilespmem:$0x10900] =	vst v63  }
0x24: {  	_ =	swait.ge [sflag:s2], $0x80  }
0x25: {  	[sflag:s2] =	ssyncset.done $0x0  }
0x26: {  	v2 =	vimm.f32 $0.0e+00;
	[sflag:s2] =	ssyncadd.s32 $0xFFFFFF80  }
0x27: {  	[tilespmem:$0x10100] =	vst v2  }
0x28: {  	[tilespmem:$0x10180] =	vst v2  }
0x29: {  	[tilespmem:$0x10200] =	vst v2  }
0x2a: {  	[tilespmem:$0x10280] =	vst v2  }
0x2b: {  	[tilespmem:$0x10300] =	vst v2  }
0x2c: {  	[tilespmem:$0x10380] =	vst v2  }
0x2d: {  	[tilespmem:$0x10400] =	vst v2  }
0x2e: {  	[tilespmem:$0x10480] =	vst v2  }
0x2f: {  	[tilespmem:$0x10500] =	vst v2  }
0x30: {  	[tilespmem:$0x10580] =	vst v2  }
0x31: {  	[tilespmem:$0x10600] =	vst v2  }
0x32: {  	[tilespmem:$0x10680] =	vst v2  }
0x33: {  	[tilespmem:$0x10700] =	vst v2  }
0x34: {  	v0 =	vld [tilespmem:$0x10000];
	[tilespmem:$0x10780] =	vst v2  }
0x35: {  	v1 =	vld [tilespmem:$0x10080];
	[tilespmem:$0x10800] =	vst v2  }
0x36: {  	s31 =	rddreg [dreg:$0x4];
	[tilespmem:$0x10880] =	vst v2  }
0x37: {  	[tilespmem:s10], [sflag:$0x1] =	stream.linear.gather [hbm4b:s31+s10], $0x10000, $0x38;
	[tilespmem:$0x10900] =	vst v63  }
0x38: {  	_ =	swait.ge [sflag:s2], $0x10000  }
0x39: {  	(v2sf) =	vpush v0, $0x0  }
0x3a: {  	(v2sf) =	vpush v1, $0x0;
	_ =	sdelay $0xd  }
0x3b: {  	s3 =	spop (v2sf)  }
0x3c: {  	s0 =	smov.u32 s5;
	s25 =	spop (v2sf)  }
0x3d: {  	s1 =	smov.u32 s6;
	p0 =	sgt.s32 s3, s5;
	p1 =	slt.s32 s25, s6  }
0x3e: {  	s0 =	smov.u32 @p0 s3;
	s1 =	smov.u32 @p1 s25  }
0x3f: {  	p0 =	sle.s32 s1, s0  }
.Ltmp2:
0x40: {  	_ = 	snop;
	(pc) =	sbr.rel @p0 .LBB2_5-.Ltmp2, $3  }
0x41: {  	_ =	sdelay $0x1  }
0x42: {  	[sflag:s2] =	ssyncset.done $0x0  }
0x43: {  	v3 =	vimm.f32 $0.0e+00;
	[sflag:s2] =	ssyncadd.s32 $0xFFFF0000;
	[dreg:$0xa] =	wrdreg s3  }
0x44: {  	s1 =	ssub.s32 s1, s0  }
0x45: {  	p0 =	sne.s32 s1, $0x1  }
.Ltmp3:
0x46: {  	_ = 	snop;
	(pc) =	sbr.rel @!p0 .LBB2_4-.Ltmp3, $4  }
0x47: {  	s2 =	sadd.s32 s0, s26  }
0x48: {  	s31 =	sshll.u32 s2, $0x9  }
0x49: {  	s0 =	sshra.s32 s31, $0x2  }
0x4a: {  	v3 =	vimm.f32 $0.0e+00;
	s1 =	sadd.s32 $0xFFFFFFFF, s1;
	v4 =	vld [tilespmem:s0+$0x0]  }
.LBB2_3:
0x4b: {  	p0 =	sne.s32 s1, $0x1  }
.Ltmp4:
0x4c: {  	_ = 	snop;
	(pc) =	sbr.rel @p0 .LBB2_3-.Ltmp4, $3  }
0x4d: {  	_ =	sdelay $0x1  }
0x4e: {  	s1 =	sadd.s32 $0xFFFFFFFF, s1;
	s0 =	sadd.s32 $0x80, s0;
	v3 =	vadd.f32 v4, v3  }
0x4f: {  	v4 =	vld [tilespmem:s0+$0x0]  }
.LBB2_4:
0x50: {  	_ =	sdelay $0x3  }
0x51: {  	v3 =	vadd.f32 v4, v3  }
.LBB2_5:
0x52: {  	(v2sf) =	vpush v0, $0x1  }
0x53: {  	(v2sf) =	vpush v1, $0x1;
	_ =	sdelay $0xd  }
0x54: {  	s2 =	spop (v2sf)  }
0x55: {  	s0 =	smov.u32 s5;
	s3 =	spop (v2sf)  }
0x56: {  	v4 =	vld [tilespmem:$0x10100];
	s1 =	smov.u32 s6;
	p0 =	sgt.s32 s2, s5;
	p1 =	slt.s32 s3, s6  }
0x57: {  	s0 =	smov.u32 @p0 s2;
	s1 =	smov.u32 @p1 s3  }
0x58: {  	p0 =	sle.s32 s1, s0  }
.Ltmp5:
0x59: {  	_ = 	snop;
	(pc) =	sbr.rel @p0 .LBB2_9-.Ltmp5, $4  }
0x5a: {  	_ = 	snop  }
0x5b: {  	v3 =	vadd.f32 v4, v3  }
0x5c: {  	[dreg:$0xb] =	wrdreg s2  }
0x5d: {  	[tilespmem:$0x10100] =	vst v3;
	[dreg:$0xc] =	wrdreg s3  }
0x5e: {  	s1 =	ssub.s32 s1, s0  }
0x5f: {  	p0 =	sne.s32 s1, $0x1  }
.Ltmp6:
0x60: {  	_ = 	snop;
	(pc) =	sbr.rel @!p0 .LBB2_8-.Ltmp6, $4  }
0x61: {  	s2 =	sadd.s32 s0, s26  }
0x62: {  	s31 =	sshll.u32 s2, $0x9  }
0x63: {  	s0 =	sshra.s32 s31, $0x2  }
0x64: {  	v2 =	vimm.f32 $0.0e+00;
	s1 =	sadd.s32 $0xFFFFFFFF, s1;
	v3 =	vld [tilespmem:s0+$0x0]  }
.LBB2_7:
0x65: {  	p0 =	sne.s32 s1, $0x1  }
.Ltmp7:
0x66: {  	_ = 	snop;
	(pc) =	sbr.rel @p0 .LBB2_7-.Ltmp7, $3  }
0x67: {  	_ =	sdelay $0x1  }
0x68: {  	s1 =	sadd.s32 $0xFFFFFFFF, s1;
	s0 =	sadd.s32 $0x80, s0;
	v2 =	vadd.f32 v3, v2  }
0x69: {  	v3 =	vld [tilespmem:s0+$0x0]  }
.LBB2_8:
0x6a: {  	_ =	sdelay $0x3  }
0x6b: {  	v2 =	vadd.f32 v3, v2  }
.LBB2_9:
0x6c: {  	(v2sf) =	vpush v0, $0x2  }
0x6d: {  	(v2sf) =	vpush v1, $0x2;
	_ =	sdelay $0xd  }
0x6e: {  	s2 =	spop (v2sf)  }
0x6f: {  	s0 =	smov.u32 s5;
	s3 =	spop (v2sf)  }
0x70: {  	v3 =	vld [tilespmem:$0x10180];
	s1 =	smov.u32 s6;
	p0 =	sgt.s32 s2, s5;
	p1 =	slt.s32 s3, s6  }
0x71: {  	s0 =	smov.u32 @p0 s2;
	s1 =	smov.u32 @p1 s3  }
0x72: {  	p0 =	sle.s32 s1, s0  }
.Ltmp8:
0x73: {  	_ = 	snop;
	(pc) =	sbr.rel @p0 .LBB2_13-.Ltmp8, $4  }
0x74: {  	_ = 	snop  }
0x75: {  	v2 =	vadd.f32 v3, v2  }
0x76: {  	[dreg:$0xd] =	wrdreg s2  }
0x77: {  	v3 =	vimm.f32 $0.0e+00;
	[tilespmem:$0x10180] =	vst v2;
	v2 =	vimm.f32 $0.0e+00;
	[dreg:$0xe] =	wrdreg s3  }
0x78: {  	s1 =	ssub.s32 s1, s0  }
0x79: {  	p0 =	sne.s32 s1, $0x1  }
.Ltmp9:
0x7a: {  	_ = 	snop;
	(pc) =	sbr.rel @!p0 .LBB2_12-.Ltmp9, $4  }
0x7b: {  	s2 =	sadd.s32 s0, s26  }
0x7c: {  	s31 =	sshll.u32 s2, $0x9  }
0x7d: {  	s0 =	sshra.s32 s31, $0x2  }
0x7e: {  	v3 =	vimm.f32 $0.0e+00;
	s1 =	sadd.s32 $0xFFFFFFFF, s1;
	v4 =	vld [tilespmem:s0+$0x0]  }
.LBB2_11:
0x7f: {  	p0 =	sne.s32 s1, $0x1  }
.Ltmp10:
0x80: {  	_ = 	snop;
	(pc) =	sbr.rel @p0 .LBB2_11-.Ltmp10, $3  }
0x81: {  	_ =	sdelay $0x1  }
0x82: {  	s1 =	sadd.s32 $0xFFFFFFFF, s1;
	s0 =	sadd.s32 $0x80, s0;
	v3 =	vadd.f32 v4, v3  }
0x83: {  	v4 =	vld [tilespmem:s0+$0x0]  }
.LBB2_12:
0x84: {  	_ =	sdelay $0x3  }
0x85: {  	v3 =	vadd.f32 v4, v3  }
.LBB2_13:
0x86: {  	(v2sf) =	vpush v0, $0x3  }
0x87: {  	(v2sf) =	vpush v1, $0x3;
	_ =	sdelay $0xd  }
0x88: {  	s2 =	spop (v2sf)  }
0x89: {  	s0 =	smov.u32 s5;
	s3 =	spop (v2sf)  }
0x8a: {  	v4 =	vld [tilespmem:$0x10200];
	s1 =	smov.u32 s6;
	p0 =	sgt.s32 s2, s5;
	p1 =	slt.s32 s3, s6  }
0x8b: {  	s0 =	smov.u32 @p0 s2;
	s1 =	smov.u32 @p1 s3  }
0x8c: {  	p0 =	sle.s32 s1, s0  }
.Ltmp11:
0x8d: {  	_ = 	snop;
	(pc) =	sbr.rel @p0 .LBB2_17-.Ltmp11, $4  }
0x8e: {  	_ = 	snop  }
0x8f: {  	v3 =	vadd.f32 v4, v3  }
0x90: {  	[dreg:$0xf] =	wrdreg s2  }
0x91: {  	[tilespmem:$0x10200] =	vst v3;
	[dreg:$0x10] =	wrdreg s3  }
0x92: {  	s1 =	ssub.s32 s1, s0  }
0x93: {  	p0 =	sne.s32 s1, $0x1  }
.Ltmp12:
0x94: {  	_ = 	snop;
	(pc) =	sbr.rel @!p0 .LBB2_16-.Ltmp12, $4  }
0x95: {  	s2 =	sadd.s32 s0, s26  }
0x96: {  	s31 =	sshll.u32 s2, $0x9  }
0x97: {  	s0 =	sshra.s32 s31, $0x2  }
0x98: {  	v2 =	vimm.f32 $0.0e+00;
	s1 =	sadd.s32 $0xFFFFFFFF, s1;
	v3 =	vld [tilespmem:s0+$0x0]  }
.LBB2_15:
0x99: {  	p0 =	sne.s32 s1, $0x1  }
.Ltmp13:
0x9a: {  	_ = 	snop;
	(pc) =	sbr.rel @p0 .LBB2_15-.Ltmp13, $3  }
0x9b: {  	_ =	sdelay $0x1  }
0x9c: {  	s1 =	sadd.s32 $0xFFFFFFFF, s1;
	s0 =	sadd.s32 $0x80, s0;
	v2 =	vadd.f32 v3, v2  }
0x9d: {  	v3 =	vld [tilespmem:s0+$0x0]  }
.LBB2_16:
0x9e: {  	_ =	sdelay $0x3  }
0x9f: {  	v2 =	vadd.f32 v3, v2  }
.LBB2_17:
0xa0: {  	(v2sf) =	vpush v0, $0x4  }
0xa1: {  	(v2sf) =	vpush v1, $0x4;
	_ =	sdelay $0xd  }
0xa2: {  	s2 =	spop (v2sf)  }
0xa3: {  	s0 =	smov.u32 s5;
	s29 =	spop (v2sf)  }
0xa4: {  	v3 =	vld [tilespmem:$0x10280];
	s1 =	smov.u32 s6;
	p0 =	sgt.s32 s2, s5;
	p1 =	slt.s32 s29, s6  }
0xa5: {  	s0 =	smov.u32 @p0 s2;
	s1 =	smov.u32 @p1 s29  }
0xa6: {  	p0 =	sle.s32 s1, s0  }
.Ltmp14:
0xa7: {  	_ = 	snop;
	(pc) =	sbr.rel @p0 .LBB2_21-.Ltmp14, $3  }
0xa8: {  	_ = 	snop  }
0xa9: {  	v2 =	vadd.f32 v3, v2;
	_ =	sdelay $0x1  }
0xaa: {  	v3 =	vimm.f32 $0.0e+00;
	[tilespmem:$0x10280] =	vst v2;
	v2 =	vimm.f32 $0.0e+00;
	[dreg:$0x11] =	wrdreg s2  }
0xab: {  	s1 =	ssub.s32 s1, s0  }
0xac: {  	p0 =	sne.s32 s1, $0x1  }
.Ltmp15:
0xad: {  	_ = 	snop;
	(pc) =	sbr.rel @!p0 .LBB2_20-.Ltmp15, $4  }
0xae: {  	s2 =	sadd.s32 s0, s26  }
0xaf: {  	s31 =	sshll.u32 s2, $0x9  }
0xb0: {  	s0 =	sshra.s32 s31, $0x2  }
0xb1: {  	v3 =	vimm.f32 $0.0e+00;
	s1 =	sadd.s32 $0xFFFFFFFF, s1;
	v4 =	vld [tilespmem:s0+$0x0]  }
.LBB2_19:
0xb2: {  	p0 =	sne.s32 s1, $0x1  }
.Ltmp16:
0xb3: {  	_ = 	snop;
	(pc) =	sbr.rel @p0 .LBB2_19-.Ltmp16, $3  }
0xb4: {  	_ =	sdelay $0x1  }
0xb5: {  	s1 =	sadd.s32 $0xFFFFFFFF, s1;
	s0 =	sadd.s32 $0x80, s0;
	v3 =	vadd.f32 v4, v3  }
0xb6: {  	v4 =	vld [tilespmem:s0+$0x0]  }
.LBB2_20:
0xb7: {  	_ =	sdelay $0x3  }
0xb8: {  	v3 =	vadd.f32 v4, v3  }
.LBB2_21:
0xb9: {  	(v2sf) =	vpush v0, $0x5  }
0xba: {  	(v2sf) =	vpush v1, $0x5;
	_ =	sdelay $0xd  }
0xbb: {  	s30 =	spop (v2sf)  }
0xbc: {  	s0 =	smov.u32 s5;
	s31 =	spop (v2sf)  }
0xbd: {  	v4 =	vld [tilespmem:$0x10300];
	s1 =	smov.u32 s6;
	p0 =	sgt.s32 s30, s5;
	p1 =	slt.s32 s31, s6  }
0xbe: {  	s0 =	smov.u32 @p0 s30;
	s1 =	smov.u32 @p1 s31  }
0xbf: {  	p0 =	sle.s32 s1, s0  }
.Ltmp17:
0xc0: {  	_ = 	snop;
	(pc) =	sbr.rel @p0 .LBB2_25-.Ltmp17, $3  }
0xc1: {  	_ = 	snop  }
0xc2: {  	v3 =	vadd.f32 v4, v3;
	_ =	sdelay $0x1  }
0xc3: {  	[tilespmem:$0x10300] =	vst v3  }
0xc4: {  	s1 =	ssub.s32 s1, s0  }
0xc5: {  	p0 =	sne.s32 s1, $0x1  }
.Ltmp18:
0xc6: {  	_ = 	snop;
	(pc) =	sbr.rel @!p0 .LBB2_24-.Ltmp18, $4  }
0xc7: {  	s2 =	sadd.s32 s0, s26  }
0xc8: {  	s28 =	sshll.u32 s2, $0x9  }
0xc9: {  	s0 =	sshra.s32 s28, $0x2  }
0xca: {  	v2 =	vimm.f32 $0.0e+00;
	s1 =	sadd.s32 $0xFFFFFFFF, s1;
	v3 =	vld [tilespmem:s0+$0x0]  }
.LBB2_23:
0xcb: {  	p0 =	sne.s32 s1, $0x1  }
.Ltmp19:
0xcc: {  	_ = 	snop;
	(pc) =	sbr.rel @p0 .LBB2_23-.Ltmp19, $3  }
0xcd: {  	_ =	sdelay $0x1  }
0xce: {  	s1 =	sadd.s32 $0xFFFFFFFF, s1;
	s0 =	sadd.s32 $0x80, s0;
	v2 =	vadd.f32 v3, v2  }
0xcf: {  	v3 =	vld [tilespmem:s0+$0x0]  }
.LBB2_24:
0xd0: {  	_ =	sdelay $0x3  }
0xd1: {  	v2 =	vadd.f32 v3, v2  }
.LBB2_25:
0xd2: {  	(v2sf) =	vpush v0, $0x6  }
0xd3: {  	(v2sf) =	vpush v1, $0x6;
	_ =	sdelay $0xd  }
0xd4: {  	s0 =	spop (v2sf)  }
0xd5: {  	s1 =	smov.u32 s5;
	s2 =	spop (v2sf)  }
0xd6: {  	v3 =	vld [tilespmem:$0x10380];
	s3 =	smov.u32 s6;
	p0 =	sgt.s32 s0, s5;
	p1 =	slt.s32 s2, s6  }
0xd7: {  	s1 =	smov.u32 @p0 s0;
	s3 =	smov.u32 @p1 s2  }
0xd8: {  	p0 =	sle.s32 s3, s1  }
.Ltmp20:
0xd9: {  	_ = 	snop;
	(pc) =	sbr.rel @p0 .LBB2_29-.Ltmp20, $3  }
0xda: {  	_ = 	snop  }
0xdb: {  	v2 =	vadd.f32 v3, v2;
	_ =	sdelay $0x1  }
0xdc: {  	v3 =	vimm.f32 $0.0e+00;
	[tilespmem:$0x10380] =	vst v2;
	v2 =	vimm.f32 $0.0e+00  }
0xdd: {  	s3 =	ssub.s32 s3, s1  }
0xde: {  	p0 =	sne.s32 s3, $0x1  }
.Ltmp21:
0xdf: {  	_ = 	snop;
	(pc) =	sbr.rel @!p0 .LBB2_28-.Ltmp21, $4  }
0xe0: {  	s4 =	sadd.s32 s1, s26  }
0xe1: {  	s28 =	sshll.u32 s4, $0x9  }
0xe2: {  	s1 =	sshra.s32 s28, $0x2  }
0xe3: {  	v3 =	vimm.f32 $0.0e+00;
	s3 =	sadd.s32 $0xFFFFFFFF, s3;
	v4 =	vld [tilespmem:s1+$0x0]  }
.LBB2_27:
0xe4: {  	p0 =	sne.s32 s3, $0x1  }
.Ltmp22:
0xe5: {  	_ = 	snop;
	(pc) =	sbr.rel @p0 .LBB2_27-.Ltmp22, $3  }
0xe6: {  	_ =	sdelay $0x1  }
0xe7: {  	s3 =	sadd.s32 $0xFFFFFFFF, s3;
	s1 =	sadd.s32 $0x80, s1;
	v3 =	vadd.f32 v4, v3  }
0xe8: {  	v4 =	vld [tilespmem:s1+$0x0]  }
.LBB2_28:
0xe9: {  	_ =	sdelay $0x3  }
0xea: {  	v3 =	vadd.f32 v4, v3  }
.LBB2_29:
0xeb: {  	(v2sf) =	vpush v0, $0x7  }
0xec: {  	(v2sf) =	vpush v1, $0x7;
	_ =	sdelay $0xd  }
0xed: {  	s1 =	spop (v2sf)  }
0xee: {  	s3 =	smov.u32 s5;
	s14 =	spop (v2sf)  }
0xef: {  	v4 =	vld [tilespmem:$0x10400];
	s4 =	smov.u32 s6;
	p0 =	sgt.s32 s1, s5;
	p1 =	slt.s32 s14, s6  }
0xf0: {  	s3 =	smov.u32 @p0 s1;
	s4 =	smov.u32 @p1 s14  }
0xf1: {  	p0 =	sle.s32 s4, s3  }
.Ltmp23:
0xf2: {  	_ = 	snop;
	(pc) =	sbr.rel @p0 .LBB2_33-.Ltmp23, $3  }
0xf3: {  	_ = 	snop  }
0xf4: {  	v3 =	vadd.f32 v4, v3;
	_ =	sdelay $0x1  }
0xf5: {  	[tilespmem:$0x10400] =	vst v3  }
0xf6: {  	s4 =	ssub.s32 s4, s3  }
0xf7: {  	p0 =	sne.s32 s4, $0x1  }
.Ltmp24:
0xf8: {  	_ = 	snop;
	(pc) =	sbr.rel @!p0 .LBB2_32-.Ltmp24, $4  }
0xf9: {  	s7 =	sadd.s32 s3, s26  }
0xfa: {  	s28 =	sshll.u32 s7, $0x9  }
0xfb: {  	s3 =	sshra.s32 s28, $0x2  }
0xfc: {  	v2 =	vimm.f32 $0.0e+00;
	s4 =	sadd.s32 $0xFFFFFFFF, s4;
	v3 =	vld [tilespmem:s3+$0x0]  }
.LBB2_31:
0xfd: {  	p0 =	sne.s32 s4, $0x1  }
.Ltmp25:
0xfe: {  	_ = 	snop;
	(pc) =	sbr.rel @p0 .LBB2_31-.Ltmp25, $3  }
0xff: {  	_ =	sdelay $0x1  }
0x100: {  	s4 =	sadd.s32 $0xFFFFFFFF, s4;
	s3 =	sadd.s32 $0x80, s3;
	v2 =	vadd.f32 v3, v2  }
0x101: {  	v3 =	vld [tilespmem:s3+$0x0]  }
.LBB2_32:
0x102: {  	_ =	sdelay $0x3  }
0x103: {  	v2 =	vadd.f32 v3, v2  }
.LBB2_33:
0x104: {  	(v2sf) =	vpush v0, $0x8  }
0x105: {  	(v2sf) =	vpush v1, $0x8;
	_ =	sdelay $0xd  }
0x106: {  	s16 =	spop (v2sf)  }
0x107: {  	s3 =	smov.u32 s5;
	s17 =	spop (v2sf)  }
0x108: {  	v3 =	vld [tilespmem:$0x10480];
	s4 =	smov.u32 s6;
	p0 =	sgt.s32 s16, s5;
	p1 =	slt.s32 s17, s6  }
0x109: {  	s3 =	smov.u32 @p0 s16;
	s4 =	smov.u32 @p1 s17  }
0x10a: {  	p0 =	sle.s32 s4, s3  }
.Ltmp26:
0x10b: {  	_ = 	snop;
	(pc) =	sbr.rel @p0 .LBB2_37-.Ltmp26, $3  }
0x10c: {  	_ = 	snop  }
0x10d: {  	v2 =	vadd.f32 v3, v2;
	_ =	sdelay $0x1  }
0x10e: {  	v3 =	vimm.f32 $0.0e+00;
	[tilespmem:$0x10480] =	vst v2;
	v2 =	vimm.f32 $0.0e+00  }
0x10f: {  	s4 =	ssub.s32 s4, s3  }
0x110: {  	p0 =	sne.s32 s4, $0x1  }
.Ltmp27:
0x111: {  	_ = 	snop;
	(pc) =	sbr.rel @!p0 .LBB2_36-.Ltmp27, $4  }
0x112: {  	s7 =	sadd.s32 s3, s26  }
0x113: {  	s28 =	sshll.u32 s7, $0x9  }
0x114: {  	s3 =	sshra.s32 s28, $0x2  }
0x115: {  	v3 =	vimm.f32 $0.0e+00;
	s4 =	sadd.s32 $0xFFFFFFFF, s4;
	v4 =	vld [tilespmem:s3+$0x0]  }
.LBB2_35:
0x116: {  	p0 =	sne.s32 s4, $0x1  }
.Ltmp28:
0x117: {  	_ = 	snop;
	(pc) =	sbr.rel @p0 .LBB2_35-.Ltmp28, $3  }
0x118: {  	_ =	sdelay $0x1  }
0x119: {  	s4 =	sadd.s32 $0xFFFFFFFF, s4;
	s3 =	sadd.s32 $0x80, s3;
	v3 =	vadd.f32 v4, v3  }
0x11a: {  	v4 =	vld [tilespmem:s3+$0x0]  }
.LBB2_36:
0x11b: {  	_ =	sdelay $0x3  }
0x11c: {  	v3 =	vadd.f32 v4, v3  }
.LBB2_37:
0x11d: {  	(v2sf) =	vpush v0, $0x9  }
0x11e: {  	(v2sf) =	vpush v1, $0x9;
	_ =	sdelay $0xd  }
0x11f: {  	s4 =	spop (v2sf)  }
0x120: {  	s3 =	smov.u32 s5;
	s7 =	spop (v2sf)  }
0x121: {  	v4 =	vld [tilespmem:$0x10500];
	s8 =	smov.u32 s6;
	p0 =	sgt.s32 s4, s5;
	p1 =	slt.s32 s7, s6  }
0x122: {  	s3 =	smov.u32 @p0 s4;
	s8 =	smov.u32 @p1 s7  }
0x123: {  	p0 =	sle.s32 s8, s3  }
.Ltmp29:
0x124: {  	_ = 	snop;
	(pc) =	sbr.rel @p0 .LBB2_41-.Ltmp29, $3  }
0x125: {  	_ = 	snop  }
0x126: {  	v3 =	vadd.f32 v4, v3;
	_ =	sdelay $0x1  }
0x127: {  	[tilespmem:$0x10500] =	vst v3  }
0x128: {  	s8 =	ssub.s32 s8, s3  }
0x129: {  	p0 =	sne.s32 s8, $0x1  }
.Ltmp30:
0x12a: {  	_ = 	snop;
	(pc) =	sbr.rel @!p0 .LBB2_40-.Ltmp30, $4  }
0x12b: {  	s10 =	sadd.s32 s3, s26  }
0x12c: {  	s28 =	sshll.u32 s10, $0x9  }
0x12d: {  	s3 =	sshra.s32 s28, $0x2  }
0x12e: {  	v2 =	vimm.f32 $0.0e+00;
	s8 =	sadd.s32 $0xFFFFFFFF, s8;
	v3 =	vld [tilespmem:s3+$0x0]  }
.LBB2_39:
0x12f: {  	p0 =	sne.s32 s8, $0x1  }
.Ltmp31:
0x130: {  	_ = 	snop;
	(pc) =	sbr.rel @p0 .LBB2_39-.Ltmp31, $3  }
0x131: {  	_ =	sdelay $0x1  }
0x132: {  	s8 =	sadd.s32 $0xFFFFFFFF, s8;
	s3 =	sadd.s32 $0x80, s3;
	v2 =	vadd.f32 v3, v2  }
0x133: {  	v3 =	vld [tilespmem:s3+$0x0]  }
.LBB2_40:
0x134: {  	_ =	sdelay $0x3  }
0x135: {  	v2 =	vadd.f32 v3, v2  }
.LBB2_41:
0x136: {  	(v2sf) =	vpush v0, $0xA  }
0x137: {  	(v2sf) =	vpush v1, $0xA;
	_ =	sdelay $0xd  }
0x138: {  	s8 =	spop (v2sf)  }
0x139: {  	s3 =	smov.u32 s5;
	s10 =	spop (v2sf)  }
0x13a: {  	v3 =	vld [tilespmem:$0x10580];
	s11 =	smov.u32 s6;
	p0 =	sgt.s32 s8, s5;
	p1 =	slt.s32 s10, s6  }
0x13b: {  	s3 =	smov.u32 @p0 s8;
	s11 =	smov.u32 @p1 s10  }
0x13c: {  	p0 =	sle.s32 s11, s3  }
.Ltmp32:
0x13d: {  	_ = 	snop;
	(pc) =	sbr.rel @p0 .LBB2_45-.Ltmp32, $3  }
0x13e: {  	_ = 	snop  }
0x13f: {  	v2 =	vadd.f32 v3, v2;
	_ =	sdelay $0x1  }
0x140: {  	v3 =	vimm.f32 $0.0e+00;
	[tilespmem:$0x10580] =	vst v2;
	v2 =	vimm.f32 $0.0e+00  }
0x141: {  	s11 =	ssub.s32 s11, s3  }
0x142: {  	p0 =	sne.s32 s11, $0x1  }
.Ltmp33:
0x143: {  	_ = 	snop;
	(pc) =	sbr.rel @!p0 .LBB2_44-.Ltmp33, $4  }
0x144: {  	s12 =	sadd.s32 s3, s26  }
0x145: {  	s28 =	sshll.u32 s12, $0x9  }
0x146: {  	s3 =	sshra.s32 s28, $0x2  }
0x147: {  	v3 =	vimm.f32 $0.0e+00;
	s11 =	sadd.s32 $0xFFFFFFFF, s11;
	v4 =	vld [tilespmem:s3+$0x0]  }
.LBB2_43:
0x148: {  	p0 =	sne.s32 s11, $0x1  }
.Ltmp34:
0x149: {  	_ = 	snop;
	(pc) =	sbr.rel @p0 .LBB2_43-.Ltmp34, $3  }
0x14a: {  	_ =	sdelay $0x1  }
0x14b: {  	s11 =	sadd.s32 $0xFFFFFFFF, s11;
	s3 =	sadd.s32 $0x80, s3;
	v3 =	vadd.f32 v4, v3  }
0x14c: {  	v4 =	vld [tilespmem:s3+$0x0]  }
.LBB2_44:
0x14d: {  	_ =	sdelay $0x3  }
0x14e: {  	v3 =	vadd.f32 v4, v3  }
.LBB2_45:
0x14f: {  	(v2sf) =	vpush v0, $0xB  }
0x150: {  	(v2sf) =	vpush v1, $0xB;
	_ =	sdelay $0xd  }
0x151: {  	s11 =	spop (v2sf)  }
0x152: {  	s12 =	smov.u32 s5;
	s3 =	spop (v2sf)  }
0x153: {  	v4 =	vld [tilespmem:$0x10600];
	s13 =	smov.u32 s6;
	p0 =	sgt.s32 s11, s5;
	p1 =	slt.s32 s3, s6  }
0x154: {  	s12 =	smov.u32 @p0 s11;
	s13 =	smov.u32 @p1 s3  }
0x155: {  	p0 =	sle.s32 s13, s12  }
.Ltmp35:
0x156: {  	_ = 	snop;
	(pc) =	sbr.rel @p0 .LBB2_49-.Ltmp35, $3  }
0x157: {  	_ = 	snop  }
0x158: {  	v3 =	vadd.f32 v4, v3;
	_ =	sdelay $0x1  }
0x159: {  	[tilespmem:$0x10600] =	vst v3  }
0x15a: {  	s13 =	ssub.s32 s13, s12  }
0x15b: {  	p0 =	sne.s32 s13, $0x1  }
.Ltmp36:
0x15c: {  	_ = 	snop;
	(pc) =	sbr.rel @!p0 .LBB2_48-.Ltmp36, $4  }
0x15d: {  	s15 =	sadd.s32 s12, s26  }
0x15e: {  	s28 =	sshll.u32 s15, $0x9  }
0x15f: {  	s12 =	sshra.s32 s28, $0x2  }
0x160: {  	v2 =	vimm.f32 $0.0e+00;
	s13 =	sadd.s32 $0xFFFFFFFF, s13;
	v3 =	vld [tilespmem:s12+$0x0]  }
.LBB2_47:
0x161: {  	p0 =	sne.s32 s13, $0x1  }
.Ltmp37:
0x162: {  	_ = 	snop;
	(pc) =	sbr.rel @p0 .LBB2_47-.Ltmp37, $3  }
0x163: {  	_ =	sdelay $0x1  }
0x164: {  	s13 =	sadd.s32 $0xFFFFFFFF, s13;
	s12 =	sadd.s32 $0x80, s12;
	v2 =	vadd.f32 v3, v2  }
0x165: {  	v3 =	vld [tilespmem:s12+$0x0]  }
.LBB2_48:
0x166: {  	_ =	sdelay $0x3  }
0x167: {  	v2 =	vadd.f32 v3, v2  }
.LBB2_49:
0x168: {  	(v2sf) =	vpush v0, $0xC  }
0x169: {  	(v2sf) =	vpush v1, $0xC;
	_ =	sdelay $0xd  }
0x16a: {  	s18 =	spop (v2sf)  }
0x16b: {  	s12 =	smov.u32 s5;
	s15 =	spop (v2sf)  }
0x16c: {  	v3 =	vld [tilespmem:$0x10680];
	s13 =	smov.u32 s6;
	p0 =	sgt.s32 s18, s5;
	p1 =	slt.s32 s15, s6  }
0x16d: {  	s12 =	smov.u32 @p0 s18;
	s13 =	smov.u32 @p1 s15  }
0x16e: {  	p0 =	sle.s32 s13, s12  }
.Ltmp38:
0x16f: {  	_ = 	snop;
	(pc) =	sbr.rel @p0 .LBB2_53-.Ltmp38, $3  }
0x170: {  	_ = 	snop  }
0x171: {  	v2 =	vadd.f32 v3, v2;
	_ =	sdelay $0x1  }
0x172: {  	v3 =	vimm.f32 $0.0e+00;
	[tilespmem:$0x10680] =	vst v2;
	v2 =	vimm.f32 $0.0e+00  }
0x173: {  	s13 =	ssub.s32 s13, s12  }
0x174: {  	p0 =	sne.s32 s13, $0x1  }
.Ltmp39:
0x175: {  	_ = 	snop;
	(pc) =	sbr.rel @!p0 .LBB2_52-.Ltmp39, $4  }
0x176: {  	s19 =	sadd.s32 s12, s26  }
0x177: {  	s28 =	sshll.u32 s19, $0x9  }
0x178: {  	s12 =	sshra.s32 s28, $0x2  }
0x179: {  	v3 =	vimm.f32 $0.0e+00;
	s13 =	sadd.s32 $0xFFFFFFFF, s13;
	v4 =	vld [tilespmem:s12+$0x0]  }
.LBB2_51:
0x17a: {  	p0 =	sne.s32 s13, $0x1  }
.Ltmp40:
0x17b: {  	_ = 	snop;
	(pc) =	sbr.rel @p0 .LBB2_51-.Ltmp40, $3  }
0x17c: {  	_ =	sdelay $0x1  }
0x17d: {  	s13 =	sadd.s32 $0xFFFFFFFF, s13;
	s12 =	sadd.s32 $0x80, s12;
	v3 =	vadd.f32 v4, v3  }
0x17e: {  	v4 =	vld [tilespmem:s12+$0x0]  }
.LBB2_52:
0x17f: {  	_ =	sdelay $0x3  }
0x180: {  	v3 =	vadd.f32 v4, v3  }
.LBB2_53:
0x181: {  	(v2sf) =	vpush v0, $0xD  }
0x182: {  	(v2sf) =	vpush v1, $0xD;
	_ =	sdelay $0xd  }
0x183: {  	s12 =	spop (v2sf)  }
0x184: {  	s19 =	smov.u32 s5;
	s13 =	spop (v2sf)  }
0x185: {  	v4 =	vld [tilespmem:$0x10700];
	s20 =	smov.u32 s6;
	p0 =	sgt.s32 s12, s5;
	p1 =	slt.s32 s13, s6  }
0x186: {  	s19 =	smov.u32 @p0 s12;
	s20 =	smov.u32 @p1 s13  }
0x187: {  	p0 =	sle.s32 s20, s19  }
.Ltmp41:
0x188: {  	_ = 	snop;
	(pc) =	sbr.rel @p0 .LBB2_57-.Ltmp41, $3  }
0x189: {  	_ = 	snop  }
0x18a: {  	v3 =	vadd.f32 v4, v3;
	_ =	sdelay $0x1  }
0x18b: {  	[tilespmem:$0x10700] =	vst v3  }
0x18c: {  	s20 =	ssub.s32 s20, s19  }
0x18d: {  	p0 =	sne.s32 s20, $0x1  }
.Ltmp42:
0x18e: {  	_ = 	snop;
	(pc) =	sbr.rel @!p0 .LBB2_56-.Ltmp42, $4  }
0x18f: {  	s21 =	sadd.s32 s19, s26  }
0x190: {  	s28 =	sshll.u32 s21, $0x9  }
0x191: {  	s19 =	sshra.s32 s28, $0x2  }
0x192: {  	v2 =	vimm.f32 $0.0e+00;
	s20 =	sadd.s32 $0xFFFFFFFF, s20;
	v3 =	vld [tilespmem:s19+$0x0]  }
.LBB2_55:
0x193: {  	p0 =	sne.s32 s20, $0x1  }
.Ltmp43:
0x194: {  	_ = 	snop;
	(pc) =	sbr.rel @p0 .LBB2_55-.Ltmp43, $3  }
0x195: {  	_ =	sdelay $0x1  }
0x196: {  	s20 =	sadd.s32 $0xFFFFFFFF, s20;
	s19 =	sadd.s32 $0x80, s19;
	v2 =	vadd.f32 v3, v2  }
0x197: {  	v3 =	vld [tilespmem:s19+$0x0]  }
.LBB2_56:
0x198: {  	_ =	sdelay $0x3  }
0x199: {  	v2 =	vadd.f32 v3, v2  }
.LBB2_57:
0x19a: {  	(v2sf) =	vpush v0, $0xE  }
0x19b: {  	(v2sf) =	vpush v1, $0xE;
	_ =	sdelay $0xd  }
0x19c: {  	s19 =	spop (v2sf)  }
0x19d: {  	s21 =	smov.u32 s5;
	s20 =	spop (v2sf)  }
0x19e: {  	v3 =	vld [tilespmem:$0x10780];
	s22 =	smov.u32 s6;
	p0 =	sgt.s32 s19, s5;
	p1 =	slt.s32 s20, s6  }
0x19f: {  	s21 =	smov.u32 @p0 s19;
	s22 =	smov.u32 @p1 s20  }
0x1a0: {  	p0 =	sle.s32 s22, s21  }
.Ltmp44:
0x1a1: {  	_ = 	snop;
	(pc) =	sbr.rel @p0 .LBB2_61-.Ltmp44, $3  }
0x1a2: {  	_ = 	snop  }
0x1a3: {  	v2 =	vadd.f32 v3, v2;
	_ =	sdelay $0x1  }
0x1a4: {  	v3 =	vimm.f32 $0.0e+00;
	[tilespmem:$0x10780] =	vst v2;
	v2 =	vimm.f32 $0.0e+00  }
0x1a5: {  	s22 =	ssub.s32 s22, s21  }
0x1a6: {  	p0 =	sne.s32 s22, $0x1  }
.Ltmp45:
0x1a7: {  	_ = 	snop;
	(pc) =	sbr.rel @!p0 .LBB2_60-.Ltmp45, $4  }
0x1a8: {  	s23 =	sadd.s32 s21, s26  }
0x1a9: {  	s28 =	sshll.u32 s23, $0x9  }
0x1aa: {  	s21 =	sshra.s32 s28, $0x2  }
0x1ab: {  	v3 =	vimm.f32 $0.0e+00;
	s22 =	sadd.s32 $0xFFFFFFFF, s22;
	v4 =	vld [tilespmem:s21+$0x0]  }
.LBB2_59:
0x1ac: {  	p0 =	sne.s32 s22, $0x1  }
.Ltmp46:
0x1ad: {  	_ = 	snop;
	(pc) =	sbr.rel @p0 .LBB2_59-.Ltmp46, $3  }
0x1ae: {  	_ =	sdelay $0x1  }
0x1af: {  	s22 =	sadd.s32 $0xFFFFFFFF, s22;
	s21 =	sadd.s32 $0x80, s21;
	v3 =	vadd.f32 v4, v3  }
0x1b0: {  	v4 =	vld [tilespmem:s21+$0x0]  }
.LBB2_60:
0x1b1: {  	_ =	sdelay $0x3  }
0x1b2: {  	v3 =	vadd.f32 v4, v3  }
.LBB2_61:
0x1b3: {  	(v2sf) =	vpush v0, $0xF  }
0x1b4: {  	(v2sf) =	vpush v1, $0xF;
	_ =	sdelay $0xd  }
0x1b5: {  	s21 =	spop (v2sf)  }
0x1b6: {  	s23 =	smov.u32 s5;
	s22 =	spop (v2sf)  }
0x1b7: {  	v0 =	vld [tilespmem:$0x10800];
	s24 =	smov.u32 s6;
	p0 =	sgt.s32 s21, s5;
	p1 =	slt.s32 s22, s6  }
0x1b8: {  	s23 =	smov.u32 @p0 s21;
	s24 =	smov.u32 @p1 s22  }
0x1b9: {  	p0 =	sle.s32 s24, s23  }
.Ltmp47:
0x1ba: {  	_ = 	snop;
	(pc) =	sbr.rel @p0 .LBB2_65-.Ltmp47, $3  }
0x1bb: {  	_ = 	snop  }
0x1bc: {  	v0 =	vadd.f32 v0, v3;
	_ =	sdelay $0x1  }
0x1bd: {  	[tilespmem:$0x10800] =	vst v0  }
0x1be: {  	s24 =	ssub.s32 s24, s23  }
0x1bf: {  	p0 =	sne.s32 s24, $0x1  }
.Ltmp48:
0x1c0: {  	_ = 	snop;
	(pc) =	sbr.rel @!p0 .LBB2_64-.Ltmp48, $4  }
0x1c1: {  	s28 =	smov.u32 s25;
	s25 =	sadd.s32 s23, s26  }
0x1c2: {  	s25 =	sshll.u32 s25, $0x9  }
0x1c3: {  	s23 =	sshra.s32 s25, $0x2  }
0x1c4: {  	v0 =	vimm.f32 $0.0e+00;
	s24 =	sadd.s32 $0xFFFFFFFF, s24;
	v1 =	vld [tilespmem:s23+$0x0]  }
.LBB2_63:
0x1c5: {  	p0 =	sne.s32 s24, $0x1  }
.Ltmp49:
0x1c6: {  	_ = 	snop;
	(pc) =	sbr.rel @p0 .LBB2_63-.Ltmp49, $3  }
0x1c7: {  	_ =	sdelay $0x1  }
0x1c8: {  	s24 =	sadd.s32 $0xFFFFFFFF, s24;
	s23 =	sadd.s32 $0x80, s23;
	v0 =	vadd.f32 v1, v0  }
0x1c9: {  	v1 =	vld [tilespmem:s23+$0x0]  }
.LBB2_64:
0x1ca: {  	_ =	sdelay $0x3  }
0x1cb: {  	s25 =	smov.u32 s28;
	v2 =	vadd.f32 v1, v0  }
.LBB2_65:
0x1cc: {  	v0 =	vld [tilespmem:$0x10880];
	_ =	sdelay $0x4  }
0x1cd: {  	v0 =	vadd.f32 v0, v2  }
0x1ce: {  	s24 =	rddreg [dreg:$0x5]  }
0x1cf: {  	s23 =	simm.s32 $0x0;
	s28 =	rddreg [dreg:$0xa];
	[tilespmem:$0x10880] =	vst v0  }
0x1d0: {  	[tilespmem:s23], [sflag:$0x1] =	stream.linear.gather [hbm4b:s24+s23], $0x10000, $0x38;
	[tilespmem:$0x10900] =	vst v63  }
0x1d1: {  	p1 =	slt.s32 s25, s9;
	p0 =	sgt.s32 s28, s6;
	s23 =	smov.u32 s6  }
0x1d2: {  	s24 =	smov.u32 s9;
	s23 =	smov.u32 @p0 s28;
	s28 =	smov.u32 s25  }
0x1d3: {  	s24 =	smov.u32 @p1 s28  }
0x1d4: {  	p0 =	sle.s32 s24, s23  }
.Ltmp50:
0x1d5: {  	_ = 	snop;
	(pc) =	sbr.rel @p0 .LBB2_69-.Ltmp50, $4  }
0x1d6: {  	s25 =	simm.s32 $0x1  }
0x1d7: {  	_ =	swait.ge [sflag:s25], $0x10000  }
0x1d8: {  	[sflag:s25] =	ssyncset.done $0x0  }
0x1d9: {  	v1 =	vimm.f32 $0.0e+00;
	v0 =	vimm.f32 $0.0e+00;
	[sflag:s25] =	ssyncadd.s32 $0xFFFF0000  }
0x1da: {  	s24 =	ssub.s32 s24, s23  }
0x1db: {  	p0 =	sne.s32 s24, $0x1  }
.Ltmp51:
0x1dc: {  	_ = 	snop;
	(pc) =	sbr.rel @!p0 .LBB2_68-.Ltmp51, $4  }
0x1dd: {  	s25 =	sshll.u32 s23, $0x9  }
0x1de: {  	s28 =	rddreg [dreg:$0x8];
	s25 =	sshra.s32 s25, $0x2  }
0x1df: {  	s23 =	sadd.s32 s25, s28  }
0x1e0: {  	v1 =	vimm.f32 $0.0e+00;
	s24 =	sadd.s32 $0xFFFFFFFF, s24;
	v2 =	vld [tilespmem:s23+$0x0]  }
.LBB2_67:
0x1e1: {  	p0 =	sne.s32 s24, $0x1  }
.Ltmp52:
0x1e2: {  	_ = 	snop;
	(pc) =	sbr.rel @p0 .LBB2_67-.Ltmp52, $3  }
0x1e3: {  	_ =	sdelay $0x1  }
0x1e4: {  	s24 =	sadd.s32 $0xFFFFFFFF, s24;
	s23 =	sadd.s32 $0x80, s23;
	v1 =	vadd.f32 v2, v1  }
0x1e5: {  	v2 =	vld [tilespmem:s23+$0x0]  }
.LBB2_68:
0x1e6: {  	_ =	sdelay $0x3  }
0x1e7: {  	v1 =	vadd.f32 v2, v1  }
.LBB2_69:
0x1e8: {  	s25 =	rddreg [dreg:$0xb]  }
0x1e9: {  	s23 =	smov.u32 s6;
	s28 =	rddreg [dreg:$0xc]  }
0x1ea: {  	v2 =	vld [tilespmem:$0x10100];
	s24 =	smov.u32 s9;
	p0 =	sgt.s32 s25, s6;
	p1 =	slt.s32 s28, s9  }
0x1eb: {  	s23 =	smov.u32 @p0 s25;
	s24 =	smov.u32 @p1 s28  }
0x1ec: {  	p0 =	sle.s32 s24, s23  }
.Ltmp53:
0x1ed: {  	_ = 	snop;
	(pc) =	sbr.rel @p0 .LBB2_73-.Ltmp53, $3  }
0x1ee: {  	_ = 	snop  }
0x1ef: {  	v1 =	vadd.f32 v2, v1;
	_ =	sdelay $0x1  }
0x1f0: {  	[tilespmem:$0x10100] =	vst v1  }
0x1f1: {  	s24 =	ssub.s32 s24, s23  }
0x1f2: {  	p0 =	sne.s32 s24, $0x1  }
.Ltmp54:
0x1f3: {  	_ = 	snop;
	(pc) =	sbr.rel @!p0 .LBB2_72-.Ltmp54, $4  }
0x1f4: {  	s25 =	sshll.u32 s23, $0x9  }
0x1f5: {  	s28 =	rddreg [dreg:$0x8];
	s25 =	sshra.s32 s25, $0x2  }
0x1f6: {  	s23 =	sadd.s32 s25, s28  }
0x1f7: {  	v0 =	vimm.f32 $0.0e+00;
	s24 =	sadd.s32 $0xFFFFFFFF, s24;
	v1 =	vld [tilespmem:s23+$0x0]  }
.LBB2_71:
0x1f8: {  	p0 =	sne.s32 s24, $0x1  }
.Ltmp55:
0x1f9: {  	_ = 	snop;
	(pc) =	sbr.rel @p0 .LBB2_71-.Ltmp55, $3  }
0x1fa: {  	_ =	sdelay $0x1  }
0x1fb: {  	s24 =	sadd.s32 $0xFFFFFFFF, s24;
	s23 =	sadd.s32 $0x80, s23;
	v0 =	vadd.f32 v1, v0  }
0x1fc: {  	v1 =	vld [tilespmem:s23+$0x0]  }
.LBB2_72:
0x1fd: {  	_ =	sdelay $0x3  }
0x1fe: {  	v0 =	vadd.f32 v1, v0  }
.LBB2_73:
0x1ff: {  	s25 =	rddreg [dreg:$0xd]  }
0x200: {  	s23 =	smov.u32 s6;
	s28 =	rddreg [dreg:$0xe]  }
0x201: {  	v1 =	vld [tilespmem:$0x10180];
	s24 =	smov.u32 s9;
	p0 =	sgt.s32 s25, s6;
	p1 =	slt.s32 s28, s9  }
0x202: {  	s23 =	smov.u32 @p0 s25;
	s24 =	smov.u32 @p1 s28  }
0x203: {  	p0 =	sle.s32 s24, s23  }
.Ltmp56:
0x204: {  	_ = 	snop;
	(pc) =	sbr.rel @p0 .LBB2_77-.Ltmp56, $3  }
0x205: {  	_ = 	snop  }
0x206: {  	v0 =	vadd.f32 v1, v0;
	_ =	sdelay $0x1  }
0x207: {  	v1 =	vimm.f32 $0.0e+00;
	[tilespmem:$0x10180] =	vst v0;
	v0 =	vimm.f32 $0.0e+00  }
0x208: {  	s24 =	ssub.s32 s24, s23  }
0x209: {  	p0 =	sne.s32 s24, $0x1  }
.Ltmp57:
0x20a: {  	_ = 	snop;
	(pc) =	sbr.rel @!p0 .LBB2_76-.Ltmp57, $4  }
0x20b: {  	s25 =	sshll.u32 s23, $0x9  }
0x20c: {  	s28 =	rddreg [dreg:$0x8];
	s25 =	sshra.s32 s25, $0x2  }
0x20d: {  	s23 =	sadd.s32 s25, s28  }
0x20e: {  	v1 =	vimm.f32 $0.0e+00;
	s24 =	sadd.s32 $0xFFFFFFFF, s24;
	v2 =	vld [tilespmem:s23+$0x0]  }
.LBB2_75:
0x20f: {  	p0 =	sne.s32 s24, $0x1  }
.Ltmp58:
0x210: {  	_ = 	snop;
	(pc) =	sbr.rel @p0 .LBB2_75-.Ltmp58, $3  }
0x211: {  	_ =	sdelay $0x1  }
0x212: {  	s24 =	sadd.s32 $0xFFFFFFFF, s24;
	s23 =	sadd.s32 $0x80, s23;
	v1 =	vadd.f32 v2, v1  }
0x213: {  	v2 =	vld [tilespmem:s23+$0x0]  }
.LBB2_76:
0x214: {  	_ =	sdelay $0x3  }
0x215: {  	v1 =	vadd.f32 v2, v1  }
.LBB2_77:
0x216: {  	s25 =	rddreg [dreg:$0xf]  }
0x217: {  	s23 =	smov.u32 s6;
	s28 =	rddreg [dreg:$0x10]  }
0x218: {  	v2 =	vld [tilespmem:$0x10200];
	s24 =	smov.u32 s9;
	p0 =	sgt.s32 s25, s6;
	p1 =	slt.s32 s28, s9  }
0x219: {  	s23 =	smov.u32 @p0 s25;
	s24 =	smov.u32 @p1 s28  }
0x21a: {  	p0 =	sle.s32 s24, s23  }
.Ltmp59:
0x21b: {  	_ = 	snop;
	(pc) =	sbr.rel @p0 .LBB2_81-.Ltmp59, $3  }
0x21c: {  	_ = 	snop  }
0x21d: {  	v1 =	vadd.f32 v2, v1;
	_ =	sdelay $0x1  }
0x21e: {  	[tilespmem:$0x10200] =	vst v1  }
0x21f: {  	s24 =	ssub.s32 s24, s23  }
0x220: {  	p0 =	sne.s32 s24, $0x1  }
.Ltmp60:
0x221: {  	_ = 	snop;
	(pc) =	sbr.rel @!p0 .LBB2_80-.Ltmp60, $4  }
0x222: {  	s25 =	sshll.u32 s23, $0x9  }
0x223: {  	s28 =	rddreg [dreg:$0x8];
	s25 =	sshra.s32 s25, $0x2  }
0x224: {  	s23 =	sadd.s32 s25, s28  }
0x225: {  	v0 =	vimm.f32 $0.0e+00;
	s24 =	sadd.s32 $0xFFFFFFFF, s24;
	v1 =	vld [tilespmem:s23+$0x0]  }
.LBB2_79:
0x226: {  	p0 =	sne.s32 s24, $0x1  }
.Ltmp61:
0x227: {  	_ = 	snop;
	(pc) =	sbr.rel @p0 .LBB2_79-.Ltmp61, $3  }
0x228: {  	_ =	sdelay $0x1  }
0x229: {  	s24 =	sadd.s32 $0xFFFFFFFF, s24;
	s23 =	sadd.s32 $0x80, s23;
	v0 =	vadd.f32 v1, v0  }
0x22a: {  	v1 =	vld [tilespmem:s23+$0x0]  }
.LBB2_80:
0x22b: {  	_ =	sdelay $0x3  }
0x22c: {  	v0 =	vadd.f32 v1, v0  }
.LBB2_81:
0x22d: {  	s25 =	rddreg [dreg:$0x11];
	s23 =	smov.u32 s6  }
0x22e: {  	v1 =	vld [tilespmem:$0x10280];
	p1 =	slt.s32 s29, s9;
	s24 =	smov.u32 s9;
	p0 =	sgt.s32 s25, s6  }
0x22f: {  	s24 =	smov.u32 @p1 s29;
	s23 =	smov.u32 @p0 s25  }
0x230: {  	p0 =	sle.s32 s24, s23  }
.Ltmp62:
0x231: {  	_ = 	snop;
	(pc) =	sbr.rel @p0 .LBB2_85-.Ltmp62, $3  }
0x232: {  	_ = 	snop  }
0x233: {  	v0 =	vadd.f32 v1, v0;
	_ =	sdelay $0x1  }
0x234: {  	s28 =	rddreg [dreg:$0x8];
	v1 =	vimm.f32 $0.0e+00;
	[tilespmem:$0x10280] =	vst v0;
	v0 =	vimm.f32 $0.0e+00  }
0x235: {  	s24 =	ssub.s32 s24, s23  }
0x236: {  	p0 =	sne.s32 s24, $0x1  }
.Ltmp63:
0x237: {  	_ = 	snop;
	(pc) =	sbr.rel @!p0 .LBB2_84-.Ltmp63, $4  }
0x238: {  	s25 =	sshll.u32 s23, $0x9  }
0x239: {  	s29 =	sshra.s32 s25, $0x2  }
0x23a: {  	s23 =	sadd.s32 s29, s28  }
0x23b: {  	v1 =	vimm.f32 $0.0e+00;
	s24 =	sadd.s32 $0xFFFFFFFF, s24;
	v2 =	vld [tilespmem:s23+$0x0]  }
.LBB2_83:
0x23c: {  	p0 =	sne.s32 s24, $0x1  }
.Ltmp64:
0x23d: {  	_ = 	snop;
	(pc) =	sbr.rel @p0 .LBB2_83-.Ltmp64, $3  }
0x23e: {  	_ =	sdelay $0x1  }
0x23f: {  	s24 =	sadd.s32 $0xFFFFFFFF, s24;
	s23 =	sadd.s32 $0x80, s23;
	v1 =	vadd.f32 v2, v1  }
0x240: {  	v2 =	vld [tilespmem:s23+$0x0]  }
.LBB2_84:
0x241: {  	_ =	sdelay $0x3  }
0x242: {  	v1 =	vadd.f32 v2, v1  }
.LBB2_85:
0x243: {  	p0 =	sgt.s32 s30, s6  }
0x244: {  	v2 =	vld [tilespmem:$0x10300];
	s23 =	smov.u32 s6;
	p1 =	slt.s32 s31, s9;
	s24 =	smov.u32 s9  }
0x245: {  	s23 =	smov.u32 @p0 s30;
	s24 =	smov.u32 @p1 s31  }
0x246: {  	p0 =	sle.s32 s24, s23  }
.Ltmp65:
0x247: {  	_ = 	snop;
	(pc) =	sbr.rel @p0 .LBB2_89-.Ltmp65, $3  }
0x248: {  	_ = 	snop  }
0x249: {  	v1 =	vadd.f32 v2, v1;
	_ =	sdelay $0x1  }
0x24a: {  	[tilespmem:$0x10300] =	vst v1  }
0x24b: {  	s24 =	ssub.s32 s24, s23  }
0x24c: {  	p0 =	sne.s32 s24, $0x1  }
.Ltmp66:
0x24d: {  	_ = 	snop;
	(pc) =	sbr.rel @!p0 .LBB2_88-.Ltmp66, $4  }
0x24e: {  	s25 =	sshll.u32 s23, $0x9  }
0x24f: {  	s31 =	sshra.s32 s25, $0x2  }
0x250: {  	s23 =	sadd.s32 s31, s28  }
0x251: {  	v0 =	vimm.f32 $0.0e+00;
	s24 =	sadd.s32 $0xFFFFFFFF, s24;
	v1 =	vld [tilespmem:s23+$0x0]  }
.LBB2_87:
0x252: {  	p0 =	sne.s32 s24, $0x1  }
.Ltmp67:
0x253: {  	_ = 	snop;
	(pc) =	sbr.rel @p0 .LBB2_87-.Ltmp67, $3  }
0x254: {  	_ =	sdelay $0x1  }
0x255: {  	s24 =	sadd.s32 $0xFFFFFFFF, s24;
	s23 =	sadd.s32 $0x80, s23;
	v0 =	vadd.f32 v1, v0  }
0x256: {  	v1 =	vld [tilespmem:s23+$0x0]  }
.LBB2_88:
0x257: {  	_ =	sdelay $0x3  }
0x258: {  	v0 =	vadd.f32 v1, v0  }
.LBB2_89:
0x259: {  	p0 =	sgt.s32 s0, s6  }
0x25a: {  	v1 =	vld [tilespmem:$0x10380];
	s23 =	smov.u32 s6;
	p1 =	slt.s32 s2, s9;
	s24 =	smov.u32 s9  }
0x25b: {  	s23 =	smov.u32 @p0 s0;
	s24 =	smov.u32 @p1 s2  }
0x25c: {  	p0 =	sle.s32 s24, s23  }
.Ltmp68:
0x25d: {  	_ = 	snop;
	(pc) =	sbr.rel @p0 .LBB2_93-.Ltmp68, $3  }
0x25e: {  	_ = 	snop  }
0x25f: {  	v0 =	vadd.f32 v1, v0;
	_ =	sdelay $0x1  }
0x260: {  	v1 =	vimm.f32 $0.0e+00;
	[tilespmem:$0x10380] =	vst v0;
	v0 =	vimm.f32 $0.0e+00  }
0x261: {  	s2 =	ssub.s32 s24, s23  }
0x262: {  	p0 =	sne.s32 s2, $0x1  }
.Ltmp69:
0x263: {  	_ = 	snop;
	(pc) =	sbr.rel @!p0 .LBB2_92-.Ltmp69, $4  }
0x264: {  	s0 =	sshll.u32 s23, $0x9  }
0x265: {  	s0 =	sshra.s32 s0, $0x2  }
0x266: {  	s0 =	sadd.s32 s0, s28  }
0x267: {  	v1 =	vimm.f32 $0.0e+00;
	s2 =	sadd.s32 $0xFFFFFFFF, s2;
	v2 =	vld [tilespmem:s0+$0x0]  }
.LBB2_91:
0x268: {  	p0 =	sne.s32 s2, $0x1  }
.Ltmp70:
0x269: {  	_ = 	snop;
	(pc) =	sbr.rel @p0 .LBB2_91-.Ltmp70, $3  }
0x26a: {  	_ =	sdelay $0x1  }
0x26b: {  	s2 =	sadd.s32 $0xFFFFFFFF, s2;
	s0 =	sadd.s32 $0x80, s0;
	v1 =	vadd.f32 v2, v1  }
0x26c: {  	v2 =	vld [tilespmem:s0+$0x0]  }
.LBB2_92:
0x26d: {  	_ =	sdelay $0x3  }
0x26e: {  	v1 =	vadd.f32 v2, v1  }
.LBB2_93:
0x26f: {  	p0 =	sgt.s32 s1, s6  }
0x270: {  	v2 =	vld [tilespmem:$0x10400];
	s0 =	smov.u32 s6;
	p1 =	slt.s32 s14, s9;
	s2 =	smov.u32 s9  }
0x271: {  	s0 =	smov.u32 @p0 s1;
	s2 =	smov.u32 @p1 s14  }
0x272: {  	p0 =	sle.s32 s2, s0  }
.Ltmp71:
0x273: {  	_ = 	snop;
	(pc) =	sbr.rel @p0 .LBB2_97-.Ltmp71, $3  }
0x274: {  	_ = 	snop  }
0x275: {  	v1 =	vadd.f32 v2, v1;
	_ =	sdelay $0x1  }
0x276: {  	[tilespmem:$0x10400] =	vst v1  }
0x277: {  	s2 =	ssub.s32 s2, s0  }
0x278: {  	p0 =	sne.s32 s2, $0x1  }
.Ltmp72:
0x279: {  	_ = 	snop;
	(pc) =	sbr.rel @!p0 .LBB2_96-.Ltmp72, $4  }
0x27a: {  	s1 =	sshll.u32 s0, $0x9  }
0x27b: {  	s31 =	sshra.s32 s1, $0x2  }
0x27c: {  	s0 =	sadd.s32 s31, s28  }
0x27d: {  	v0 =	vimm.f32 $0.0e+00;
	s1 =	sadd.s32 $0xFFFFFFFF, s2;
	v1 =	vld [tilespmem:s0+$0x0]  }
.LBB2_95:
0x27e: {  	p0 =	sne.s32 s1, $0x1  }
.Ltmp73:
0x27f: {  	_ = 	snop;
	(pc) =	sbr.rel @p0 .LBB2_95-.Ltmp73, $3  }
0x280: {  	_ =	sdelay $0x1  }
0x281: {  	s1 =	sadd.s32 $0xFFFFFFFF, s1;
	s0 =	sadd.s32 $0x80, s0;
	v0 =	vadd.f32 v1, v0  }
0x282: {  	v1 =	vld [tilespmem:s0+$0x0]  }
.LBB2_96:
0x283: {  	_ =	sdelay $0x3  }
0x284: {  	v0 =	vadd.f32 v1, v0  }
.LBB2_97:
0x285: {  	p0 =	sgt.s32 s16, s6  }
0x286: {  	v1 =	vld [tilespmem:$0x10480];
	s0 =	smov.u32 s6;
	p1 =	slt.s32 s17, s9;
	s1 =	smov.u32 s9  }
0x287: {  	s0 =	smov.u32 @p0 s16;
	s1 =	smov.u32 @p1 s17  }
0x288: {  	p0 =	sle.s32 s1, s0  }
.Ltmp74:
0x289: {  	_ = 	snop;
	(pc) =	sbr.rel @p0 .LBB2_101-.Ltmp74, $3  }
0x28a: {  	_ = 	snop  }
0x28b: {  	v0 =	vadd.f32 v1, v0;
	_ =	sdelay $0x1  }
0x28c: {  	v1 =	vimm.f32 $0.0e+00;
	[tilespmem:$0x10480] =	vst v0;
	v0 =	vimm.f32 $0.0e+00  }
0x28d: {  	s1 =	ssub.s32 s1, s0  }
0x28e: {  	p0 =	sne.s32 s1, $0x1  }
.Ltmp75:
0x28f: {  	_ = 	snop;
	(pc) =	sbr.rel @!p0 .LBB2_100-.Ltmp75, $4  }
0x290: {  	s2 =	sshll.u32 s0, $0x9  }
0x291: {  	s31 =	sshra.s32 s2, $0x2  }
0x292: {  	s0 =	sadd.s32 s31, s28  }
0x293: {  	v1 =	vimm.f32 $0.0e+00;
	s1 =	sadd.s32 $0xFFFFFFFF, s1;
	v2 =	vld [tilespmem:s0+$0x0]  }
.LBB2_99:
0x294: {  	p0 =	sne.s32 s1, $0x1  }
.Ltmp76:
0x295: {  	_ = 	snop;
	(pc) =	sbr.rel @p0 .LBB2_99-.Ltmp76, $3  }
0x296: {  	_ =	sdelay $0x1  }
0x297: {  	s1 =	sadd.s32 $0xFFFFFFFF, s1;
	s0 =	sadd.s32 $0x80, s0;
	v1 =	vadd.f32 v2, v1  }
0x298: {  	v2 =	vld [tilespmem:s0+$0x0]  }
.LBB2_100:
0x299: {  	_ =	sdelay $0x3  }
0x29a: {  	v1 =	vadd.f32 v2, v1  }
.LBB2_101:
0x29b: {  	p0 =	sgt.s32 s4, s6  }
0x29c: {  	v2 =	vld [tilespmem:$0x10500];
	s0 =	smov.u32 s6;
	p1 =	slt.s32 s7, s9;
	s1 =	smov.u32 s9  }
0x29d: {  	s0 =	smov.u32 @p0 s4;
	s1 =	smov.u32 @p1 s7  }
0x29e: {  	p0 =	sle.s32 s1, s0  }
.Ltmp77:
0x29f: {  	_ = 	snop;
	(pc) =	sbr.rel @p0 .LBB2_105-.Ltmp77, $3  }
0x2a0: {  	_ = 	snop  }
0x2a1: {  	v1 =	vadd.f32 v2, v1;
	_ =	sdelay $0x1  }
0x2a2: {  	[tilespmem:$0x10500] =	vst v1  }
0x2a3: {  	s1 =	ssub.s32 s1, s0  }
0x2a4: {  	p0 =	sne.s32 s1, $0x1  }
.Ltmp78:
0x2a5: {  	_ = 	snop;
	(pc) =	sbr.rel @!p0 .LBB2_104-.Ltmp78, $4  }
0x2a6: {  	s2 =	sshll.u32 s0, $0x9  }
0x2a7: {  	s31 =	sshra.s32 s2, $0x2  }
0x2a8: {  	s0 =	sadd.s32 s31, s28  }
0x2a9: {  	v0 =	vimm.f32 $0.0e+00;
	s1 =	sadd.s32 $0xFFFFFFFF, s1;
	v1 =	vld [tilespmem:s0+$0x0]  }
.LBB2_103:
0x2aa: {  	p0 =	sne.s32 s1, $0x1  }
.Ltmp79:
0x2ab: {  	_ = 	snop;
	(pc) =	sbr.rel @p0 .LBB2_103-.Ltmp79, $3  }
0x2ac: {  	_ =	sdelay $0x1  }
0x2ad: {  	s1 =	sadd.s32 $0xFFFFFFFF, s1;
	s0 =	sadd.s32 $0x80, s0;
	v0 =	vadd.f32 v1, v0  }
0x2ae: {  	v1 =	vld [tilespmem:s0+$0x0]  }
.LBB2_104:
0x2af: {  	_ =	sdelay $0x3  }
0x2b0: {  	v0 =	vadd.f32 v1, v0  }
.LBB2_105:
0x2b1: {  	p0 =	sgt.s32 s8, s6  }
0x2b2: {  	v1 =	vld [tilespmem:$0x10580];
	s0 =	smov.u32 s6;
	p1 =	slt.s32 s10, s9;
	s1 =	smov.u32 s9  }
0x2b3: {  	s0 =	smov.u32 @p0 s8;
	s1 =	smov.u32 @p1 s10  }
0x2b4: {  	p0 =	sle.s32 s1, s0  }
.Ltmp80:
0x2b5: {  	_ = 	snop;
	(pc) =	sbr.rel @p0 .LBB2_109-.Ltmp80, $3  }
0x2b6: {  	_ = 	snop  }
0x2b7: {  	v0 =	vadd.f32 v1, v0;
	_ =	sdelay $0x1  }
0x2b8: {  	s10 =	simm.s32 $0x0;
	v1 =	vimm.f32 $0.0e+00;
	[tilespmem:$0x10580] =	vst v0;
	v0 =	vimm.f32 $0.0e+00  }
0x2b9: {  	s1 =	ssub.s32 s1, s0  }
0x2ba: {  	p0 =	sne.s32 s1, $0x1  }
.Ltmp81:
0x2bb: {  	_ = 	snop;
	(pc) =	sbr.rel @!p0 .LBB2_108-.Ltmp81, $4  }
0x2bc: {  	s2 =	sshll.u32 s0, $0x9  }
0x2bd: {  	s31 =	sshra.s32 s2, $0x2  }
0x2be: {  	s0 =	sadd.s32 s31, s28  }
0x2bf: {  	v1 =	vimm.f32 $0.0e+00;
	s1 =	sadd.s32 $0xFFFFFFFF, s1;
	v2 =	vld [tilespmem:s0+$0x0]  }
.LBB2_107:
0x2c0: {  	p0 =	sne.s32 s1, $0x1  }
.Ltmp82:
0x2c1: {  	_ = 	snop;
	(pc) =	sbr.rel @p0 .LBB2_107-.Ltmp82, $3  }
0x2c2: {  	_ =	sdelay $0x1  }
0x2c3: {  	s1 =	sadd.s32 $0xFFFFFFFF, s1;
	s0 =	sadd.s32 $0x80, s0;
	v1 =	vadd.f32 v2, v1  }
0x2c4: {  	v2 =	vld [tilespmem:s0+$0x0]  }
.LBB2_108:
0x2c5: {  	_ =	sdelay $0x3  }
0x2c6: {  	v1 =	vadd.f32 v2, v1  }
.LBB2_109:
0x2c7: {  	p0 =	sgt.s32 s11, s6  }
0x2c8: {  	v2 =	vld [tilespmem:$0x10600];
	s0 =	smov.u32 s6;
	p1 =	slt.s32 s3, s9;
	s1 =	smov.u32 s9  }
0x2c9: {  	s0 =	smov.u32 @p0 s11;
	s1 =	smov.u32 @p1 s3  }
0x2ca: {  	p0 =	sle.s32 s1, s0  }
.Ltmp83:
0x2cb: {  	_ = 	snop;
	(pc) =	sbr.rel @p0 .LBB2_113-.Ltmp83, $3  }
0x2cc: {  	_ = 	snop  }
0x2cd: {  	v1 =	vadd.f32 v2, v1;
	_ =	sdelay $0x1  }
0x2ce: {  	[tilespmem:$0x10600] =	vst v1  }
0x2cf: {  	s1 =	ssub.s32 s1, s0  }
0x2d0: {  	p0 =	sne.s32 s1, $0x1  }
.Ltmp84:
0x2d1: {  	_ = 	snop;
	(pc) =	sbr.rel @!p0 .LBB2_112-.Ltmp84, $4  }
0x2d2: {  	s2 =	sshll.u32 s0, $0x9  }
0x2d3: {  	s31 =	sshra.s32 s2, $0x2  }
0x2d4: {  	s0 =	sadd.s32 s31, s28  }
0x2d5: {  	v0 =	vimm.f32 $0.0e+00;
	s1 =	sadd.s32 $0xFFFFFFFF, s1;
	v1 =	vld [tilespmem:s0+$0x0]  }
.LBB2_111:
0x2d6: {  	p0 =	sne.s32 s1, $0x1  }
.Ltmp85:
0x2d7: {  	_ = 	snop;
	(pc) =	sbr.rel @p0 .LBB2_111-.Ltmp85, $3  }
0x2d8: {  	_ =	sdelay $0x1  }
0x2d9: {  	s1 =	sadd.s32 $0xFFFFFFFF, s1;
	s0 =	sadd.s32 $0x80, s0;
	v0 =	vadd.f32 v1, v0  }
0x2da: {  	v1 =	vld [tilespmem:s0+$0x0]  }
.LBB2_112:
0x2db: {  	_ =	sdelay $0x3  }
0x2dc: {  	v0 =	vadd.f32 v1, v0  }
.LBB2_113:
0x2dd: {  	p0 =	sgt.s32 s18, s6  }
0x2de: {  	v1 =	vld [tilespmem:$0x10680];
	s0 =	smov.u32 s6;
	p1 =	slt.s32 s15, s9;
	s1 =	smov.u32 s9  }
0x2df: {  	s0 =	smov.u32 @p0 s18;
	s1 =	smov.u32 @p1 s15  }
0x2e0: {  	p0 =	sle.s32 s1, s0  }
.Ltmp86:
0x2e1: {  	_ = 	snop;
	(pc) =	sbr.rel @p0 .LBB2_117-.Ltmp86, $3  }
0x2e2: {  	_ = 	snop  }
0x2e3: {  	v0 =	vadd.f32 v1, v0;
	_ =	sdelay $0x1  }
0x2e4: {  	v1 =	vimm.f32 $0.0e+00;
	[tilespmem:$0x10680] =	vst v0;
	v0 =	vimm.f32 $0.0e+00  }
0x2e5: {  	s1 =	ssub.s32 s1, s0  }
0x2e6: {  	p0 =	sne.s32 s1, $0x1  }
.Ltmp87:
0x2e7: {  	_ = 	snop;
	(pc) =	sbr.rel @!p0 .LBB2_116-.Ltmp87, $4  }
0x2e8: {  	s2 =	sshll.u32 s0, $0x9  }
0x2e9: {  	s31 =	sshra.s32 s2, $0x2  }
0x2ea: {  	s0 =	sadd.s32 s31, s28  }
0x2eb: {  	v1 =	vimm.f32 $0.0e+00;
	s1 =	sadd.s32 $0xFFFFFFFF, s1;
	v2 =	vld [tilespmem:s0+$0x0]  }
.LBB2_115:
0x2ec: {  	p0 =	sne.s32 s1, $0x1  }
.Ltmp88:
0x2ed: {  	_ = 	snop;
	(pc) =	sbr.rel @p0 .LBB2_115-.Ltmp88, $3  }
0x2ee: {  	_ =	sdelay $0x1  }
0x2ef: {  	s1 =	sadd.s32 $0xFFFFFFFF, s1;
	s0 =	sadd.s32 $0x80, s0;
	v1 =	vadd.f32 v2, v1  }
0x2f0: {  	v2 =	vld [tilespmem:s0+$0x0]  }
.LBB2_116:
0x2f1: {  	_ =	sdelay $0x3  }
0x2f2: {  	v1 =	vadd.f32 v2, v1  }
.LBB2_117:
0x2f3: {  	p0 =	sgt.s32 s12, s6  }
0x2f4: {  	v2 =	vld [tilespmem:$0x10700];
	s0 =	smov.u32 s6;
	p1 =	slt.s32 s13, s9;
	s1 =	smov.u32 s9  }
0x2f5: {  	s0 =	smov.u32 @p0 s12;
	s1 =	smov.u32 @p1 s13  }
0x2f6: {  	p0 =	sle.s32 s1, s0  }
.Ltmp89:
0x2f7: {  	_ = 	snop;
	(pc) =	sbr.rel @p0 .LBB2_121-.Ltmp89, $3  }
0x2f8: {  	_ = 	snop  }
0x2f9: {  	v1 =	vadd.f32 v2, v1;
	_ =	sdelay $0x1  }
0x2fa: {  	[tilespmem:$0x10700] =	vst v1  }
0x2fb: {  	s1 =	ssub.s32 s1, s0  }
0x2fc: {  	p0 =	sne.s32 s1, $0x1  }
.Ltmp90:
0x2fd: {  	_ = 	snop;
	(pc) =	sbr.rel @!p0 .LBB2_120-.Ltmp90, $4  }
0x2fe: {  	s2 =	sshll.u32 s0, $0x9  }
0x2ff: {  	s31 =	sshra.s32 s2, $0x2  }
0x300: {  	s0 =	sadd.s32 s31, s28  }
0x301: {  	v0 =	vimm.f32 $0.0e+00;
	s1 =	sadd.s32 $0xFFFFFFFF, s1;
	v1 =	vld [tilespmem:s0+$0x0]  }
.LBB2_119:
0x302: {  	p0 =	sne.s32 s1, $0x1  }
.Ltmp91:
0x303: {  	_ = 	snop;
	(pc) =	sbr.rel @p0 .LBB2_119-.Ltmp91, $3  }
0x304: {  	_ =	sdelay $0x1  }
0x305: {  	s1 =	sadd.s32 $0xFFFFFFFF, s1;
	s0 =	sadd.s32 $0x80, s0;
	v0 =	vadd.f32 v1, v0  }
0x306: {  	v1 =	vld [tilespmem:s0+$0x0]  }
.LBB2_120:
0x307: {  	_ =	sdelay $0x3  }
0x308: {  	v0 =	vadd.f32 v1, v0  }
.LBB2_121:
0x309: {  	p0 =	sgt.s32 s19, s6  }
0x30a: {  	v1 =	vld [tilespmem:$0x10780];
	s0 =	smov.u32 s6;
	p1 =	slt.s32 s20, s9;
	s1 =	smov.u32 s9  }
0x30b: {  	s0 =	smov.u32 @p0 s19;
	s1 =	smov.u32 @p1 s20  }
0x30c: {  	p0 =	sle.s32 s1, s0  }
.Ltmp92:
0x30d: {  	_ = 	snop;
	(pc) =	sbr.rel @p0 .LBB2_125-.Ltmp92, $3  }
0x30e: {  	_ = 	snop  }
0x30f: {  	v0 =	vadd.f32 v1, v0;
	_ =	sdelay $0x1  }
0x310: {  	v1 =	vimm.f32 $0.0e+00;
	[tilespmem:$0x10780] =	vst v0;
	v0 =	vimm.f32 $0.0e+00  }
0x311: {  	s1 =	ssub.s32 s1, s0  }
0x312: {  	p0 =	sne.s32 s1, $0x1  }
.Ltmp93:
0x313: {  	_ = 	snop;
	(pc) =	sbr.rel @!p0 .LBB2_124-.Ltmp93, $4  }
0x314: {  	s2 =	sshll.u32 s0, $0x9  }
0x315: {  	s31 =	sshra.s32 s2, $0x2  }
0x316: {  	s0 =	sadd.s32 s31, s28  }
0x317: {  	v1 =	vimm.f32 $0.0e+00;
	s1 =	sadd.s32 $0xFFFFFFFF, s1;
	v2 =	vld [tilespmem:s0+$0x0]  }
.LBB2_123:
0x318: {  	p0 =	sne.s32 s1, $0x1  }
.Ltmp94:
0x319: {  	_ = 	snop;
	(pc) =	sbr.rel @p0 .LBB2_123-.Ltmp94, $3  }
0x31a: {  	_ =	sdelay $0x1  }
0x31b: {  	s1 =	sadd.s32 $0xFFFFFFFF, s1;
	s0 =	sadd.s32 $0x80, s0;
	v1 =	vadd.f32 v2, v1  }
0x31c: {  	v2 =	vld [tilespmem:s0+$0x0]  }
.LBB2_124:
0x31d: {  	_ =	sdelay $0x3  }
0x31e: {  	v1 =	vadd.f32 v2, v1  }
.LBB2_125:
0x31f: {  	p0 =	sgt.s32 s21, s6  }
0x320: {  	v2 =	vld [tilespmem:$0x10800];
	s0 =	smov.u32 s6;
	p1 =	slt.s32 s22, s9;
	s1 =	smov.u32 s9  }
0x321: {  	s0 =	smov.u32 @p0 s21;
	s1 =	smov.u32 @p1 s22  }
0x322: {  	p0 =	sle.s32 s1, s0  }
.Ltmp95:
0x323: {  	_ = 	snop;
	(pc) =	sbr.rel @p0 .LBB2_129-.Ltmp95, $3  }
0x324: {  	_ = 	snop  }
0x325: {  	v1 =	vadd.f32 v2, v1;
	_ =	sdelay $0x1  }
0x326: {  	s3 =	rddreg [dreg:$0x9];
	[tilespmem:$0x10800] =	vst v1  }
0x327: {  	s2 =	sshll.u32 s0, $0x9  }
0x328: {  	s1 =	ssub.s32 s1, s0;
	s31 =	sshra.s32 s2, $0x2  }
0x329: {  	p0 =	sne.s32 s1, $0x1;
	s0 =	sadd.s32 s31, s28  }
.Ltmp96:
0x32a: {  	v1 =	vld [tilespmem:s0+$0x0];
	(pc) =	sbr.rel @!p0 .LBB2_128-.Ltmp96, $2  }
0x32b: {  	_ =	sdelay $0x2  }
0x32c: {  	v0 =	vimm.f32 $0.0e+00;
	s1 =	sadd.s32 $0xFFFFFFFF, s1  }
.LBB2_127:
0x32d: {  	p0 =	sne.s32 s1, $0x1  }
.Ltmp97:
0x32e: {  	_ = 	snop;
	(pc) =	sbr.rel @p0 .LBB2_127-.Ltmp97, $3  }
0x32f: {  	_ =	sdelay $0x1  }
0x330: {  	s1 =	sadd.s32 $0xFFFFFFFF, s1;
	v0 =	vadd.f32 v1, v0;
	s0 =	sadd.s32 $0x80, s0  }
0x331: {  	v1 =	vld [tilespmem:s0+$0x0]  }
.Ltmp98:
0x332: {  	_ = 	snop;
	(pc) =	sbr.rel .LBB2_128-.Ltmp98, $1  }
0x333: {  	_ =	sdelay $0x3  }
.LBB2_130:
0x334: {  	_ =	sfence.sel $0x180000  }
0x335: {  	[bflag:$0x0] =	sbarrier.arrive $0xFFFF  }
0x336: {  	_ =	strace $0x90000047  }
0x337: {  	s0 =	stileid.u32;
	[bflag:$0x2] =	sbarrier.arrive $0xFFFF  }
0x338: {  	p0 =	sne.s32 s0, $0x0;
	s0 =	rddreg [dreg:$0x2]  }
0x339: {  	s0 =	sadd.s32 @!p0 $0x100000, s0  }
0x33a: {  	[sflag:s0] =	ssyncadd.tile.s32 @!p0 $0x1;
	_ =	shalt  }
.Lfunc_end2:
_tile_overlayer_lowered:
.L_overlay_start_2:
0x33b: {  	(tag) =	ssettag $0x2  }
0x33c: {  	s0 =	rddreg [dreg:$0x0];
	s2 =	stileid.u32  }
0x33d: {  	s1 =	rddreg [dreg:$0x1];
	p0 =	sne.s32 s2, $0x0  }
0x33e: {  	s3 =	rddreg [dreg:$0x2];
	[bflag:$0x3] =	sbarrier.arrive $0xFFFF;
	s2 =	simm.s32 @!p0 $0x1C01  }
0x33f: {  	[timem:s3], [sflag:s2] =	dma.local @!p0 [hbm:s0], s1  }
0x340: {  	s0 =	simm.s32 @!p0 $0x1  }
0x341: {  	_ =	swait.ge @!p0 [sflag:s0], s1  }
0x342: {  	s1 =	ssub.s32 @!p0 $0x0, s1;
	[sflag:s0] =	ssyncset.done @!p0 $0x0  }
0x343: {  	[sflag:s0] =	ssyncadd.s32 @!p0 s1  }
0x344: {  	[bflag:$0x3] =	sbarrier.arrive $0xFFFF  }
0x345: {  	_ =	shalt  }

</sc_bundles>
